<compile_context>
chip_gen: v7x
topology: tpu7x:2x2x1
jax: 0.10.2.dev20260603
libtpu: 0.0.44.dev20260713+nightly
codegen_flags: <defaults>
</compile_context>

<pallas_src>
import functools

import jax
import jax.numpy as jnp
from jax import lax
from jax.experimental import pallas as pl
from jax.experimental.pallas import tpu as pltpu
from jax.experimental.pallas import tpu_sc as plsc

_N, _E = 10000, 320000
_GD = 32
_EV = 20480
_E2 = _EV * 16
_NC, _NS = 2, 16
_EGA = 4
_CGA = 8
_RPA = _EV // _EGA
_RPD = _EV // 32
_CH = 512

_mesh = plsc.VectorSubcoreMesh(
    core_axis_name="c", subcore_axis_name="s", num_cores=_NC, num_subcores=_NS
)


_SLB = 4 * _N
_ECH = _CH * 16
_EPA = _E2 // _EGA
_EPD = _E2 // 32


@functools.partial(
    pl.kernel,
    out_type=jax.ShapeDtypeStruct((_EGA * _CGA * _SLB,), jnp.float32),
    mesh=_mesh,
    scratch_types=[
        [pltpu.VMEM((_N,), jnp.float32)] * 4,
        [pltpu.VMEM((_N,), jnp.float32)] * 4,
        pltpu.VMEM((_ECH,), jnp.int32),
        pltpu.VMEM((_ECH,), jnp.int32),
    ],
    compiler_params=pltpu.CompilerParams(needs_layout_passes=False),
)
def _sc_aggregate_body(gt_hbm, src_hbm, dst_hbm, zeros_hbm, out_hbm,
                       tbl_v, acc_v, src_v, dst_v):
    c = lax.axis_index("c")
    s = lax.axis_index("s")
    wid = s * _NC + c
    eg = wid // _CGA
    cg = wid % _CGA
    for t in range(4):
        pltpu.sync_copy(gt_hbm.at[pl.ds(cg * _SLB + t * _N, _N)], tbl_v[t])
        pltpu.sync_copy(zeros_hbm, acc_v[t])
    ebase = eg * _EPA

    zf = jnp.zeros((16,), jnp.float32)
    zi = jnp.zeros((16,), jnp.int32)

    @pl.loop(0, _EPA // _ECH, init_carry=(zf, zf, zf, zf, zi))
    def _chunks(ch, carry):
        pltpu.sync_copy(src_hbm.at[pl.ds(ebase + ch * _ECH, _ECH)], src_v)
        pltpu.sync_copy(dst_hbm.at[pl.ds(ebase + ch * _ECH, _ECH)], dst_v)

        @pl.loop(0, _CH, init_carry=carry, unroll=8)
        def _rows(r, cy):
            pv0, pv1, pv2, pv3, pdst = cy
            for t, pv in enumerate((pv0, pv1, pv2, pv3)):
                plsc.addupdate_scatter(acc_v[t], [pdst], pv)
            srcv = src_v[pl.ds(r * 16, 16)]
            dstv = dst_v[pl.ds(r * 16, 16)]
            m = srcv >= 0
            srcc = jnp.maximum(srcv, 0)
            dstc = jnp.maximum(dstv, 0)
            nv = []
            for t in range(4):
                g = plsc.load_gather(tbl_v[t], [srcc])
                nv.append(jnp.where(m, g, 0.0))
            return (nv[0], nv[1], nv[2], nv[3], dstc)

        return _rows

    fv0, fv1, fv2, fv3, fdst = _chunks
    for t, fv in enumerate((fv0, fv1, fv2, fv3)):
        plsc.addupdate_scatter(acc_v[t], [fdst], fv)

    for t in range(4):
        pltpu.sync_copy(acc_v[t], out_hbm.at[pl.ds(wid * _SLB + t * _N, _N)])


@functools.partial(
    pl.kernel,
    out_type=jax.ShapeDtypeStruct((32 * _N,), jnp.float32),
    mesh=_mesh,
    scratch_types=[
        pltpu.VMEM((_N,), jnp.float32),
        pltpu.VMEM((_EPD,), jnp.int32),
    ],
    compiler_params=pltpu.CompilerParams(needs_layout_passes=False),
)
def _sc_degree_body(dst_hbm, zeros_hbm, out_hbm, acc_v, dst_v):
    c = lax.axis_index("c")
    s = lax.axis_index("s")
    wid = s * _NC + c
    pltpu.sync_copy(zeros_hbm, acc_v)
    pltpu.sync_copy(dst_hbm.at[pl.ds(wid * _EPD, _EPD)], dst_v)

    @pl.loop(0, _EPD // 16, unroll=4)
    def _rows(r):
        dstv = dst_v[pl.ds(r * 16, 16)]
        m = dstv >= 0
        dstc = jnp.maximum(dstv, 0)
        one16 = jnp.full((16,), 1.0, jnp.float32)
        plsc.addupdate_scatter(acc_v, [dstc], one16, mask=m)

    pltpu.sync_copy(acc_v, out_hbm.at[pl.ds(wid * _N, _N)])




def _embed_body(x_ref, s_ref, r_ref, we1_ref, be1_ref, we2_ref, be2_ref,
                wg1_ref, z1_ref):
    sub = jnp.dot(s_ref[...], r_ref[...], preferred_element_type=jnp.float32)
    h = jnp.concatenate([x_ref[...], sub], axis=1)
    t = jnp.tanh(jnp.dot(h, we1_ref[...], preferred_element_type=jnp.float32)
                 + be1_ref[...])
    h2 = jnp.tanh(jnp.dot(t, we2_ref[...], preferred_element_type=jnp.float32)
                  + be2_ref[...])
    z1_ref[...] = jnp.dot(h2, wg1_ref[...],
                          preferred_element_type=jnp.float32).T


_embed_call = pl.pallas_call(
    _embed_body,
    out_shape=jax.ShapeDtypeStruct((_GD, _N), jnp.float32),
)


def _scale_body(d_ref, z1_ref, dinv_ref, g_ref):
    deg = jnp.sum(d_ref[...], axis=0, keepdims=True) + 1.0
    dinvT = lax.rsqrt(deg)
    dinv_ref[...] = dinvT
    g_ref[...] = dinvT * z1_ref[...]


_scale_call = pl.pallas_call(
    _scale_body,
    out_shape=[
        jax.ShapeDtypeStruct((1, _N), jnp.float32),
        jax.ShapeDtypeStruct((_GD, _N), jnp.float32),
    ],
)


def _agg_from_parts(p_ref):
    parts = []
    for b in range(_CGA):
        parts.append(p_ref[0, b] + p_ref[1, b] + p_ref[2, b] + p_ref[3, b])
    return jnp.concatenate(parts, axis=0)


def _layer_body(p_ref, g_ref, dinv_ref, b_ref, w_ref, gout_ref):
    dinvT = dinv_ref[...]
    aggT = _agg_from_parts(p_ref)
    hT = jnp.maximum(dinvT * (aggT + g_ref[...]) + b_ref[...], 0.0)
    gout_ref[...] = dinvT * jnp.dot(w_ref[...].T, hT,
                                    preferred_element_type=jnp.float32)


_layer_call = pl.pallas_call(
    _layer_body,
    out_shape=jax.ShapeDtypeStruct((_GD, _N), jnp.float32),
)


def _final_body(p_ref, g_ref, dinv_ref, b3_ref, wp1_ref, bp1_ref, wp2_ref,
                bp2_ref, pri_ref, out_ref):
    dinvT = dinv_ref[...]
    aggT = _agg_from_parts(p_ref)
    hT = jnp.maximum(dinvT * (aggT + g_ref[...]) + b3_ref[...], 0.0)
    h = hT.T
    t = jnp.tanh(jnp.dot(h, wp1_ref[...], preferred_element_type=jnp.float32)
                 + bp1_ref[...])
    o = jnp.tanh(jnp.dot(t, wp2_ref[...], preferred_element_type=jnp.float32)
                 + bp2_ref[...])
    out_ref[...] = o + pri_ref[...]


_final_call = pl.pallas_call(
    _final_body,
    out_shape=jax.ShapeDtypeStruct((_N, 16), jnp.float32),
)


def kernel(x, edge_index, priors, S, R, We1, be1, We2, be2,
           Wg1, bg1, Wg2, bg2, Wg3, bg3, Wp1, bp1, Wp2, bp2):
    f32, i32 = jnp.float32, jnp.int32
    pad = _E2 - _E
    srcp = jnp.concatenate([edge_index[0], jnp.full((pad,), -1, i32)])
    dstp = jnp.concatenate([edge_index[1], jnp.full((pad,), -1, i32)])
    zeros1 = jnp.zeros((_N,), f32)

    degp = _sc_degree_body(dstp, zeros1).reshape(32, _N)
    z1T = _embed_call(x, S, R, We1, be1.reshape(1, -1), We2,
                      be2.reshape(1, -1), Wg1)
    dinvT, g1T = _scale_call(degp, z1T)

    def _agg(gT):
        p = _sc_aggregate_body(gT.reshape(-1), srcp, dstp, zeros1)
        return p.reshape(_EGA, _CGA, 4, _N)

    p = _agg(g1T)
    g2T = _layer_call(p, g1T, dinvT, bg1.reshape(-1, 1), Wg2)
    p = _agg(g2T)
    g3T = _layer_call(p, g2T, dinvT, bg2.reshape(-1, 1), Wg3)
    p = _agg(g3T)
    out = _final_call(p, g3T, dinvT, bg3.reshape(-1, 1), Wp1,
                      bp1.reshape(1, -1), Wp2, bp2.reshape(1, -1), priors)
    return out

# --- scband reference (transcript-rebuilt; emitter-appended) ---
"""Pipeline reference for scband-reddit-skip-63848983822724 (READ-ONLY COPY).

The authoritative reference and input builder live on the scoring server;
editing this copy changes nothing except your own understanding.
"""

import jax, jax.numpy as jnp
import numpy as np

N = 10000
E = 320000
NUM_SUBS = 128
D_FEAT = 128
SUB_REP = 64
OUT_DIM = 16
HID_EMBED = 64
GCN_DIM = 32


def _lin_params(key, fan_in, fan_out):
    k1, k2 = jax.random.split(key)
    bound = 1.0 / float(np.sqrt(fan_in))
    W = jax.random.uniform(k1, (fan_in, fan_out), minval=-bound, maxval=bound, dtype=jnp.float32)
    b = jax.random.uniform(k2, (fan_out,), minval=-bound, maxval=bound, dtype=jnp.float32)
    return W, b


def setup_inputs(seed: int = 0):
    key = jax.random.key(seed)
    ks = jax.random.split(key, 16)
    inp = {}
    inp["x"] = jax.random.normal(ks[0], (N, D_FEAT), dtype=jnp.float32)
    inp["edge_index"] = jax.random.randint(ks[1], (2, E), 0, N, dtype=jnp.int32)
    inp["priors"] = jax.random.normal(ks[2], (N, OUT_DIM), dtype=jnp.float32)
    inp["S"] = jax.random.uniform(ks[3], (N, NUM_SUBS), dtype=jnp.float32)
    inp["R"] = jax.random.uniform(ks[4], (NUM_SUBS, SUB_REP), dtype=jnp.float32)
    inp["We1"], inp["be1"] = _lin_params(ks[5], D_FEAT + SUB_REP, HID_EMBED)
    inp["We2"], inp["be2"] = _lin_params(ks[6], HID_EMBED, GCN_DIM)
    inp["Wg1"], inp["bg1"] = _lin_params(ks[7], GCN_DIM, GCN_DIM)
    inp["Wg2"], inp["bg2"] = _lin_params(ks[8], GCN_DIM, GCN_DIM)
    inp["Wg3"], inp["bg3"] = _lin_params(ks[9], GCN_DIM, GCN_DIM)
    inp["Wp1"], inp["bp1"] = _lin_params(ks[10], GCN_DIM, GCN_DIM)
    inp["Wp2"], inp["bp2"] = _lin_params(ks[11], GCN_DIM, OUT_DIM)
    return inp


def _mlp(x, W1, b1, W2, b2):
    return jnp.tanh(jnp.tanh(x @ W1 + b1) @ W2 + b2)


def _gcn(h, src, dst, W, b):
    h = h @ W
    deg = jax.ops.segment_sum(jnp.ones_like(dst, dtype=h.dtype), dst, num_segments=N)
    dinv = jax.lax.rsqrt(jnp.maximum(deg, 1.0))
    norm = dinv[src] * dinv[dst]
    msg = h[src] * norm[:, None]
    return jax.ops.segment_sum(msg, dst, num_segments=N) + b


def reference(x, edge_index, priors, S, R, We1, be1, We2, be2, Wg1, bg1, Wg2, bg2, Wg3, bg3, Wp1, bp1, Wp2, bp2):
    # AggregateSubreddits: sub_agg = S @ R, concat with x
    sub_agg = S @ R
    h = jnp.concatenate([x, sub_agg], axis=1)
    # MLP_embed (dropout is identity in eval mode)
    h = _mlp(h, We1, be1, We2, be2)
    # GCNConv layers with self-loops and symmetric normalization
    loops = jnp.arange(N, dtype=edge_index.dtype)
    src = jnp.concatenate([edge_index[0], loops])
    dst = jnp.concatenate([edge_index[1], loops])
    h = jax.nn.relu(_gcn(h, src, dst, Wg1, bg1))
    h = jax.nn.relu(_gcn(h, src, dst, Wg2, bg2))
    h = jax.nn.relu(_gcn(h, src, dst, Wg3, bg3))
    out = _mlp(h, Wp1, bp1, Wp2, bp2)
    return out + priors

if __name__ == "__main__":
    import jax
    _d = setup_inputs()
    print(jax.jit(kernel)(*tuple(_d.values())))

</pallas_src>

<mosaic_0001>
#map = affine_map<(d0, d1) -> (0)>
module attributes {stable_mosaic.version = 14 : i64} {
  func.func @_sc_aggregate_body(%arg0: i32, %arg1: i32, %arg2: memref<320000xf32, #tpu.memory_space<hbm>>, %arg3: memref<327680xi32, #tpu.memory_space<hbm>>, %arg4: memref<327680xi32, #tpu.memory_space<hbm>>, %arg5: memref<10000xf32, #tpu.memory_space<hbm>>, %arg6: memref<1280000xf32, #tpu.memory_space<hbm>>, %arg7: memref<10000xf32, #tpu.memory_space<vmem>>, %arg8: memref<10000xf32, #tpu.memory_space<vmem>>, %arg9: memref<10000xf32, #tpu.memory_space<vmem>>, %arg10: memref<10000xf32, #tpu.memory_space<vmem>>, %arg11: memref<10000xf32, #tpu.memory_space<vmem>>, %arg12: memref<10000xf32, #tpu.memory_space<vmem>>, %arg13: memref<10000xf32, #tpu.memory_space<vmem>>, %arg14: memref<10000xf32, #tpu.memory_space<vmem>>, %arg15: memref<8192xi32, #tpu.memory_space<vmem>>, %arg16: memref<8192xi32, #tpu.memory_space<vmem>>) attributes {dimension_semantics = [#tpu.dimension_semantics<core_parallel>, #tpu.dimension_semantics<subcore_parallel>], iteration_bounds = array<i64: 2, 16>, scalar_prefetch = 0 : i64, scratch_operands = 10 : i64, tpu.core_type = #tpu.core_type<sc_vector_subcore>, window_params = [{transform_indices = #map}, {transform_indices = #map}, {transform_indices = #map}, {transform_indices = #map}, {transform_indices = #map}]} {
    %mul3A = arith.constant 2 : i32
    %mul3A_0 = arith.muli %arg1, %mul3A : i32
    %add3A = arith.addi %mul3A_0, %arg0 : i32
    %jit3A = arith.constant 8 : i32
    %div3A = arith.divsi %add3A, %jit3A : i32
    %sign3A = arith.constant 0 : i32
    %sign3A_1 = arith.cmpi sgt, %add3A, %sign3A : i32
    %sign3A_2 = arith.extui %sign3A_1 : i1 to i32
    %sign3A_3 = arith.constant 0 : i32
    %sign3A_4 = arith.cmpi slt, %add3A, %sign3A_3 : i32
    %sign3A_5 = arith.extui %sign3A_4 : i1 to i32
    %sign3A_6 = arith.subi %sign3A_2, %sign3A_5 : i32
    %sign3A_7 = arith.constant 0 : i32
    %sign3A_8 = arith.cmpi sgt, %jit3A, %sign3A_7 : i32
    %sign3A_9 = arith.extui %sign3A_8 : i1 to i32
    %sign3A_10 = arith.constant 0 : i32
    %sign3A_11 = arith.cmpi slt, %jit3A, %sign3A_10 : i32
    %sign3A_12 = arith.extui %sign3A_11 : i1 to i32
    %sign3A_13 = arith.subi %sign3A_9, %sign3A_12 : i32
    %ne3A = arith.cmpi ne, %sign3A_6, %sign3A_13 : i32
    %rem3A = arith.remsi %add3A, %jit3A : i32
    %ne3A_14 = arith.constant 0 : i32
    %ne3A_15 = arith.cmpi ne, %rem3A, %ne3A_14 : i32
    %and3A = arith.andi %ne3A, %ne3A_15 : i1
    %sub3A = arith.constant 1 : i32
    %sub3A_16 = arith.subi %div3A, %sub3A : i32
    %select_n3A = arith.select %and3A, %sub3A_16, %div3A : i32
    %jit3A_17 = arith.constant 8 : i32
    %eq3A = arith.constant 0 : i32
    %eq3A_18 = arith.cmpi eq, %jit3A_17, %eq3A : i32
    %jit3A_19 = arith.constant 1 : i32
    %select_n3A_20 = arith.select %eq3A_18, %jit3A_19, %jit3A_17 : i32
    %rem3A_21 = arith.remsi %add3A, %select_n3A_20 : i32
    %ne3A_22 = arith.constant 0 : i32
    %ne3A_23 = arith.cmpi ne, %rem3A_21, %ne3A_22 : i32
    %lt3A = arith.constant 0 : i32
    %lt3A_24 = arith.cmpi slt, %rem3A_21, %lt3A : i32
    %lt3A_25 = arith.constant 0 : i32
    %lt3A_26 = arith.cmpi slt, %select_n3A_20, %lt3A_25 : i32
    %ne3A_27 = arith.xori %lt3A_24, %lt3A_26 : i1
    %and3A_28 = arith.andi %ne3A_27, %ne3A_23 : i1
    %add3A_29 = arith.addi %rem3A_21, %select_n3A_20 : i32
    %select_n3A_30 = arith.select %and3A_28, %add3A_29, %rem3A_21 : i32
    %mul3A_31 = arith.constant 40000 : i32
    %mul3A_32 = arith.muli %select_n3A_30, %mul3A_31 : i32
    %add3A_33 = arith.constant 0 : i32
    %add3A_34 = arith.addi %mul3A_32, %add3A_33 : i32
    "tpu.region"() ({
      %run_scoped3A = tpu.sem_alloc : memref<!tpu.dma_semaphore, #tpu.memory_space<semaphore_mem>>
      %dma_start3A = tpu.memref_slice %arg2[%add3A_34] : memref<320000xf32, #tpu.memory_space<hbm>> -> memref<10000xf32, #tpu.memory_space<hbm>>
      %dma_start3A_73 = tpu.memref_slice %arg2[%add3A_34] : memref<320000xf32, #tpu.memory_space<hbm>> -> memref<10000xf32, #tpu.memory_space<hbm>>
      tpu.enqueue_dma source(%dma_start3A_73 : memref<10000xf32, #tpu.memory_space<hbm>>) target(%arg7 : memref<10000xf32, #tpu.memory_space<vmem>>) target_semaphore(%run_scoped3A : memref<!tpu.dma_semaphore, #tpu.memory_space<semaphore_mem>>)
      %dma_wait3A = tpu.memref_slice %arg2[%add3A_34] : memref<320000xf32, #tpu.memory_space<hbm>> -> memref<10000xf32, #tpu.memory_space<hbm>>
      %dma_wait3A_74 = tpu.memref_slice %arg2[%add3A_34] : memref<320000xf32, #tpu.memory_space<hbm>> -> memref<10000xf32, #tpu.memory_space<hbm>>
      tpu.wait_dma2 semaphore(%run_scoped3A : memref<!tpu.dma_semaphore, #tpu.memory_space<semaphore_mem>>) src(%dma_wait3A_74 : memref<10000xf32, #tpu.memory_space<hbm>>) dst(%arg7 : memref<10000xf32, #tpu.memory_space<vmem>>)
      tpu.yield
    }) : () -> ()
    "tpu.region"() ({
      %run_scoped3A = tpu.sem_alloc : memref<!tpu.dma_semaphore, #tpu.memory_space<semaphore_mem>>
      tpu.enqueue_dma source(%arg5 : memref<10000xf32, #tpu.memory_space<hbm>>) target(%arg11 : memref<10000xf32, #tpu.memory_space<vmem>>) target_semaphore(%run_scoped3A : memref<!tpu.dma_semaphore, #tpu.memory_space<semaphore_mem>>)
      tpu.wait_dma2 semaphore(%run_scoped3A : memref<!tpu.dma_semaphore, #tpu.memory_space<semaphore_mem>>) src(%arg5 : memref<10000xf32, #tpu.memory_space<hbm>>) dst(%arg11 : memref<10000xf32, #tpu.memory_space<vmem>>)
      tpu.yield
    }) : () -> ()
    %mul3A_35 = arith.constant 40000 : i32
    %mul3A_36 = arith.muli %select_n3A_30, %mul3A_35 : i32
    %add3A_37 = arith.constant 10000 : i32
    %add3A_38 = arith.addi %mul3A_36, %add3A_37 : i32
    "tpu.region"() ({
      %run_scoped3A = tpu.sem_alloc : memref<!tpu.dma_semaphore, #tpu.memory_space<semaphore_mem>>
      %dma_start3A = tpu.memref_slice %arg2[%add3A_38] : memref<320000xf32, #tpu.memory_space<hbm>> -> memref<10000xf32, #tpu.memory_space<hbm>>
      %dma_start3A_73 = tpu.memref_slice %arg2[%add3A_38] : memref<320000xf32, #tpu.memory_space<hbm>> -> memref<10000xf32, #tpu.memory_space<hbm>>
      tpu.enqueue_dma source(%dma_start3A_73 : memref<10000xf32, #tpu.memory_space<hbm>>) target(%arg8 : memref<10000xf32, #tpu.memory_space<vmem>>) target_semaphore(%run_scoped3A : memref<!tpu.dma_semaphore, #tpu.memory_space<semaphore_mem>>)
      %dma_wait3A = tpu.memref_slice %arg2[%add3A_38] : memref<320000xf32, #tpu.memory_space<hbm>> -> memref<10000xf32, #tpu.memory_space<hbm>>
      %dma_wait3A_74 = tpu.memref_slice %arg2[%add3A_38] : memref<320000xf32, #tpu.memory_space<hbm>> -> memref<10000xf32, #tpu.memory_space<hbm>>
      tpu.wait_dma2 semaphore(%run_scoped3A : memref<!tpu.dma_semaphore, #tpu.memory_space<semaphore_mem>>) src(%dma_wait3A_74 : memref<10000xf32, #tpu.memory_space<hbm>>) dst(%arg8 : memref<10000xf32, #tpu.memory_space<vmem>>)
      tpu.yield
    }) : () -> ()
    "tpu.region"() ({
      %run_scoped3A = tpu.sem_alloc : memref<!tpu.dma_semaphore, #tpu.memory_space<semaphore_mem>>
      tpu.enqueue_dma source(%arg5 : memref<10000xf32, #tpu.memory_space<hbm>>) target(%arg12 : memref<10000xf32, #tpu.memory_space<vmem>>) target_semaphore(%run_scoped3A : memref<!tpu.dma_semaphore, #tpu.memory_space<semaphore_mem>>)
      tpu.wait_dma2 semaphore(%run_scoped3A : memref<!tpu.dma_semaphore, #tpu.memory_space<semaphore_mem>>) src(%arg5 : memref<10000xf32, #tpu.memory_space<hbm>>) dst(%arg12 : memref<10000xf32, #tpu.memory_space<vmem>>)
      tpu.yield
    }) : () -> ()
    %mul3A_39 = arith.constant 40000 : i32
    %mul3A_40 = arith.muli %select_n3A_30, %mul3A_39 : i32
    %add3A_41 = arith.constant 20000 : i32
    %add3A_42 = arith.addi %mul3A_40, %add3A_41 : i32
    "tpu.region"() ({
      %run_scoped3A = tpu.sem_alloc : memref<!tpu.dma_semaphore, #tpu.memory_space<semaphore_mem>>
      %dma_start3A = tpu.memref_slice %arg2[%add3A_42] : memref<320000xf32, #tpu.memory_space<hbm>> -> memref<10000xf32, #tpu.memory_space<hbm>>
      %dma_start3A_73 = tpu.memref_slice %arg2[%add3A_42] : memref<320000xf32, #tpu.memory_space<hbm>> -> memref<10000xf32, #tpu.memory_space<hbm>>
      tpu.enqueue_dma source(%dma_start3A_73 : memref<10000xf32, #tpu.memory_space<hbm>>) target(%arg9 : memref<10000xf32, #tpu.memory_space<vmem>>) target_semaphore(%run_scoped3A : memref<!tpu.dma_semaphore, #tpu.memory_space<semaphore_mem>>)
      %dma_wait3A = tpu.memref_slice %arg2[%add3A_42] : memref<320000xf32, #tpu.memory_space<hbm>> -> memref<10000xf32, #tpu.memory_space<hbm>>
      %dma_wait3A_74 = tpu.memref_slice %arg2[%add3A_42] : memref<320000xf32, #tpu.memory_space<hbm>> -> memref<10000xf32, #tpu.memory_space<hbm>>
      tpu.wait_dma2 semaphore(%run_scoped3A : memref<!tpu.dma_semaphore, #tpu.memory_space<semaphore_mem>>) src(%dma_wait3A_74 : memref<10000xf32, #tpu.memory_space<hbm>>) dst(%arg9 : memref<10000xf32, #tpu.memory_space<vmem>>)
      tpu.yield
    }) : () -> ()
    "tpu.region"() ({
      %run_scoped3A = tpu.sem_alloc : memref<!tpu.dma_semaphore, #tpu.memory_space<semaphore_mem>>
      tpu.enqueue_dma source(%arg5 : memref<10000xf32, #tpu.memory_space<hbm>>) target(%arg13 : memref<10000xf32, #tpu.memory_space<vmem>>) target_semaphore(%run_scoped3A : memref<!tpu.dma_semaphore, #tpu.memory_space<semaphore_mem>>)
      tpu.wait_dma2 semaphore(%run_scoped3A : memref<!tpu.dma_semaphore, #tpu.memory_space<semaphore_mem>>) src(%arg5 : memref<10000xf32, #tpu.memory_space<hbm>>) dst(%arg13 : memref<10000xf32, #tpu.memory_space<vmem>>)
      tpu.yield
    }) : () -> ()
    %mul3A_43 = arith.constant 40000 : i32
    %mul3A_44 = arith.muli %select_n3A_30, %mul3A_43 : i32
    %add3A_45 = arith.constant 30000 : i32
    %add3A_46 = arith.addi %mul3A_44, %add3A_45 : i32
    "tpu.region"() ({
      %run_scoped3A = tpu.sem_alloc : memref<!tpu.dma_semaphore, #tpu.memory_space<semaphore_mem>>
      %dma_start3A = tpu.memref_slice %arg2[%add3A_46] : memref<320000xf32, #tpu.memory_space<hbm>> -> memref<10000xf32, #tpu.memory_space<hbm>>
      %dma_start3A_73 = tpu.memref_slice %arg2[%add3A_46] : memref<320000xf32, #tpu.memory_space<hbm>> -> memref<10000xf32, #tpu.memory_space<hbm>>
      tpu.enqueue_dma source(%dma_start3A_73 : memref<10000xf32, #tpu.memory_space<hbm>>) target(%arg10 : memref<10000xf32, #tpu.memory_space<vmem>>) target_semaphore(%run_scoped3A : memref<!tpu.dma_semaphore, #tpu.memory_space<semaphore_mem>>)
      %dma_wait3A = tpu.memref_slice %arg2[%add3A_46] : memref<320000xf32, #tpu.memory_space<hbm>> -> memref<10000xf32, #tpu.memory_space<hbm>>
      %dma_wait3A_74 = tpu.memref_slice %arg2[%add3A_46] : memref<320000xf32, #tpu.memory_space<hbm>> -> memref<10000xf32, #tpu.memory_space<hbm>>
      tpu.wait_dma2 semaphore(%run_scoped3A : memref<!tpu.dma_semaphore, #tpu.memory_space<semaphore_mem>>) src(%dma_wait3A_74 : memref<10000xf32, #tpu.memory_space<hbm>>) dst(%arg10 : memref<10000xf32, #tpu.memory_space<vmem>>)
      tpu.yield
    }) : () -> ()
    "tpu.region"() ({
      %run_scoped3A = tpu.sem_alloc : memref<!tpu.dma_semaphore, #tpu.memory_space<semaphore_mem>>
      tpu.enqueue_dma source(%arg5 : memref<10000xf32, #tpu.memory_space<hbm>>) target(%arg14 : memref<10000xf32, #tpu.memory_space<vmem>>) target_semaphore(%run_scoped3A : memref<!tpu.dma_semaphore, #tpu.memory_space<semaphore_mem>>)
      tpu.wait_dma2 semaphore(%run_scoped3A : memref<!tpu.dma_semaphore, #tpu.memory_space<semaphore_mem>>) src(%arg5 : memref<10000xf32, #tpu.memory_space<hbm>>) dst(%arg14 : memref<10000xf32, #tpu.memory_space<vmem>>)
      tpu.yield
    }) : () -> ()
    %mul3A_47 = arith.constant 81920 : i32
    %mul3A_48 = arith.muli %select_n3A, %mul3A_47 : i32
    %broadcast_in_dim3A = arith.constant 0.000000e+00 : f32
    %broadcast_in_dim3A_49 = vector.broadcast %broadcast_in_dim3A : f32 to vector<16xf32>
    %broadcast_in_dim3A_50 = arith.constant 0 : i32
    %broadcast_in_dim3A_51 = vector.broadcast %broadcast_in_dim3A_50 : i32 to vector<16xi32>
    %scan3A = arith.constant 0 : i32
    %scan3A_52 = arith.constant 10 : i32
    %scan3A_53 = arith.addi %scan3A, %scan3A_52 : i32
    %scan3A_54 = arith.constant 1 : i32
    %scan3A_55:5 = scf.for %scan3A_73 = %scan3A to %scan3A_53 step %scan3A_54 iter_args(%scan3A_74 = %broadcast_in_dim3A_49, %scan3A_75 = %broadcast_in_dim3A_49, %scan3A_76 = %broadcast_in_dim3A_49, %scan3A_77 = %broadcast_in_dim3A_49, %scan3A_78 = %broadcast_in_dim3A_51) -> (vector<16xf32>, vector<16xf32>, vector<16xf32>, vector<16xf32>, vector<16xi32>)  : i32 {
      %mul3A_79 = arith.constant 1 : i32
      %mul3A_80 = arith.muli %scan3A_73, %mul3A_79 : i32
      %add3A_81 = arith.constant 0 : i32
      %add3A_82 = arith.addi %add3A_81, %mul3A_80 : i32
      %mul3A_83 = arith.constant 8192 : i32
      %mul3A_84 = arith.muli %add3A_82, %mul3A_83 : i32
      %add3A_85 = arith.addi %mul3A_48, %mul3A_84 : i32
      "tpu.region"() ({
        %run_scoped3A = tpu.sem_alloc : memref<!tpu.dma_semaphore, #tpu.memory_space<semaphore_mem>>
        %dma_start3A = tpu.memref_slice %arg3[%add3A_85] : memref<327680xi32, #tpu.memory_space<hbm>> -> memref<8192xi32, #tpu.memory_space<hbm>>
        %dma_start3A_95 = tpu.memref_slice %arg3[%add3A_85] : memref<327680xi32, #tpu.memory_space<hbm>> -> memref<8192xi32, #tpu.memory_space<hbm>>
        tpu.enqueue_dma source(%dma_start3A_95 : memref<8192xi32, #tpu.memory_space<hbm>>) target(%arg15 : memref<8192xi32, #tpu.memory_space<vmem>>) target_semaphore(%run_scoped3A : memref<!tpu.dma_semaphore, #tpu.memory_space<semaphore_mem>>)
        %dma_wait3A = tpu.memref_slice %arg3[%add3A_85] : memref<327680xi32, #tpu.memory_space<hbm>> -> memref<8192xi32, #tpu.memory_space<hbm>>
        %dma_wait3A_96 = tpu.memref_slice %arg3[%add3A_85] : memref<327680xi32, #tpu.memory_space<hbm>> -> memref<8192xi32, #tpu.memory_space<hbm>>
        tpu.wait_dma2 semaphore(%run_scoped3A : memref<!tpu.dma_semaphore, #tpu.memory_space<semaphore_mem>>) src(%dma_wait3A_96 : memref<8192xi32, #tpu.memory_space<hbm>>) dst(%arg15 : memref<8192xi32, #tpu.memory_space<vmem>>)
        tpu.yield
      }) : () -> ()
      %mul3A_86 = arith.constant 8192 : i32
      %mul3A_87 = arith.muli %add3A_82, %mul3A_86 : i32
      %add3A_88 = arith.addi %mul3A_48, %mul3A_87 : i32
      "tpu.region"() ({
        %run_scoped3A = tpu.sem_alloc : memref<!tpu.dma_semaphore, #tpu.memory_space<semaphore_mem>>
        %dma_start3A = tpu.memref_slice %arg4[%add3A_88] : memref<327680xi32, #tpu.memory_space<hbm>> -> memref<8192xi32, #tpu.memory_space<hbm>>
        %dma_start3A_95 = tpu.memref_slice %arg4[%add3A_88] : memref<327680xi32, #tpu.memory_space<hbm>> -> memref<8192xi32, #tpu.memory_space<hbm>>
        tpu.enqueue_dma source(%dma_start3A_95 : memref<8192xi32, #tpu.memory_space<hbm>>) target(%arg16 : memref<8192xi32, #tpu.memory_space<vmem>>) target_semaphore(%run_scoped3A : memref<!tpu.dma_semaphore, #tpu.memory_space<semaphore_mem>>)
        %dma_wait3A = tpu.memref_slice %arg4[%add3A_88] : memref<327680xi32, #tpu.memory_space<hbm>> -> memref<8192xi32, #tpu.memory_space<hbm>>
        %dma_wait3A_96 = tpu.memref_slice %arg4[%add3A_88] : memref<327680xi32, #tpu.memory_space<hbm>> -> memref<8192xi32, #tpu.memory_space<hbm>>
        tpu.wait_dma2 semaphore(%run_scoped3A : memref<!tpu.dma_semaphore, #tpu.memory_space<semaphore_mem>>) src(%dma_wait3A_96 : memref<8192xi32, #tpu.memory_space<hbm>>) dst(%arg16 : memref<8192xi32, #tpu.memory_space<vmem>>)
        tpu.yield
      }) : () -> ()
      %scan3A_89 = arith.constant 0 : i32
      %scan3A_90 = arith.constant 512 : i32
      %scan3A_91 = arith.addi %scan3A_89, %scan3A_90 : i32
      %scan3A_92 = arith.constant 8 : i32
      %scan3A_93:5 = scf.for %scan3A_95 = %scan3A_89 to %scan3A_91 step %scan3A_92 iter_args(%scan3A_96 = %scan3A_74, %scan3A_97 = %scan3A_75, %scan3A_98 = %scan3A_76, %scan3A_99 = %scan3A_77, %scan3A_100 = %scan3A_78) -> (vector<16xf32>, vector<16xf32>, vector<16xf32>, vector<16xf32>, vector<16xi32>)  : i32 {
        %mul3A_101 = arith.constant 1 : i32
        %mul3A_102 = arith.muli %scan3A_95, %mul3A_101 : i32
        %add3A_103 = arith.constant 0 : i32
        %add3A_104 = arith.addi %add3A_103, %mul3A_102 : i32
        tpu.vector_store_idx %arg11[%scan3A_100], %scan3A_96 {add = true} : memref<10000xf32, #tpu.memory_space<vmem>>[vector<16xi32>], vector<16xf32>,
        tpu.vector_store_idx %arg12[%scan3A_100], %scan3A_97 {add = true} : memref<10000xf32, #tpu.memory_space<vmem>>[vector<16xi32>], vector<16xf32>,
        tpu.vector_store_idx %arg13[%scan3A_100], %scan3A_98 {add = true} : memref<10000xf32, #tpu.memory_space<vmem>>[vector<16xi32>], vector<16xf32>,
        tpu.vector_store_idx %arg14[%scan3A_100], %scan3A_99 {add = true} : memref<10000xf32, #tpu.memory_space<vmem>>[vector<16xi32>], vector<16xf32>,
        %mul3A_105 = arith.constant 16 : i32
        %mul3A_106 = arith.muli %add3A_104, %mul3A_105 : i32
        %get3A = arith.index_cast %mul3A_106 : i32 to index
        %get3A_107 = tpu.vector_load %arg15[%get3A] {strides = array<i32>} : memref<8192xi32, #tpu.memory_space<vmem>>, vector<16xi32>,
        %mul3A_108 = arith.constant 16 : i32
        %mul3A_109 = arith.muli %add3A_104, %mul3A_108 : i32
        %get3A_110 = arith.index_cast %mul3A_109 : i32 to index
        %get3A_111 = tpu.vector_load %arg16[%get3A_110] {strides = array<i32>} : memref<8192xi32, #tpu.memory_space<vmem>>, vector<16xi32>,
        %ge3A = arith.constant 0 : i32
        %ge3A_112 = vector.broadcast %ge3A : i32 to vector<16xi32>
        %ge3A_113 = arith.cmpi sge, %get3A_107, %ge3A_112 : vector<16xi32>
        %max3A = arith.constant 0 : i32
        %max3A_114 = vector.broadcast %max3A : i32 to vector<16xi32>
        %max3A_115 = arith.maxsi %get3A_107, %max3A_114 : vector<16xi32>
        %max3A_116 = arith.constant 0 : i32
        %max3A_117 = vector.broadcast %max3A_116 : i32 to vector<16xi32>
        %max3A_118 = arith.maxsi %get3A_111, %max3A_117 : vector<16xi32>
        %gather3A = tpu.vector_load_idx %arg7[%max3A_115] : memref<10000xf32, #tpu.memory_space<vmem>>[vector<16xi32>], vector<16xf32>,
        %jit3A_119 = arith.constant 0.000000e+00 : f32
        %broadcast_in_dim3A_120 = vector.broadcast %jit3A_119 : f32 to vector<16xf32>
        %select_n3A_121 = arith.select %ge3A_113, %gather3A, %broadcast_in_dim3A_120 : vector<16xi1>, vector<16xf32>
        %gather3A_122 = tpu.vector_load_idx %arg8[%max3A_115] : memref<10000xf32, #tpu.memory_space<vmem>>[vector<16xi32>], vector<16xf32>,
        %jit3A_123 = arith.constant 0.000000e+00 : f32
        %broadcast_in_dim3A_124 = vector.broadcast %jit3A_123 : f32 to vector<16xf32>
        %select_n3A_125 = arith.select %ge3A_113, %gather3A_122, %broadcast_in_dim3A_124 : vector<16xi1>, vector<16xf32>
        %gather3A_126 = tpu.vector_load_idx %arg9[%max3A_115] : memref<10000xf32, #tpu.memory_space<vmem>>[vector<16xi32>], vector<16xf32>,
        %jit3A_127 = arith.constant 0.000000e+00 : f32
        %broadcast_in_dim3A_128 = vector.broadcast %jit3A_127 : f32 to vector<16xf32>
        %select_n3A_129 = arith.select %ge3A_113, %gather3A_126, %broadcast_in_dim3A_128 : vector<16xi1>, vector<16xf32>
        %gather3A_130 = tpu.vector_load_idx %arg10[%max3A_115] : memref<10000xf32, #tpu.memory_space<vmem>>[vector<16xi32>], vector<16xf32>,
        %jit3A_131 = arith.constant 0.000000e+00 : f32
        %broadcast_in_dim3A_132 = vector.broadcast %jit3A_131 : f32 to vector<16xf32>
        %select_n3A_133 = arith.select %ge3A_113, %gather3A_130, %broadcast_in_dim3A_132 : vector<16xi1>, vector<16xf32>
        %scan3A_134 = arith.constant 1 : i32
        %scan3A_135 = arith.addi %scan3A_95, %scan3A_134 : i32
        %mul3A_136 = arith.constant 1 : i32
        %mul3A_137 = arith.muli %scan3A_135, %mul3A_136 : i32
        %add3A_138 = arith.constant 0 : i32
        %add3A_139 = arith.addi %add3A_138, %mul3A_137 : i32
        tpu.vector_store_idx %arg11[%max3A_118], %select_n3A_121 {add = true} : memref<10000xf32, #tpu.memory_space<vmem>>[vector<16xi32>], vector<16xf32>,
        tpu.vector_store_idx %arg12[%max3A_118], %select_n3A_125 {add = true} : memref<10000xf32, #tpu.memory_space<vmem>>[vector<16xi32>], vector<16xf32>,
        tpu.vector_store_idx %arg13[%max3A_118], %select_n3A_129 {add = true} : memref<10000xf32, #tpu.memory_space<vmem>>[vector<16xi32>], vector<16xf32>,
        tpu.vector_store_idx %arg14[%max3A_118], %select_n3A_133 {add = true} : memref<10000xf32, #tpu.memory_space<vmem>>[vector<16xi32>], vector<16xf32>,
        %mul3A_140 = arith.constant 16 : i32
        %mul3A_141 = arith.muli %add3A_139, %mul3A_140 : i32
        %get3A_142 = arith.index_cast %mul3A_141 : i32 to index
        %get3A_143 = tpu.vector_load %arg15[%get3A_142] {strides = array<i32>} : memref<8192xi32, #tpu.memory_space<vmem>>, vector<16xi32>,
        %mul3A_144 = arith.constant 16 : i32
        %mul3A_145 = arith.muli %add3A_139, %mul3A_144 : i32
        %get3A_146 = arith.index_cast %mul3A_145 : i32 to index
        %get3A_147 = tpu.vector_load %arg16[%get3A_146] {strides = array<i32>} : memref<8192xi32, #tpu.memory_space<vmem>>, vector<16xi32>,
        %ge3A_148 = arith.constant 0 : i32
        %ge3A_149 = vector.broadcast %ge3A_148 : i32 to vector<16xi32>
        %ge3A_150 = arith.cmpi sge, %get3A_143, %ge3A_149 : vector<16xi32>
        %max3A_151 = arith.constant 0 : i32
        %max3A_152 = vector.broadcast %max3A_151 : i32 to vector<16xi32>
        %max3A_153 = arith.maxsi %get3A_143, %max3A_152 : vector<16xi32>
        %max3A_154 = arith.constant 0 : i32
        %max3A_155 = vector.broadcast %max3A_154 : i32 to vector<16xi32>
        %max3A_156 = arith.maxsi %get3A_147, %max3A_155 : vector<16xi32>
        %gather3A_157 = tpu.vector_load_idx %arg7[%max3A_153] : memref<10000xf32, #tpu.memory_space<vmem>>[vector<16xi32>], vector<16xf32>,
        %jit3A_158 = arith.constant 0.000000e+00 : f32
        %broadcast_in_dim3A_159 = vector.broadcast %jit3A_158 : f32 to vector<16xf32>
        %select_n3A_160 = arith.select %ge3A_150, %gather3A_157, %broadcast_in_dim3A_159 : vector<16xi1>, vector<16xf32>
        %gather3A_161 = tpu.vector_load_idx %arg8[%max3A_153] : memref<10000xf32, #tpu.memory_space<vmem>>[vector<16xi32>], vector<16xf32>,
        %jit3A_162 = arith.constant 0.000000e+00 : f32
        %broadcast_in_dim3A_163 = vector.broadcast %jit3A_162 : f32 to vector<16xf32>
        %select_n3A_164 = arith.select %ge3A_150, %gather3A_161, %broadcast_in_dim3A_163 : vector<16xi1>, vector<16xf32>
        %gather3A_165 = tpu.vector_load_idx %arg9[%max3A_153] : memref<10000xf32, #tpu.memory_space<vmem>>[vector<16xi32>], vector<16xf32>,
        %jit3A_166 = arith.constant 0.000000e+00 : f32
        %broadcast_in_dim3A_167 = vector.broadcast %jit3A_166 : f32 to vector<16xf32>
        %select_n3A_168 = arith.select %ge3A_150, %gather3A_165, %broadcast_in_dim3A_167 : vector<16xi1>, vector<16xf32>
        %gather3A_169 = tpu.vector_load_idx %arg10[%max3A_153] : memref<10000xf32, #tpu.memory_space<vmem>>[vector<16xi32>], vector<16xf32>,
        %jit3A_170 = arith.constant 0.000000e+00 : f32
        %broadcast_in_dim3A_171 = vector.broadcast %jit3A_170 : f32 to vector<16xf32>
        %select_n3A_172 = arith.select %ge3A_150, %gather3A_169, %broadcast_in_dim3A_171 : vector<16xi1>, vector<16xf32>
        %scan3A_173 = arith.constant 2 : i32
        %scan3A_174 = arith.addi %scan3A_95, %scan3A_173 : i32
        %mul3A_175 = arith.constant 1 : i32
        %mul3A_176 = arith.muli %scan3A_174, %mul3A_175 : i32
        %add3A_177 = arith.constant 0 : i32
        %add3A_178 = arith.addi %add3A_177, %mul3A_176 : i32
        tpu.vector_store_idx %arg11[%max3A_156], %select_n3A_160 {add = true} : memref<10000xf32, #tpu.memory_space<vmem>>[vector<16xi32>], vector<16xf32>,
        tpu.vector_store_idx %arg12[%max3A_156], %select_n3A_164 {add = true} : memref<10000xf32, #tpu.memory_space<vmem>>[vector<16xi32>], vector<16xf32>,
        tpu.vector_store_idx %arg13[%max3A_156], %select_n3A_168 {add = true} : memref<10000xf32, #tpu.memory_space<vmem>>[vector<16xi32>], vector<16xf32>,
        tpu.vector_store_idx %arg14[%max3A_156], %select_n3A_172 {add = true} : memref<10000xf32, #tpu.memory_space<vmem>>[vector<16xi32>], vector<16xf32>,
        %mul3A_179 = arith.constant 16 : i32
        %mul3A_180 = arith.muli %add3A_178, %mul3A_179 : i32
        %get3A_181 = arith.index_cast %mul3A_180 : i32 to index
        %get3A_182 = tpu.vector_load %arg15[%get3A_181] {strides = array<i32>} : memref<8192xi32, #tpu.memory_space<vmem>>, vector<16xi32>,
        %mul3A_183 = arith.constant 16 : i32
        %mul3A_184 = arith.muli %add3A_178, %mul3A_183 : i32
        %get3A_185 = arith.index_cast %mul3A_184 : i32 to index
        %get3A_186 = tpu.vector_load %arg16[%get3A_185] {strides = array<i32>} : memref<8192xi32, #tpu.memory_space<vmem>>, vector<16xi32>,
        %ge3A_187 = arith.constant 0 : i32
        %ge3A_188 = vector.broadcast %ge3A_187 : i32 to vector<16xi32>
        %ge3A_189 = arith.cmpi sge, %get3A_182, %ge3A_188 : vector<16xi32>
        %max3A_190 = arith.constant 0 : i32
        %max3A_191 = vector.broadcast %max3A_190 : i32 to vector<16xi32>
        %max3A_192 = arith.maxsi %get3A_182, %max3A_191 : vector<16xi32>
        %max3A_193 = arith.constant 0 : i32
        %max3A_194 = vector.broadcast %max3A_193 : i32 to vector<16xi32>
        %max3A_195 = arith.maxsi %get3A_186, %max3A_194 : vector<16xi32>
        %gather3A_196 = tpu.vector_load_idx %arg7[%max3A_192] : memref<10000xf32, #tpu.memory_space<vmem>>[vector<16xi32>], vector<16xf32>,
        %jit3A_197 = arith.constant 0.000000e+00 : f32
        %broadcast_in_dim3A_198 = vector.broadcast %jit3A_197 : f32 to vector<16xf32>
        %select_n3A_199 = arith.select %ge3A_189, %gather3A_196, %broadcast_in_dim3A_198 : vector<16xi1>, vector<16xf32>
        %gather3A_200 = tpu.vector_load_idx %arg8[%max3A_192] : memref<10000xf32, #tpu.memory_space<vmem>>[vector<16xi32>], vector<16xf32>,
        %jit3A_201 = arith.constant 0.000000e+00 : f32
        %broadcast_in_dim3A_202 = vector.broadcast %jit3A_201 : f32 to vector<16xf32>
        %select_n3A_203 = arith.select %ge3A_189, %gather3A_200, %broadcast_in_dim3A_202 : vector<16xi1>, vector<16xf32>
        %gather3A_204 = tpu.vector_load_idx %arg9[%max3A_192] : memref<10000xf32, #tpu.memory_space<vmem>>[vector<16xi32>], vector<16xf32>,
        %jit3A_205 = arith.constant 0.000000e+00 : f32
        %broadcast_in_dim3A_206 = vector.broadcast %jit3A_205 : f32 to vector<16xf32>
        %select_n3A_207 = arith.select %ge3A_189, %gather3A_204, %broadcast_in_dim3A_206 : vector<16xi1>, vector<16xf32>
        %gather3A_208 = tpu.vector_load_idx %arg10[%max3A_192] : memref<10000xf32, #tpu.memory_space<vmem>>[vector<16xi32>], vector<16xf32>,
        %jit3A_209 = arith.constant 0.000000e+00 : f32
        %broadcast_in_dim3A_210 = vector.broadcast %jit3A_209 : f32 to vector<16xf32>
        %select_n3A_211 = arith.select %ge3A_189, %gather3A_208, %broadcast_in_dim3A_210 : vector<16xi1>, vector<16xf32>
        %scan3A_212 = arith.constant 3 : i32
        %scan3A_213 = arith.addi %scan3A_95, %scan3A_212 : i32
        %mul3A_214 = arith.constant 1 : i32
        %mul3A_215 = arith.muli %scan3A_213, %mul3A_214 : i32
        %add3A_216 = arith.constant 0 : i32
        %add3A_217 = arith.addi %add3A_216, %mul3A_215 : i32
        tpu.vector_store_idx %arg11[%max3A_195], %select_n3A_199 {add = true} : memref<10000xf32, #tpu.memory_space<vmem>>[vector<16xi32>], vector<16xf32>,
        tpu.vector_store_idx %arg12[%max3A_195], %select_n3A_203 {add = true} : memref<10000xf32, #tpu.memory_space<vmem>>[vector<16xi32>], vector<16xf32>,
        tpu.vector_store_idx %arg13[%max3A_195], %select_n3A_207 {add = true} : memref<10000xf32, #tpu.memory_space<vmem>>[vector<16xi32>], vector<16xf32>,
        tpu.vector_store_idx %arg14[%max3A_195], %select_n3A_211 {add = true} : memref<10000xf32, #tpu.memory_space<vmem>>[vector<16xi32>], vector<16xf32>,
        %mul3A_218 = arith.constant 16 : i32
        %mul3A_219 = arith.muli %add3A_217, %mul3A_218 : i32
        %get3A_220 = arith.index_cast %mul3A_219 : i32 to index
        %get3A_221 = tpu.vector_load %arg15[%get3A_220] {strides = array<i32>} : memref<8192xi32, #tpu.memory_space<vmem>>, vector<16xi32>,
        %mul3A_222 = arith.constant 16 : i32
        %mul3A_223 = arith.muli %add3A_217, %mul3A_222 : i32
        %get3A_224 = arith.index_cast %mul3A_223 : i32 to index
        %get3A_225 = tpu.vector_load %arg16[%get3A_224] {strides = array<i32>} : memref<8192xi32, #tpu.memory_space<vmem>>, vector<16xi32>,
        %ge3A_226 = arith.constant 0 : i32
        %ge3A_227 = vector.broadcast %ge3A_226 : i32 to vector<16xi32>
        %ge3A_228 = arith.cmpi sge, %get3A_221, %ge3A_227 : vector<16xi32>
        %max3A_229 = arith.constant 0 : i32
        %max3A_230 = vector.broadcast %max3A_229 : i32 to vector<16xi32>
        %max3A_231 = arith.maxsi %get3A_221, %max3A_230 : vector<16xi32>
        %max3A_232 = arith.constant 0 : i32
        %max3A_233 = vector.broadcast %max3A_232 : i32 to vector<16xi32>
        %max3A_234 = arith.maxsi %get3A_225, %max3A_233 : vector<16xi32>
        %gather3A_235 = tpu.vector_load_idx %arg7[%max3A_231] : memref<10000xf32, #tpu.memory_space<vmem>>[vector<16xi32>], vector<16xf32>,
        %jit3A_236 = arith.constant 0.000000e+00 : f32
        %broadcast_in_dim3A_237 = vector.broadcast %jit3A_236 : f32 to vector<16xf32>
        %select_n3A_238 = arith.select %ge3A_228, %gather3A_235, %broadcast_in_dim3A_237 : vector<16xi1>, vector<16xf32>
        %gather3A_239 = tpu.vector_load_idx %arg8[%max3A_231] : memref<10000xf32, #tpu.memory_space<vmem>>[vector<16xi32>], vector<16xf32>,
        %jit3A_240 = arith.constant 0.000000e+00 : f32
        %broadcast_in_dim3A_241 = vector.broadcast %jit3A_240 : f32 to vector<16xf32>
        %select_n3A_242 = arith.select %ge3A_228, %gather3A_239, %broadcast_in_dim3A_241 : vector<16xi1>, vector<16xf32>
        %gather3A_243 = tpu.vector_load_idx %arg9[%max3A_231] : memref<10000xf32, #tpu.memory_space<vmem>>[vector<16xi32>], vector<16xf32>,
        %jit3A_244 = arith.constant 0.000000e+00 : f32
        %broadcast_in_dim3A_245 = vector.broadcast %jit3A_244 : f32 to vector<16xf32>
        %select_n3A_246 = arith.select %ge3A_228, %gather3A_243, %broadcast_in_dim3A_245 : vector<16xi1>, vector<16xf32>
        %gather3A_247 = tpu.vector_load_idx %arg10[%max3A_231] : memref<10000xf32, #tpu.memory_space<vmem>>[vector<16xi32>], vector<16xf32>,
        %jit3A_248 = arith.constant 0.000000e+00 : f32
        %broadcast_in_dim3A_249 = vector.broadcast %jit3A_248 : f32 to vector<16xf32>
        %select_n3A_250 = arith.select %ge3A_228, %gather3A_247, %broadcast_in_dim3A_249 : vector<16xi1>, vector<16xf32>
        %scan3A_251 = arith.constant 4 : i32
        %scan3A_252 = arith.addi %scan3A_95, %scan3A_251 : i32
        %mul3A_253 = arith.constant 1 : i32
        %mul3A_254 = arith.muli %scan3A_252, %mul3A_253 : i32
        %add3A_255 = arith.constant 0 : i32
        %add3A_256 = arith.addi %add3A_255, %mul3A_254 : i32
        tpu.vector_store_idx %arg11[%max3A_234], %select_n3A_238 {add = true} : memref<10000xf32, #tpu.memory_space<vmem>>[vector<16xi32>], vector<16xf32>,
        tpu.vector_store_idx %arg12[%max3A_234], %select_n3A_242 {add = true} : memref<10000xf32, #tpu.memory_space<vmem>>[vector<16xi32>], vector<16xf32>,
        tpu.vector_store_idx %arg13[%max3A_234], %select_n3A_246 {add = true} : memref<10000xf32, #tpu.memory_space<vmem>>[vector<16xi32>], vector<16xf32>,
        tpu.vector_store_idx %arg14[%max3A_234], %select_n3A_250 {add = true} : memref<10000xf32, #tpu.memory_space<vmem>>[vector<16xi32>], vector<16xf32>,
        %mul3A_257 = arith.constant 16 : i32
        %mul3A_258 = arith.muli %add3A_256, %mul3A_257 : i32
        %get3A_259 = arith.index_cast %mul3A_258 : i32 to index
        %get3A_260 = tpu.vector_load %arg15[%get3A_259] {strides = array<i32>} : memref<8192xi32, #tpu.memory_space<vmem>>, vector<16xi32>,
        %mul3A_261 = arith.constant 16 : i32
        %mul3A_262 = arith.muli %add3A_256, %mul3A_261 : i32
        %get3A_263 = arith.index_cast %mul3A_262 : i32 to index
        %get3A_264 = tpu.vector_load %arg16[%get3A_263] {strides = array<i32>} : memref<8192xi32, #tpu.memory_space<vmem>>, vector<16xi32>,
        %ge3A_265 = arith.constant 0 : i32
        %ge3A_266 = vector.broadcast %ge3A_265 : i32 to vector<16xi32>
        %ge3A_267 = arith.cmpi sge, %get3A_260, %ge3A_266 : vector<16xi32>
        %max3A_268 = arith.constant 0 : i32
        %max3A_269 = vector.broadcast %max3A_268 : i32 to vector<16xi32>
        %max3A_270 = arith.maxsi %get3A_260, %max3A_269 : vector<16xi32>
        %max3A_271 = arith.constant 0 : i32
        %max3A_272 = vector.broadcast %max3A_271 : i32 to vector<16xi32>
        %max3A_273 = arith.maxsi %get3A_264, %max3A_272 : vector<16xi32>
        %gather3A_274 = tpu.vector_load_idx %arg7[%max3A_270] : memref<10000xf32, #tpu.memory_space<vmem>>[vector<16xi32>], vector<16xf32>,
        %jit3A_275 = arith.constant 0.000000e+00 : f32
        %broadcast_in_dim3A_276 = vector.broadcast %jit3A_275 : f32 to vector<16xf32>
        %select_n3A_277 = arith.select %ge3A_267, %gather3A_274, %broadcast_in_dim3A_276 : vector<16xi1>, vector<16xf32>
        %gather3A_278 = tpu.vector_load_idx %arg8[%max3A_270] : memref<10000xf32, #tpu.memory_space<vmem>>[vector<16xi32>], vector<16xf32>,
        %jit3A_279 = arith.constant 0.000000e+00 : f32
        %broadcast_in_dim3A_280 = vector.broadcast %jit3A_279 : f32 to vector<16xf32>
        %select_n3A_281 = arith.select %ge3A_267, %gather3A_278, %broadcast_in_dim3A_280 : vector<16xi1>, vector<16xf32>
        %gather3A_282 = tpu.vector_load_idx %arg9[%max3A_270] : memref<10000xf32, #tpu.memory_space<vmem>>[vector<16xi32>], vector<16xf32>,
        %jit3A_283 = arith.constant 0.000000e+00 : f32
        %broadcast_in_dim3A_284 = vector.broadcast %jit3A_283 : f32 to vector<16xf32>
        %select_n3A_285 = arith.select %ge3A_267, %gather3A_282, %broadcast_in_dim3A_284 : vector<16xi1>, vector<16xf32>
        %gather3A_286 = tpu.vector_load_idx %arg10[%max3A_270] : memref<10000xf32, #tpu.memory_space<vmem>>[vector<16xi32>], vector<16xf32>,
        %jit3A_287 = arith.constant 0.000000e+00 : f32
        %broadcast_in_dim3A_288 = vector.broadcast %jit3A_287 : f32 to vector<16xf32>
        %select_n3A_289 = arith.select %ge3A_267, %gather3A_286, %broadcast_in_dim3A_288 : vector<16xi1>, vector<16xf32>
        %scan3A_290 = arith.constant 5 : i32
        %scan3A_291 = arith.addi %scan3A_95, %scan3A_290 : i32
        %mul3A_292 = arith.constant 1 : i32
        %mul3A_293 = arith.muli %scan3A_291, %mul3A_292 : i32
        %add3A_294 = arith.constant 0 : i32
        %add3A_295 = arith.addi %add3A_294, %mul3A_293 : i32
        tpu.vector_store_idx %arg11[%max3A_273], %select_n3A_277 {add = true} : memref<10000xf32, #tpu.memory_space<vmem>>[vector<16xi32>], vector<16xf32>,
        tpu.vector_store_idx %arg12[%max3A_273], %select_n3A_281 {add = true} : memref<10000xf32, #tpu.memory_space<vmem>>[vector<16xi32>], vector<16xf32>,
        tpu.vector_store_idx %arg13[%max3A_273], %select_n3A_285 {add = true} : memref<10000xf32, #tpu.memory_space<vmem>>[vector<16xi32>], vector<16xf32>,
        tpu.vector_store_idx %arg14[%max3A_273], %select_n3A_289 {add = true} : memref<10000xf32, #tpu.memory_space<vmem>>[vector<16xi32>], vector<16xf32>,
        %mul3A_296 = arith.constant 16 : i32
        %mul3A_297 = arith.muli %add3A_295, %mul3A_296 : i32
        %get3A_298 = arith.index_cast %mul3A_297 : i32 to index
        %get3A_299 = tpu.vector_load %arg15[%get3A_298] {strides = array<i32>} : memref<8192xi32, #tpu.memory_space<vmem>>, vector<16xi32>,
        %mul3A_300 = arith.constant 16 : i32
        %mul3A_301 = arith.muli %add3A_295, %mul3A_300 : i32
        %get3A_302 = arith.index_cast %mul3A_301 : i32 to index
        %get3A_303 = tpu.vector_load %arg16[%get3A_302] {strides = array<i32>} : memref<8192xi32, #tpu.memory_space<vmem>>, vector<16xi32>,
        %ge3A_304 = arith.constant 0 : i32
        %ge3A_305 = vector.broadcast %ge3A_304 : i32 to vector<16xi32>
        %ge3A_306 = arith.cmpi sge, %get3A_299, %ge3A_305 : vector<16xi32>
        %max3A_307 = arith.constant 0 : i32
        %max3A_308 = vector.broadcast %max3A_307 : i32 to vector<16xi32>
        %max3A_309 = arith.maxsi %get3A_299, %max3A_308 : vector<16xi32>
        %max3A_310 = arith.constant 0 : i32
        %max3A_311 = vector.broadcast %max3A_310 : i32 to vector<16xi32>
        %max3A_312 = arith.maxsi %get3A_303, %max3A_311 : vector<16xi32>
        %gather3A_313 = tpu.vector_load_idx %arg7[%max3A_309] : memref<10000xf32, #tpu.memory_space<vmem>>[vector<16xi32>], vector<16xf32>,
        %jit3A_314 = arith.constant 0.000000e+00 : f32
        %broadcast_in_dim3A_315 = vector.broadcast %jit3A_314 : f32 to vector<16xf32>
        %select_n3A_316 = arith.select %ge3A_306, %gather3A_313, %broadcast_in_dim3A_315 : vector<16xi1>, vector<16xf32>
        %gather3A_317 = tpu.vector_load_idx %arg8[%max3A_309] : memref<10000xf32, #tpu.memory_space<vmem>>[vector<16xi32>], vector<16xf32>,
        %jit3A_318 = arith.constant 0.000000e+00 : f32
        %broadcast_in_dim3A_319 = vector.broadcast %jit3A_318 : f32 to vector<16xf32>
        %select_n3A_320 = arith.select %ge3A_306, %gather3A_317, %broadcast_in_dim3A_319 : vector<16xi1>, vector<16xf32>
        %gather3A_321 = tpu.vector_load_idx %arg9[%max3A_309] : memref<10000xf32, #tpu.memory_space<vmem>>[vector<16xi32>], vector<16xf32>,
        %jit3A_322 = arith.constant 0.000000e+00 : f32
        %broadcast_in_dim3A_323 = vector.broadcast %jit3A_322 : f32 to vector<16xf32>
        %select_n3A_324 = arith.select %ge3A_306, %gather3A_321, %broadcast_in_dim3A_323 : vector<16xi1>, vector<16xf32>
        %gather3A_325 = tpu.vector_load_idx %arg10[%max3A_309] : memref<10000xf32, #tpu.memory_space<vmem>>[vector<16xi32>], vector<16xf32>,
        %jit3A_326 = arith.constant 0.000000e+00 : f32
        %broadcast_in_dim3A_327 = vector.broadcast %jit3A_326 : f32 to vector<16xf32>
        %select_n3A_328 = arith.select %ge3A_306, %gather3A_325, %broadcast_in_dim3A_327 : vector<16xi1>, vector<16xf32>
        %scan3A_329 = arith.constant 6 : i32
        %scan3A_330 = arith.addi %scan3A_95, %scan3A_329 : i32
        %mul3A_331 = arith.constant 1 : i32
        %mul3A_332 = arith.muli %scan3A_330, %mul3A_331 : i32
        %add3A_333 = arith.constant 0 : i32
        %add3A_334 = arith.addi %add3A_333, %mul3A_332 : i32
        tpu.vector_store_idx %arg11[%max3A_312], %select_n3A_316 {add = true} : memref<10000xf32, #tpu.memory_space<vmem>>[vector<16xi32>], vector<16xf32>,
        tpu.vector_store_idx %arg12[%max3A_312], %select_n3A_320 {add = true} : memref<10000xf32, #tpu.memory_space<vmem>>[vector<16xi32>], vector<16xf32>,
        tpu.vector_store_idx %arg13[%max3A_312], %select_n3A_324 {add = true} : memref<10000xf32, #tpu.memory_space<vmem>>[vector<16xi32>], vector<16xf32>,
        tpu.vector_store_idx %arg14[%max3A_312], %select_n3A_328 {add = true} : memref<10000xf32, #tpu.memory_space<vmem>>[vector<16xi32>], vector<16xf32>,
        %mul3A_335 = arith.constant 16 : i32
        %mul3A_336 = arith.muli %add3A_334, %mul3A_335 : i32
        %get3A_337 = arith.index_cast %mul3A_336 : i32 to index
        %get3A_338 = tpu.vector_load %arg15[%get3A_337] {strides = array<i32>} : memref<8192xi32, #tpu.memory_space<vmem>>, vector<16xi32>,
        %mul3A_339 = arith.constant 16 : i32
        %mul3A_340 = arith.muli %add3A_334, %mul3A_339 : i32
        %get3A_341 = arith.index_cast %mul3A_340 : i32 to index
        %get3A_342 = tpu.vector_load %arg16[%get3A_341] {strides = array<i32>} : memref<8192xi32, #tpu.memory_space<vmem>>, vector<16xi32>,
        %ge3A_343 = arith.constant 0 : i32
        %ge3A_344 = vector.broadcast %ge3A_343 : i32 to vector<16xi32>
        %ge3A_345 = arith.cmpi sge, %get3A_338, %ge3A_344 : vector<16xi32>
        %max3A_346 = arith.constant 0 : i32
        %max3A_347 = vector.broadcast %max3A_346 : i32 to vector<16xi32>
        %max3A_348 = arith.maxsi %get3A_338, %max3A_347 : vector<16xi32>
        %max3A_349 = arith.constant 0 : i32
        %max3A_350 = vector.broadcast %max3A_349 : i32 to vector<16xi32>
        %max3A_351 = arith.maxsi %get3A_342, %max3A_350 : vector<16xi32>
        %gather3A_352 = tpu.vector_load_idx %arg7[%max3A_348] : memref<10000xf32, #tpu.memory_space<vmem>>[vector<16xi32>], vector<16xf32>,
        %jit3A_353 = arith.constant 0.000000e+00 : f32
        %broadcast_in_dim3A_354 = vector.broadcast %jit3A_353 : f32 to vector<16xf32>
        %select_n3A_355 = arith.select %ge3A_345, %gather3A_352, %broadcast_in_dim3A_354 : vector<16xi1>, vector<16xf32>
        %gather3A_356 = tpu.vector_load_idx %arg8[%max3A_348] : memref<10000xf32, #tpu.memory_space<vmem>>[vector<16xi32>], vector<16xf32>,
        %jit3A_357 = arith.constant 0.000000e+00 : f32
        %broadcast_in_dim3A_358 = vector.broadcast %jit3A_357 : f32 to vector<16xf32>
        %select_n3A_359 = arith.select %ge3A_345, %gather3A_356, %broadcast_in_dim3A_358 : vector<16xi1>, vector<16xf32>
        %gather3A_360 = tpu.vector_load_idx %arg9[%max3A_348] : memref<10000xf32, #tpu.memory_space<vmem>>[vector<16xi32>], vector<16xf32>,
        %jit3A_361 = arith.constant 0.000000e+00 : f32
        %broadcast_in_dim3A_362 = vector.broadcast %jit3A_361 : f32 to vector<16xf32>
        %select_n3A_363 = arith.select %ge3A_345, %gather3A_360, %broadcast_in_dim3A_362 : vector<16xi1>, vector<16xf32>
        %gather3A_364 = tpu.vector_load_idx %arg10[%max3A_348] : memref<10000xf32, #tpu.memory_space<vmem>>[vector<16xi32>], vector<16xf32>,
        %jit3A_365 = arith.constant 0.000000e+00 : f32
        %broadcast_in_dim3A_366 = vector.broadcast %jit3A_365 : f32 to vector<16xf32>
        %select_n3A_367 = arith.select %ge3A_345, %gather3A_364, %broadcast_in_dim3A_366 : vector<16xi1>, vector<16xf32>
        %scan3A_368 = arith.constant 7 : i32
        %scan3A_369 = arith.addi %scan3A_95, %scan3A_368 : i32
        %mul3A_370 = arith.constant 1 : i32
        %mul3A_371 = arith.muli %scan3A_369, %mul3A_370 : i32
        %add3A_372 = arith.constant 0 : i32
        %add3A_373 = arith.addi %add3A_372, %mul3A_371 : i32
        tpu.vector_store_idx %arg11[%max3A_351], %select_n3A_355 {add = true} : memref<10000xf32, #tpu.memory_space<vmem>>[vector<16xi32>], vector<16xf32>,
        tpu.vector_store_idx %arg12[%max3A_351], %select_n3A_359 {add = true} : memref<10000xf32, #tpu.memory_space<vmem>>[vector<16xi32>], vector<16xf32>,
        tpu.vector_store_idx %arg13[%max3A_351], %select_n3A_363 {add = true} : memref<10000xf32, #tpu.memory_space<vmem>>[vector<16xi32>], vector<16xf32>,
        tpu.vector_store_idx %arg14[%max3A_351], %select_n3A_367 {add = true} : memref<10000xf32, #tpu.memory_space<vmem>>[vector<16xi32>], vector<16xf32>,
        %mul3A_374 = arith.constant 16 : i32
        %mul3A_375 = arith.muli %add3A_373, %mul3A_374 : i32
        %get3A_376 = arith.index_cast %mul3A_375 : i32 to index
        %get3A_377 = tpu.vector_load %arg15[%get3A_376] {strides = array<i32>} : memref<8192xi32, #tpu.memory_space<vmem>>, vector<16xi32>,
        %mul3A_378 = arith.constant 16 : i32
        %mul3A_379 = arith.muli %add3A_373, %mul3A_378 : i32
        %get3A_380 = arith.index_cast %mul3A_379 : i32 to index
        %get3A_381 = tpu.vector_load %arg16[%get3A_380] {strides = array<i32>} : memref<8192xi32, #tpu.memory_space<vmem>>, vector<16xi32>,
        %ge3A_382 = arith.constant 0 : i32
        %ge3A_383 = vector.broadcast %ge3A_382 : i32 to vector<16xi32>
        %ge3A_384 = arith.cmpi sge, %get3A_377, %ge3A_383 : vector<16xi32>
        %max3A_385 = arith.constant 0 : i32
        %max3A_386 = vector.broadcast %max3A_385 : i32 to vector<16xi32>
        %max3A_387 = arith.maxsi %get3A_377, %max3A_386 : vector<16xi32>
        %max3A_388 = arith.constant 0 : i32
        %max3A_389 = vector.broadcast %max3A_388 : i32 to vector<16xi32>
        %max3A_390 = arith.maxsi %get3A_381, %max3A_389 : vector<16xi32>
        %gather3A_391 = tpu.vector_load_idx %arg7[%max3A_387] : memref<10000xf32, #tpu.memory_space<vmem>>[vector<16xi32>], vector<16xf32>,
        %jit3A_392 = arith.constant 0.000000e+00 : f32
        %broadcast_in_dim3A_393 = vector.broadcast %jit3A_392 : f32 to vector<16xf32>
        %select_n3A_394 = arith.select %ge3A_384, %gather3A_391, %broadcast_in_dim3A_393 : vector<16xi1>, vector<16xf32>
        %gather3A_395 = tpu.vector_load_idx %arg8[%max3A_387] : memref<10000xf32, #tpu.memory_space<vmem>>[vector<16xi32>], vector<16xf32>,
        %jit3A_396 = arith.constant 0.000000e+00 : f32
        %broadcast_in_dim3A_397 = vector.broadcast %jit3A_396 : f32 to vector<16xf32>
        %select_n3A_398 = arith.select %ge3A_384, %gather3A_395, %broadcast_in_dim3A_397 : vector<16xi1>, vector<16xf32>
        %gather3A_399 = tpu.vector_load_idx %arg9[%max3A_387] : memref<10000xf32, #tpu.memory_space<vmem>>[vector<16xi32>], vector<16xf32>,
        %jit3A_400 = arith.constant 0.000000e+00 : f32
        %broadcast_in_dim3A_401 = vector.broadcast %jit3A_400 : f32 to vector<16xf32>
        %select_n3A_402 = arith.select %ge3A_384, %gather3A_399, %broadcast_in_dim3A_401 : vector<16xi1>, vector<16xf32>
        %gather3A_403 = tpu.vector_load_idx %arg10[%max3A_387] : memref<10000xf32, #tpu.memory_space<vmem>>[vector<16xi32>], vector<16xf32>,
        %jit3A_404 = arith.constant 0.000000e+00 : f32
        %broadcast_in_dim3A_405 = vector.broadcast %jit3A_404 : f32 to vector<16xf32>
        %select_n3A_406 = arith.select %ge3A_384, %gather3A_403, %broadcast_in_dim3A_405 : vector<16xi1>, vector<16xf32>
        scf.yield %select_n3A_394, %select_n3A_398, %select_n3A_402, %select_n3A_406, %max3A_390 : vector<16xf32>, vector<16xf32>, vector<16xf32>, vector<16xf32>, vector<16xi32>
      }
      %scan3A_94 = arith.constant 512 : i32
      scf.yield %scan3A_93#0, %scan3A_93#1, %scan3A_93#2, %scan3A_93#3, %scan3A_93#4 : vector<16xf32>, vector<16xf32>, vector<16xf32>, vector<16xf32>, vector<16xi32>
    }
    %scan3A_56 = arith.constant 10 : i32
    tpu.vector_store_idx %arg11[%scan3A_55#4], %scan3A_55#0 {add = true} : memref<10000xf32, #tpu.memory_space<vmem>>[vector<16xi32>], vector<16xf32>,
    tpu.vector_store_idx %arg12[%scan3A_55#4], %scan3A_55#1 {add = true} : memref<10000xf32, #tpu.memory_space<vmem>>[vector<16xi32>], vector<16xf32>,
    tpu.vector_store_idx %arg13[%scan3A_55#4], %scan3A_55#2 {add = true} : memref<10000xf32, #tpu.memory_space<vmem>>[vector<16xi32>], vector<16xf32>,
    tpu.vector_store_idx %arg14[%scan3A_55#4], %scan3A_55#3 {add = true} : memref<10000xf32, #tpu.memory_space<vmem>>[vector<16xi32>], vector<16xf32>,
    %mul3A_57 = arith.constant 40000 : i32
    %mul3A_58 = arith.muli %add3A, %mul3A_57 : i32
    %add3A_59 = arith.constant 0 : i32
    %add3A_60 = arith.addi %mul3A_58, %add3A_59 : i32
    "tpu.region"() ({
      %run_scoped3A = tpu.sem_alloc : memref<!tpu.dma_semaphore, #tpu.memory_space<semaphore_mem>>
      %dma_start3A = tpu.memref_slice %arg6[%add3A_60] : memref<1280000xf32, #tpu.memory_space<hbm>> -> memref<10000xf32, #tpu.memory_space<hbm>>
      %dma_start3A_73 = tpu.memref_slice %arg6[%add3A_60] : memref<1280000xf32, #tpu.memory_space<hbm>> -> memref<10000xf32, #tpu.memory_space<hbm>>
      tpu.enqueue_dma source(%arg11 : memref<10000xf32, #tpu.memory_space<vmem>>) target(%dma_start3A_73 : memref<10000xf32, #tpu.memory_space<hbm>>) target_semaphore(%run_scoped3A : memref<!tpu.dma_semaphore, #tpu.memory_space<semaphore_mem>>)
      %dma_wait3A = tpu.memref_slice %arg6[%add3A_60] : memref<1280000xf32, #tpu.memory_space<hbm>> -> memref<10000xf32, #tpu.memory_space<hbm>>
      %dma_wait3A_74 = tpu.memref_slice %arg6[%add3A_60] : memref<1280000xf32, #tpu.memory_space<hbm>> -> memref<10000xf32, #tpu.memory_space<hbm>>
      tpu.wait_dma2 semaphore(%run_scoped3A : memref<!tpu.dma_semaphore, #tpu.memory_space<semaphore_mem>>) src(%arg11 : memref<10000xf32, #tpu.memory_space<vmem>>) dst(%dma_wait3A_74 : memref<10000xf32, #tpu.memory_space<hbm>>)
      tpu.yield
    }) : () -> ()
    %mul3A_61 = arith.constant 40000 : i32
    %mul3A_62 = arith.muli %add3A, %mul3A_61 : i32
    %add3A_63 = arith.constant 10000 : i32
    %add3A_64 = arith.addi %mul3A_62, %add3A_63 : i32
    "tpu.region"() ({
      %run_scoped3A = tpu.sem_alloc : memref<!tpu.dma_semaphore, #tpu.memory_space<semaphore_mem>>
      %dma_start3A = tpu.memref_slice %arg6[%add3A_64] : memref<1280000xf32, #tpu.memory_space<hbm>> -> memref<10000xf32, #tpu.memory_space<hbm>>
      %dma_start3A_73 = tpu.memref_slice %arg6[%add3A_64] : memref<1280000xf32, #tpu.memory_space<hbm>> -> memref<10000xf32, #tpu.memory_space<hbm>>
      tpu.enqueue_dma source(%arg12 : memref<10000xf32, #tpu.memory_space<vmem>>) target(%dma_start3A_73 : memref<10000xf32, #tpu.memory_space<hbm>>) target_semaphore(%run_scoped3A : memref<!tpu.dma_semaphore, #tpu.memory_space<semaphore_mem>>)
      %dma_wait3A = tpu.memref_slice %arg6[%add3A_64] : memref<1280000xf32, #tpu.memory_space<hbm>> -> memref<10000xf32, #tpu.memory_space<hbm>>
      %dma_wait3A_74 = tpu.memref_slice %arg6[%add3A_64] : memref<1280000xf32, #tpu.memory_space<hbm>> -> memref<10000xf32, #tpu.memory_space<hbm>>
      tpu.wait_dma2 semaphore(%run_scoped3A : memref<!tpu.dma_semaphore, #tpu.memory_space<semaphore_mem>>) src(%arg12 : memref<10000xf32, #tpu.memory_space<vmem>>) dst(%dma_wait3A_74 : memref<10000xf32, #tpu.memory_space<hbm>>)
      tpu.yield
    }) : () -> ()
    %mul3A_65 = arith.constant 40000 : i32
    %mul3A_66 = arith.muli %add3A, %mul3A_65 : i32
    %add3A_67 = arith.constant 20000 : i32
    %add3A_68 = arith.addi %mul3A_66, %add3A_67 : i32
    "tpu.region"() ({
      %run_scoped3A = tpu.sem_alloc : memref<!tpu.dma_semaphore, #tpu.memory_space<semaphore_mem>>
      %dma_start3A = tpu.memref_slice %arg6[%add3A_68] : memref<1280000xf32, #tpu.memory_space<hbm>> -> memref<10000xf32, #tpu.memory_space<hbm>>
      %dma_start3A_73 = tpu.memref_slice %arg6[%add3A_68] : memref<1280000xf32, #tpu.memory_space<hbm>> -> memref<10000xf32, #tpu.memory_space<hbm>>
      tpu.enqueue_dma source(%arg13 : memref<10000xf32, #tpu.memory_space<vmem>>) target(%dma_start3A_73 : memref<10000xf32, #tpu.memory_space<hbm>>) target_semaphore(%run_scoped3A : memref<!tpu.dma_semaphore, #tpu.memory_space<semaphore_mem>>)
      %dma_wait3A = tpu.memref_slice %arg6[%add3A_68] : memref<1280000xf32, #tpu.memory_space<hbm>> -> memref<10000xf32, #tpu.memory_space<hbm>>
      %dma_wait3A_74 = tpu.memref_slice %arg6[%add3A_68] : memref<1280000xf32, #tpu.memory_space<hbm>> -> memref<10000xf32, #tpu.memory_space<hbm>>
      tpu.wait_dma2 semaphore(%run_scoped3A : memref<!tpu.dma_semaphore, #tpu.memory_space<semaphore_mem>>) src(%arg13 : memref<10000xf32, #tpu.memory_space<vmem>>) dst(%dma_wait3A_74 : memref<10000xf32, #tpu.memory_space<hbm>>)
      tpu.yield
    }) : () -> ()
    %mul3A_69 = arith.constant 40000 : i32
    %mul3A_70 = arith.muli %add3A, %mul3A_69 : i32
    %add3A_71 = arith.constant 30000 : i32
    %add3A_72 = arith.addi %mul3A_70, %add3A_71 : i32
    "tpu.region"() ({
      %run_scoped3A = tpu.sem_alloc : memref<!tpu.dma_semaphore, #tpu.memory_space<semaphore_mem>>
      %dma_start3A = tpu.memref_slice %arg6[%add3A_72] : memref<1280000xf32, #tpu.memory_space<hbm>> -> memref<10000xf32, #tpu.memory_space<hbm>>
      %dma_start3A_73 = tpu.memref_slice %arg6[%add3A_72] : memref<1280000xf32, #tpu.memory_space<hbm>> -> memref<10000xf32, #tpu.memory_space<hbm>>
      tpu.enqueue_dma source(%arg14 : memref<10000xf32, #tpu.memory_space<vmem>>) target(%dma_start3A_73 : memref<10000xf32, #tpu.memory_space<hbm>>) target_semaphore(%run_scoped3A : memref<!tpu.dma_semaphore, #tpu.memory_space<semaphore_mem>>)
      %dma_wait3A = tpu.memref_slice %arg6[%add3A_72] : memref<1280000xf32, #tpu.memory_space<hbm>> -> memref<10000xf32, #tpu.memory_space<hbm>>
      %dma_wait3A_74 = tpu.memref_slice %arg6[%add3A_72] : memref<1280000xf32, #tpu.memory_space<hbm>> -> memref<10000xf32, #tpu.memory_space<hbm>>
      tpu.wait_dma2 semaphore(%run_scoped3A : memref<!tpu.dma_semaphore, #tpu.memory_space<semaphore_mem>>) src(%arg14 : memref<10000xf32, #tpu.memory_space<vmem>>) dst(%dma_wait3A_74 : memref<10000xf32, #tpu.memory_space<hbm>>)
      tpu.yield
    }) : () -> ()
    return
  }
}

#map = affine_map<(d0, d1) -> (0)>
module attributes {stable_mosaic.version = 14 : i64} {
  func.func @_sc_aggregate_body(%arg0: i32, %arg1: i32, %arg2: memref<320000xf32, #tpu.memory_space<hbm>>, %arg3: memref<327680xi32, #tpu.memory_space<hbm>>, %arg4: memref<327680xi32, #tpu.memory_space<hbm>>, %arg5: memref<10000xf32, #tpu.memory_space<hbm>>, %arg6: memref<1280000xf32, #tpu.memory_space<hbm>>, %arg7: memref<10000xf32, #tpu.memory_space<vmem>>, %arg8: memref<10000xf32, #tpu.memory_space<vmem>>, %arg9: memref<10000xf32, #tpu.memory_space<vmem>>, %arg10: memref<10000xf32, #tpu.memory_space<vmem>>, %arg11: memref<10000xf32, #tpu.memory_space<vmem>>, %arg12: memref<10000xf32, #tpu.memory_space<vmem>>, %arg13: memref<10000xf32, #tpu.memory_space<vmem>>, %arg14: memref<10000xf32, #tpu.memory_space<vmem>>, %arg15: memref<8192xi32, #tpu.memory_space<vmem>>, %arg16: memref<8192xi32, #tpu.memory_space<vmem>>) attributes {dimension_semantics = [#tpu.dimension_semantics<core_parallel>, #tpu.dimension_semantics<subcore_parallel>], iteration_bounds = array<i64: 2, 16>, scalar_prefetch = 0 : i64, scratch_operands = 10 : i64, tpu.core_type = #tpu.core_type<sc_vector_subcore>, window_params = [{transform_indices = #map}, {transform_indices = #map}, {transform_indices = #map}, {transform_indices = #map}, {transform_indices = #map}]} {
    %mul3A = arith.constant 2 : i32
    %mul3A_0 = arith.muli %arg1, %mul3A : i32
    %add3A = arith.addi %mul3A_0, %arg0 : i32
    %jit3A = arith.constant 8 : i32
    %div3A = arith.divsi %add3A, %jit3A : i32
    %sign3A = arith.constant 0 : i32
    %sign3A_1 = arith.cmpi sgt, %add3A, %sign3A : i32
    %sign3A_2 = arith.extui %sign3A_1 : i1 to i32
    %sign3A_3 = arith.constant 0 : i32
    %sign3A_4 = arith.cmpi slt, %add3A, %sign3A_3 : i32
    %sign3A_5 = arith.extui %sign3A_4 : i1 to i32
    %sign3A_6 = arith.subi %sign3A_2, %sign3A_5 : i32
    %sign3A_7 = arith.constant 0 : i32
    %sign3A_8 = arith.cmpi sgt, %jit3A, %sign3A_7 : i32
    %sign3A_9 = arith.extui %sign3A_8 : i1 to i32
    %sign3A_10 = arith.constant 0 : i32
    %sign3A_11 = arith.cmpi slt, %jit3A, %sign3A_10 : i32
    %sign3A_12 = arith.extui %sign3A_11 : i1 to i32
    %sign3A_13 = arith.subi %sign3A_9, %sign3A_12 : i32
    %ne3A = arith.cmpi ne, %sign3A_6, %sign3A_13 : i32
    %rem3A = arith.remsi %add3A, %jit3A : i32
    %ne3A_14 = arith.constant 0 : i32
    %ne3A_15 = arith.cmpi ne, %rem3A, %ne3A_14 : i32
    %and3A = arith.andi %ne3A, %ne3A_15 : i1
    %sub3A = arith.constant 1 : i32
    %sub3A_16 = arith.subi %div3A, %sub3A : i32
    %select_n3A = arith.select %and3A, %sub3A_16, %div3A : i32
    %jit3A_17 = arith.constant 8 : i32
    %eq3A = arith.constant 0 : i32
    %eq3A_18 = arith.cmpi eq, %jit3A_17, %eq3A : i32
    %jit3A_19 = arith.constant 1 : i32
    %select_n3A_20 = arith.select %eq3A_18, %jit3A_19, %jit3A_17 : i32
    %rem3A_21 = arith.remsi %add3A, %select_n3A_20 : i32
    %ne3A_22 = arith.constant 0 : i32
    %ne3A_23 = arith.cmpi ne, %rem3A_21, %ne3A_22 : i32
    %lt3A = arith.constant 0 : i32
    %lt3A_24 = arith.cmpi slt, %rem3A_21, %lt3A : i32
    %lt3A_25 = arith.constant 0 : i32
    %lt3A_26 = arith.cmpi slt, %select_n3A_20, %lt3A_25 : i32
    %ne3A_27 = arith.xori %lt3A_24, %lt3A_26 : i1
    %and3A_28 = arith.andi %ne3A_27, %ne3A_23 : i1
    %add3A_29 = arith.addi %rem3A_21, %select_n3A_20 : i32
    %select_n3A_30 = arith.select %and3A_28, %add3A_29, %rem3A_21 : i32
    %mul3A_31 = arith.constant 40000 : i32
    %mul3A_32 = arith.muli %select_n3A_30, %mul3A_31 : i32
    %add3A_33 = arith.constant 0 : i32
    %add3A_34 = arith.addi %mul3A_32, %add3A_33 : i32
    "tpu.region"() ({
      %run_scoped3A = tpu.sem_alloc : memref<!tpu.dma_semaphore, #tpu.memory_space<semaphore_mem>>
      %dma_start3A = tpu.memref_slice %arg2[%add3A_34] : memref<320000xf32, #tpu.memory_space<hbm>> -> memref<10000xf32, #tpu.memory_space<hbm>>
      %dma_start3A_73 = tpu.memref_slice %arg2[%add3A_34] : memref<320000xf32, #tpu.memory_space<hbm>> -> memref<10000xf32, #tpu.memory_space<hbm>>
      tpu.enqueue_dma source(%dma_start3A_73 : memref<10000xf32, #tpu.memory_space<hbm>>) target(%arg7 : memref<10000xf32, #tpu.memory_space<vmem>>) target_semaphore(%run_scoped3A : memref<!tpu.dma_semaphore, #tpu.memory_space<semaphore_mem>>)
      %dma_wait3A = tpu.memref_slice %arg2[%add3A_34] : memref<320000xf32, #tpu.memory_space<hbm>> -> memref<10000xf32, #tpu.memory_space<hbm>>
      %dma_wait3A_74 = tpu.memref_slice %arg2[%add3A_34] : memref<320000xf32, #tpu.memory_space<hbm>> -> memref<10000xf32, #tpu.memory_space<hbm>>
      tpu.wait_dma2 semaphore(%run_scoped3A : memref<!tpu.dma_semaphore, #tpu.memory_space<semaphore_mem>>) src(%dma_wait3A_74 : memref<10000xf32, #tpu.memory_space<hbm>>) dst(%arg7 : memref<10000xf32, #tpu.memory_space<vmem>>)
      tpu.yield
    }) : () -> ()
    "tpu.region"() ({
      %run_scoped3A = tpu.sem_alloc : memref<!tpu.dma_semaphore, #tpu.memory_space<semaphore_mem>>
      tpu.enqueue_dma source(%arg5 : memref<10000xf32, #tpu.memory_space<hbm>>) target(%arg11 : memref<10000xf32, #tpu.memory_space<vmem>>) target_semaphore(%run_scoped3A : memref<!tpu.dma_semaphore, #tpu.memory_space<semaphore_mem>>)
      tpu.wait_dma2 semaphore(%run_scoped3A : memref<!tpu.dma_semaphore, #tpu.memory_space<semaphore_mem>>) src(%arg5 : memref<10000xf32, #tpu.memory_space<hbm>>) dst(%arg11 : memref<10000xf32, #tpu.memory_space<vmem>>)
      tpu.yield
    }) : () -> ()
    %mul3A_35 = arith.constant 40000 : i32
    %mul3A_36 = arith.muli %select_n3A_30, %mul3A_35 : i32
    %add3A_37 = arith.constant 10000 : i32
    %add3A_38 = arith.addi %mul3A_36, %add3A_37 : i32
    "tpu.region"() ({
      %run_scoped3A = tpu.sem_alloc : memref<!tpu.dma_semaphore, #tpu.memory_space<semaphore_mem>>
      %dma_start3A = tpu.memref_slice %arg2[%add3A_38] : memref<320000xf32, #tpu.memory_space<hbm>> -> memref<10000xf32, #tpu.memory_space<hbm>>
      %dma_start3A_73 = tpu.memref_slice %arg2[%add3A_38] : memref<320000xf32, #tpu.memory_space<hbm>> -> memref<10000xf32, #tpu.memory_space<hbm>>
      tpu.enqueue_dma source(%dma_start3A_73 : memref<10000xf32, #tpu.memory_space<hbm>>) target(%arg8 : memref<10000xf32, #tpu.memory_space<vmem>>) target_semaphore(%run_scoped3A : memref<!tpu.dma_semaphore, #tpu.memory_space<semaphore_mem>>)
      %dma_wait3A = tpu.memref_slice %arg2[%add3A_38] : memref<320000xf32, #tpu.memory_space<hbm>> -> memref<10000xf32, #tpu.memory_space<hbm>>
      %dma_wait3A_74 = tpu.memref_slice %arg2[%add3A_38] : memref<320000xf32, #tpu.memory_space<hbm>> -> memref<10000xf32, #tpu.memory_space<hbm>>
      tpu.wait_dma2 semaphore(%run_scoped3A : memref<!tpu.dma_semaphore, #tpu.memory_space<semaphore_mem>>) src(%dma_wait3A_74 : memref<10000xf32, #tpu.memory_space<hbm>>) dst(%arg8 : memref<10000xf32, #tpu.memory_space<vmem>>)
      tpu.yield
    }) : () -> ()
    "tpu.region"() ({
      %run_scoped3A = tpu.sem_alloc : memref<!tpu.dma_semaphore, #tpu.memory_space<semaphore_mem>>
      tpu.enqueue_dma source(%arg5 : memref<10000xf32, #tpu.memory_space<hbm>>) target(%arg12 : memref<10000xf32, #tpu.memory_space<vmem>>) target_semaphore(%run_scoped3A : memref<!tpu.dma_semaphore, #tpu.memory_space<semaphore_mem>>)
      tpu.wait_dma2 semaphore(%run_scoped3A : memref<!tpu.dma_semaphore, #tpu.memory_space<semaphore_mem>>) src(%arg5 : memref<10000xf32, #tpu.memory_space<hbm>>) dst(%arg12 : memref<10000xf32, #tpu.memory_space<vmem>>)
      tpu.yield
    }) : () -> ()
    %mul3A_39 = arith.constant 40000 : i32
    %mul3A_40 = arith.muli %select_n3A_30, %mul3A_39 : i32
    %add3A_41 = arith.constant 20000 : i32
    %add3A_42 = arith.addi %mul3A_40, %add3A_41 : i32
    "tpu.region"() ({
      %run_scoped3A = tpu.sem_alloc : memref<!tpu.dma_semaphore, #tpu.memory_space<semaphore_mem>>
      %dma_start3A = tpu.memref_slice %arg2[%add3A_42] : memref<320000xf32, #tpu.memory_space<hbm>> -> memref<10000xf32, #tpu.memory_space<hbm>>
      %dma_start3A_73 = tpu.memref_slice %arg2[%add3A_42] : memref<320000xf32, #tpu.memory_space<hbm>> -> memref<10000xf32, #tpu.memory_space<hbm>>
      tpu.enqueue_dma source(%dma_start3A_73 : memref<10000xf32, #tpu.memory_space<hbm>>) target(%arg9 : memref<10000xf32, #tpu.memory_space<vmem>>) target_semaphore(%run_scoped3A : memref<!tpu.dma_semaphore, #tpu.memory_space<semaphore_mem>>)
      %dma_wait3A = tpu.memref_slice %arg2[%add3A_42] : memref<320000xf32, #tpu.memory_space<hbm>> -> memref<10000xf32, #tpu.memory_space<hbm>>
      %dma_wait3A_74 = tpu.memref_slice %arg2[%add3A_42] : memref<320000xf32, #tpu.memory_space<hbm>> -> memref<10000xf32, #tpu.memory_space<hbm>>
      tpu.wait_dma2 semaphore(%run_scoped3A : memref<!tpu.dma_semaphore, #tpu.memory_space<semaphore_mem>>) src(%dma_wait3A_74 : memref<10000xf32, #tpu.memory_space<hbm>>) dst(%arg9 : memref<10000xf32, #tpu.memory_space<vmem>>)
      tpu.yield
    }) : () -> ()
    "tpu.region"() ({
      %run_scoped3A = tpu.sem_alloc : memref<!tpu.dma_semaphore, #tpu.memory_space<semaphore_mem>>
      tpu.enqueue_dma source(%arg5 : memref<10000xf32, #tpu.memory_space<hbm>>) target(%arg13 : memref<10000xf32, #tpu.memory_space<vmem>>) target_semaphore(%run_scoped3A : memref<!tpu.dma_semaphore, #tpu.memory_space<semaphore_mem>>)
      tpu.wait_dma2 semaphore(%run_scoped3A : memref<!tpu.dma_semaphore, #tpu.memory_space<semaphore_mem>>) src(%arg5 : memref<10000xf32, #tpu.memory_space<hbm>>) dst(%arg13 : memref<10000xf32, #tpu.memory_space<vmem>>)
      tpu.yield
    }) : () -> ()
    %mul3A_43 = arith.constant 40000 : i32
    %mul3A_44 = arith.muli %select_n3A_30, %mul3A_43 : i32
    %add3A_45 = arith.constant 30000 : i32
    %add3A_46 = arith.addi %mul3A_44, %add3A_45 : i32
    "tpu.region"() ({
      %run_scoped3A = tpu.sem_alloc : memref<!tpu.dma_semaphore, #tpu.memory_space<semaphore_mem>>
      %dma_start3A = tpu.memref_slice %arg2[%add3A_46] : memref<320000xf32, #tpu.memory_space<hbm>> -> memref<10000xf32, #tpu.memory_space<hbm>>
      %dma_start3A_73 = tpu.memref_slice %arg2[%add3A_46] : memref<320000xf32, #tpu.memory_space<hbm>> -> memref<10000xf32, #tpu.memory_space<hbm>>
      tpu.enqueue_dma source(%dma_start3A_73 : memref<10000xf32, #tpu.memory_space<hbm>>) target(%arg10 : memref<10000xf32, #tpu.memory_space<vmem>>) target_semaphore(%run_scoped3A : memref<!tpu.dma_semaphore, #tpu.memory_space<semaphore_mem>>)
      %dma_wait3A = tpu.memref_slice %arg2[%add3A_46] : memref<320000xf32, #tpu.memory_space<hbm>> -> memref<10000xf32, #tpu.memory_space<hbm>>
      %dma_wait3A_74 = tpu.memref_slice %arg2[%add3A_46] : memref<320000xf32, #tpu.memory_space<hbm>> -> memref<10000xf32, #tpu.memory_space<hbm>>
      tpu.wait_dma2 semaphore(%run_scoped3A : memref<!tpu.dma_semaphore, #tpu.memory_space<semaphore_mem>>) src(%dma_wait3A_74 : memref<10000xf32, #tpu.memory_space<hbm>>) dst(%arg10 : memref<10000xf32, #tpu.memory_space<vmem>>)
      tpu.yield
    }) : () -> ()
    "tpu.region"() ({
      %run_scoped3A = tpu.sem_alloc : memref<!tpu.dma_semaphore, #tpu.memory_space<semaphore_mem>>
      tpu.enqueue_dma source(%arg5 : memref<10000xf32, #tpu.memory_space<hbm>>) target(%arg14 : memref<10000xf32, #tpu.memory_space<vmem>>) target_semaphore(%run_scoped3A : memref<!tpu.dma_semaphore, #tpu.memory_space<semaphore_mem>>)
      tpu.wait_dma2 semaphore(%run_scoped3A : memref<!tpu.dma_semaphore, #tpu.memory_space<semaphore_mem>>) src(%arg5 : memref<10000xf32, #tpu.memory_space<hbm>>) dst(%arg14 : memref<10000xf32, #tpu.memory_space<vmem>>)
      tpu.yield
    }) : () -> ()
    %mul3A_47 = arith.constant 81920 : i32
    %mul3A_48 = arith.muli %select_n3A, %mul3A_47 : i32
    %broadcast_in_dim3A = arith.constant 0.000000e+00 : f32
    %broadcast_in_dim3A_49 = vector.broadcast %broadcast_in_dim3A : f32 to vector<16xf32>
    %broadcast_in_dim3A_50 = arith.constant 0 : i32
    %broadcast_in_dim3A_51 = vector.broadcast %broadcast_in_dim3A_50 : i32 to vector<16xi32>
    %scan3A = arith.constant 0 : i32
    %scan3A_52 = arith.constant 10 : i32
    %scan3A_53 = arith.addi %scan3A, %scan3A_52 : i32
    %scan3A_54 = arith.constant 1 : i32
    %scan3A_55:5 = scf.for %scan3A_73 = %scan3A to %scan3A_53 step %scan3A_54 iter_args(%scan3A_74 = %broadcast_in_dim3A_49, %scan3A_75 = %broadcast_in_dim3A_49, %scan3A_76 = %broadcast_in_dim3A_49, %scan3A_77 = %broadcast_in_dim3A_49, %scan3A_78 = %broadcast_in_dim3A_51) -> (vector<16xf32>, vector<16xf32>, vector<16xf32>, vector<16xf32>, vector<16xi32>)  : i32 {
      %mul3A_79 = arith.constant 1 : i32
      %mul3A_80 = arith.muli %scan3A_73, %mul3A_79 : i32
      %add3A_81 = arith.constant 0 : i32
      %add3A_82 = arith.addi %add3A_81, %mul3A_80 : i32
      %mul3A_83 = arith.constant 8192 : i32
      %mul3A_84 = arith.muli %add3A_82, %mul3A_83 : i32
      %add3A_85 = arith.addi %mul3A_48, %mul3A_84 : i32
      "tpu.region"() ({
        %run_scoped3A = tpu.sem_alloc : memref<!tpu.dma_semaphore, #tpu.memory_space<semaphore_mem>>
        %dma_start3A = tpu.memref_slice %arg3[%add3A_85] : memref<327680xi32, #tpu.memory_space<hbm>> -> memref<8192xi32, #tpu.memory_space<hbm>>
        %dma_start3A_95 = tpu.memref_slice %arg3[%add3A_85] : memref<327680xi32, #tpu.memory_space<hbm>> -> memref<8192xi32, #tpu.memory_space<hbm>>
        tpu.enqueue_dma source(%dma_start3A_95 : memref<8192xi32, #tpu.memory_space<hbm>>) target(%arg15 : memref<8192xi32, #tpu.memory_space<vmem>>) target_semaphore(%run_scoped3A : memref<!tpu.dma_semaphore, #tpu.memory_space<semaphore_mem>>)
        %dma_wait3A = tpu.memref_slice %arg3[%add3A_85] : memref<327680xi32, #tpu.memory_space<hbm>> -> memref<8192xi32, #tpu.memory_space<hbm>>
        %dma_wait3A_96 = tpu.memref_slice %arg3[%add3A_85] : memref<327680xi32, #tpu.memory_space<hbm>> -> memref<8192xi32, #tpu.memory_space<hbm>>
        tpu.wait_dma2 semaphore(%run_scoped3A : memref<!tpu.dma_semaphore, #tpu.memory_space<semaphore_mem>>) src(%dma_wait3A_96 : memref<8192xi32, #tpu.memory_space<hbm>>) dst(%arg15 : memref<8192xi32, #tpu.memory_space<vmem>>)
        tpu.yield
      }) : () -> ()
      %mul3A_86 = arith.constant 8192 : i32
      %mul3A_87 = arith.muli %add3A_82, %mul3A_86 : i32
      %add3A_88 = arith.addi %mul3A_48, %mul3A_87 : i32
      "tpu.region"() ({
        %run_scoped3A = tpu.sem_alloc : memref<!tpu.dma_semaphore, #tpu.memory_space<semaphore_mem>>
        %dma_start3A = tpu.memref_slice %arg4[%add3A_88] : memref<327680xi32, #tpu.memory_space<hbm>> -> memref<8192xi32, #tpu.memory_space<hbm>>
        %dma_start3A_95 = tpu.memref_slice %arg4[%add3A_88] : memref<327680xi32, #tpu.memory_space<hbm>> -> memref<8192xi32, #tpu.memory_space<hbm>>
        tpu.enqueue_dma source(%dma_start3A_95 : memref<8192xi32, #tpu.memory_space<hbm>>) target(%arg16 : memref<8192xi32, #tpu.memory_space<vmem>>) target_semaphore(%run_scoped3A : memref<!tpu.dma_semaphore, #tpu.memory_space<semaphore_mem>>)
        %dma_wait3A = tpu.memref_slice %arg4[%add3A_88] : memref<327680xi32, #tpu.memory_space<hbm>> -> memref<8192xi32, #tpu.memory_space<hbm>>
        %dma_wait3A_96 = tpu.memref_slice %arg4[%add3A_88] : memref<327680xi32, #tpu.memory_space<hbm>> -> memref<8192xi32, #tpu.memory_space<hbm>>
        tpu.wait_dma2 semaphore(%run_scoped3A : memref<!tpu.dma_semaphore, #tpu.memory_space<semaphore_mem>>) src(%dma_wait3A_96 : memref<8192xi32, #tpu.memory_space<hbm>>) dst(%arg16 : memref<8192xi32, #tpu.memory_space<vmem>>)
        tpu.yield
      }) : () -> ()
      %scan3A_89 = arith.constant 0 : i32
      %scan3A_90 = arith.constant 512 : i32
      %scan3A_91 = arith.addi %scan3A_89, %scan3A_90 : i32
      %scan3A_92 = arith.constant 8 : i32
      %scan3A_93:5 = scf.for %scan3A_95 = %scan3A_89 to %scan3A_91 step %scan3A_92 iter_args(%scan3A_96 = %scan3A_74, %scan3A_97 = %scan3A_75, %scan3A_98 = %scan3A_76, %scan3A_99 = %scan3A_77, %scan3A_100 = %scan3A_78) -> (vector<16xf32>, vector<16xf32>, vector<16xf32>, vector<16xf32>, vector<16xi32>)  : i32 {
        %mul3A_101 = arith.constant 1 : i32
        %mul3A_102 = arith.muli %scan3A_95, %mul3A_101 : i32
        %add3A_103 = arith.constant 0 : i32
        %add3A_104 = arith.addi %add3A_103, %mul3A_102 : i32
        tpu.vector_store_idx %arg11[%scan3A_100], %scan3A_96 {add = true} : memref<10000xf32, #tpu.memory_space<vmem>>[vector<16xi32>], vector<16xf32>,
        tpu.vector_store_idx %arg12[%scan3A_100], %scan3A_97 {add = true} : memref<10000xf32, #tpu.memory_space<vmem>>[vector<16xi32>], vector<16xf32>,
        tpu.vector_store_idx %arg13[%scan3A_100], %scan3A_98 {add = true} : memref<10000xf32, #tpu.memory_space<vmem>>[vector<16xi32>], vector<16xf32>,
        tpu.vector_store_idx %arg14[%scan3A_100], %scan3A_99 {add = true} : memref<10000xf32, #tpu.memory_space<vmem>>[vector<16xi32>], vector<16xf32>,
        %mul3A_105 = arith.constant 16 : i32
        %mul3A_106 = arith.muli %add3A_104, %mul3A_105 : i32
        %get3A = arith.index_cast %mul3A_106 : i32 to index
        %get3A_107 = tpu.vector_load %arg15[%get3A] {strides = array<i32>} : memref<8192xi32, #tpu.memory_space<vmem>>, vector<16xi32>,
        %mul3A_108 = arith.constant 16 : i32
        %mul3A_109 = arith.muli %add3A_104, %mul3A_108 : i32
        %get3A_110 = arith.index_cast %mul3A_109 : i32 to index
        %get3A_111 = tpu.vector_load %arg16[%get3A_110] {strides = array<i32>} : memref<8192xi32, #tpu.memory_space<vmem>>, vector<16xi32>,
        %ge3A = arith.constant 0 : i32
        %ge3A_112 = vector.broadcast %ge3A : i32 to vector<16xi32>
        %ge3A_113 = arith.cmpi sge, %get3A_107, %ge3A_112 : vector<16xi32>
        %max3A = arith.constant 0 : i32
        %max3A_114 = vector.broadcast %max3A : i32 to vector<16xi32>
        %max3A_115 = arith.maxsi %get3A_107, %max3A_114 : vector<16xi32>
        %max3A_116 = arith.constant 0 : i32
        %max3A_117 = vector.broadcast %max3A_116 : i32 to vector<16xi32>
        %max3A_118 = arith.maxsi %get3A_111, %max3A_117 : vector<16xi32>
        %gather3A = tpu.vector_load_idx %arg7[%max3A_115] : memref<10000xf32, #tpu.memory_space<vmem>>[vector<16xi32>], vector<16xf32>,
        %jit3A_119 = arith.constant 0.000000e+00 : f32
        %broadcast_in_dim3A_120 = vector.broadcast %jit3A_119 : f32 to vector<16xf32>
        %select_n3A_121 = arith.select %ge3A_113, %gather3A, %broadcast_in_dim3A_120 : vector<16xi1>, vector<16xf32>
        %gather3A_122 = tpu.vector_load_idx %arg8[%max3A_115] : memref<10000xf32, #tpu.memory_space<vmem>>[vector<16xi32>], vector<16xf32>,
        %jit3A_123 = arith.constant 0.000000e+00 : f32
        %broadcast_in_dim3A_124 = vector.broadcast %jit3A_123 : f32 to vector<16xf32>
        %select_n3A_125 = arith.select %ge3A_113, %gather3A_122, %broadcast_in_dim3A_124 : vector<16xi1>, vector<16xf32>
        %gather3A_126 = tpu.vector_load_idx %arg9[%max3A_115] : memref<10000xf32, #tpu.memory_space<vmem>>[vector<16xi32>], vector<16xf32>,
        %jit3A_127 = arith.constant 0.000000e+00 : f32
        %broadcast_in_dim3A_128 = vector.broadcast %jit3A_127 : f32 to vector<16xf32>
        %select_n3A_129 = arith.select %ge3A_113, %gather3A_126, %broadcast_in_dim3A_128 : vector<16xi1>, vector<16xf32>
        %gather3A_130 = tpu.vector_load_idx %arg10[%max3A_115] : memref<10000xf32, #tpu.memory_space<vmem>>[vector<16xi32>], vector<16xf32>,
        %jit3A_131 = arith.constant 0.000000e+00 : f32
        %broadcast_in_dim3A_132 = vector.broadcast %jit3A_131 : f32 to vector<16xf32>
        %select_n3A_133 = arith.select %ge3A_113, %gather3A_130, %broadcast_in_dim3A_132 : vector<16xi1>, vector<16xf32>
        %scan3A_134 = arith.constant 1 : i32
        %scan3A_135 = arith.addi %scan3A_95, %scan3A_134 : i32
        %mul3A_136 = arith.constant 1 : i32
        %mul3A_137 = arith.muli %scan3A_135, %mul3A_136 : i32
        %add3A_138 = arith.constant 0 : i32
        %add3A_139 = arith.addi %add3A_138, %mul3A_137 : i32
        tpu.vector_store_idx %arg11[%max3A_118], %select_n3A_121 {add = true} : memref<10000xf32, #tpu.memory_space<vmem>>[vector<16xi32>], vector<16xf32>,
        tpu.vector_store_idx %arg12[%max3A_118], %select_n3A_125 {add = true} : memref<10000xf32, #tpu.memory_space<vmem>>[vector<16xi32>], vector<16xf32>,
        tpu.vector_store_idx %arg13[%max3A_118], %select_n3A_129 {add = true} : memref<10000xf32, #tpu.memory_space<vmem>>[vector<16xi32>], vector<16xf32>,
        tpu.vector_store_idx %arg14[%max3A_118], %select_n3A_133 {add = true} : memref<10000xf32, #tpu.memory_space<vmem>>[vector<16xi32>], vector<16xf32>,
        %mul3A_140 = arith.constant 16 : i32
        %mul3A_141 = arith.muli %add3A_139, %mul3A_140 : i32
        %get3A_142 = arith.index_cast %mul3A_141 : i32 to index
        %get3A_143 = tpu.vector_load %arg15[%get3A_142] {strides = array<i32>} : memref<8192xi32, #tpu.memory_space<vmem>>, vector<16xi32>,
        %mul3A_144 = arith.constant 16 : i32
        %mul3A_145 = arith.muli %add3A_139, %mul3A_144 : i32
        %get3A_146 = arith.index_cast %mul3A_145 : i32 to index
        %get3A_147 = tpu.vector_load %arg16[%get3A_146] {strides = array<i32>} : memref<8192xi32, #tpu.memory_space<vmem>>, vector<16xi32>,
        %ge3A_148 = arith.constant 0 : i32
        %ge3A_149 = vector.broadcast %ge3A_148 : i32 to vector<16xi32>
        %ge3A_150 = arith.cmpi sge, %get3A_143, %ge3A_149 : vector<16xi32>
        %max3A_151 = arith.constant 0 : i32
        %max3A_152 = vector.broadcast %max3A_151 : i32 to vector<16xi32>
        %max3A_153 = arith.maxsi %get3A_143, %max3A_152 : vector<16xi32>
        %max3A_154 = arith.constant 0 : i32
        %max3A_155 = vector.broadcast %max3A_154 : i32 to vector<16xi32>
        %max3A_156 = arith.maxsi %get3A_147, %max3A_155 : vector<16xi32>
        %gather3A_157 = tpu.vector_load_idx %arg7[%max3A_153] : memref<10000xf32, #tpu.memory_space<vmem>>[vector<16xi32>], vector<16xf32>,
        %jit3A_158 = arith.constant 0.000000e+00 : f32
        %broadcast_in_dim3A_159 = vector.broadcast %jit3A_158 : f32 to vector<16xf32>
        %select_n3A_160 = arith.select %ge3A_150, %gather3A_157, %broadcast_in_dim3A_159 : vector<16xi1>, vector<16xf32>
        %gather3A_161 = tpu.vector_load_idx %arg8[%max3A_153] : memref<10000xf32, #tpu.memory_space<vmem>>[vector<16xi32>], vector<16xf32>,
        %jit3A_162 = arith.constant 0.000000e+00 : f32
        %broadcast_in_dim3A_163 = vector.broadcast %jit3A_162 : f32 to vector<16xf32>
        %select_n3A_164 = arith.select %ge3A_150, %gather3A_161, %broadcast_in_dim3A_163 : vector<16xi1>, vector<16xf32>
        %gather3A_165 = tpu.vector_load_idx %arg9[%max3A_153] : memref<10000xf32, #tpu.memory_space<vmem>>[vector<16xi32>], vector<16xf32>,
        %jit3A_166 = arith.constant 0.000000e+00 : f32
        %broadcast_in_dim3A_167 = vector.broadcast %jit3A_166 : f32 to vector<16xf32>
        %select_n3A_168 = arith.select %ge3A_150, %gather3A_165, %broadcast_in_dim3A_167 : vector<16xi1>, vector<16xf32>
        %gather3A_169 = tpu.vector_load_idx %arg10[%max3A_153] : memref<10000xf32, #tpu.memory_space<vmem>>[vector<16xi32>], vector<16xf32>,
        %jit3A_170 = arith.constant 0.000000e+00 : f32
        %broadcast_in_dim3A_171 = vector.broadcast %jit3A_170 : f32 to vector<16xf32>
        %select_n3A_172 = arith.select %ge3A_150, %gather3A_169, %broadcast_in_dim3A_171 : vector<16xi1>, vector<16xf32>
        %scan3A_173 = arith.constant 2 : i32
        %scan3A_174 = arith.addi %scan3A_95, %scan3A_173 : i32
        %mul3A_175 = arith.constant 1 : i32
        %mul3A_176 = arith.muli %scan3A_174, %mul3A_175 : i32
        %add3A_177 = arith.constant 0 : i32
        %add3A_178 = arith.addi %add3A_177, %mul3A_176 : i32
        tpu.vector_store_idx %arg11[%max3A_156], %select_n3A_160 {add = true} : memref<10000xf32, #tpu.memory_space<vmem>>[vector<16xi32>], vector<16xf32>,
        tpu.vector_store_idx %arg12[%max3A_156], %select_n3A_164 {add = true} : memref<10000xf32, #tpu.memory_space<vmem>>[vector<16xi32>], vector<16xf32>,
        tpu.vector_store_idx %arg13[%max3A_156], %select_n3A_168 {add = true} : memref<10000xf32, #tpu.memory_space<vmem>>[vector<16xi32>], vector<16xf32>,
        tpu.vector_store_idx %arg14[%max3A_156], %select_n3A_172 {add = true} : memref<10000xf32, #tpu.memory_space<vmem>>[vector<16xi32>], vector<16xf32>,
        %mul3A_179 = arith.constant 16 : i32
        %mul3A_180 = arith.muli %add3A_178, %mul3A_179 : i32
        %get3A_181 = arith.index_cast %mul3A_180 : i32 to index
        %get3A_182 = tpu.vector_load %arg15[%get3A_181] {strides = array<i32>} : memref<8192xi32, #tpu.memory_space<vmem>>, vector<16xi32>,
        %mul3A_183 = arith.constant 16 : i32
        %mul3A_184 = arith.muli %add3A_178, %mul3A_183 : i32
        %get3A_185 = arith.index_cast %mul3A_184 : i32 to index
        %get3A_186 = tpu.vector_load %arg16[%get3A_185] {strides = array<i32>} : memref<8192xi32, #tpu.memory_space<vmem>>, vector<16xi32>,
        %ge3A_187 = arith.constant 0 : i32
        %ge3A_188 = vector.broadcast %ge3A_187 : i32 to vector<16xi32>
        %ge3A_189 = arith.cmpi sge, %get3A_182, %ge3A_188 : vector<16xi32>
        %max3A_190 = arith.constant 0 : i32
        %max3A_191 = vector.broadcast %max3A_190 : i32 to vector<16xi32>
        %max3A_192 = arith.maxsi %get3A_182, %max3A_191 : vector<16xi32>
        %max3A_193 = arith.constant 0 : i32
        %max3A_194 = vector.broadcast %max3A_193 : i32 to vector<16xi32>
        %max3A_195 = arith.maxsi %get3A_186, %max3A_194 : vector<16xi32>
        %gather3A_196 = tpu.vector_load_idx %arg7[%max3A_192] : memref<10000xf32, #tpu.memory_space<vmem>>[vector<16xi32>], vector<16xf32>,
        %jit3A_197 = arith.constant 0.000000e+00 : f32
        %broadcast_in_dim3A_198 = vector.broadcast %jit3A_197 : f32 to vector<16xf32>
        %select_n3A_199 = arith.select %ge3A_189, %gather3A_196, %broadcast_in_dim3A_198 : vector<16xi1>, vector<16xf32>
        %gather3A_200 = tpu.vector_load_idx %arg8[%max3A_192] : memref<10000xf32, #tpu.memory_space<vmem>>[vector<16xi32>], vector<16xf32>,
        %jit3A_201 = arith.constant 0.000000e+00 : f32
        %broadcast_in_dim3A_202 = vector.broadcast %jit3A_201 : f32 to vector<16xf32>
        %select_n3A_203 = arith.select %ge3A_189, %gather3A_200, %broadcast_in_dim3A_202 : vector<16xi1>, vector<16xf32>
        %gather3A_204 = tpu.vector_load_idx %arg9[%max3A_192] : memref<10000xf32, #tpu.memory_space<vmem>>[vector<16xi32>], vector<16xf32>,
        %jit3A_205 = arith.constant 0.000000e+00 : f32
        %broadcast_in_dim3A_206 = vector.broadcast %jit3A_205 : f32 to vector<16xf32>
        %select_n3A_207 = arith.select %ge3A_189, %gather3A_204, %broadcast_in_dim3A_206 : vector<16xi1>, vector<16xf32>
        %gather3A_208 = tpu.vector_load_idx %arg10[%max3A_192] : memref<10000xf32, #tpu.memory_space<vmem>>[vector<16xi32>], vector<16xf32>,
        %jit3A_209 = arith.constant 0.000000e+00 : f32
        %broadcast_in_dim3A_210 = vector.broadcast %jit3A_209 : f32 to vector<16xf32>
        %select_n3A_211 = arith.select %ge3A_189, %gather3A_208, %broadcast_in_dim3A_210 : vector<16xi1>, vector<16xf32>
        %scan3A_212 = arith.constant 3 : i32
        %scan3A_213 = arith.addi %scan3A_95, %scan3A_212 : i32
        %mul3A_214 = arith.constant 1 : i32
        %mul3A_215 = arith.muli %scan3A_213, %mul3A_214 : i32
        %add3A_216 = arith.constant 0 : i32
        %add3A_217 = arith.addi %add3A_216, %mul3A_215 : i32
        tpu.vector_store_idx %arg11[%max3A_195], %select_n3A_199 {add = true} : memref<10000xf32, #tpu.memory_space<vmem>>[vector<16xi32>], vector<16xf32>,
        tpu.vector_store_idx %arg12[%max3A_195], %select_n3A_203 {add = true} : memref<10000xf32, #tpu.memory_space<vmem>>[vector<16xi32>], vector<16xf32>,
        tpu.vector_store_idx %arg13[%max3A_195], %select_n3A_207 {add = true} : memref<10000xf32, #tpu.memory_space<vmem>>[vector<16xi32>], vector<16xf32>,
        tpu.vector_store_idx %arg14[%max3A_195], %select_n3A_211 {add = true} : memref<10000xf32, #tpu.memory_space<vmem>>[vector<16xi32>], vector<16xf32>,
        %mul3A_218 = arith.constant 16 : i32
        %mul3A_219 = arith.muli %add3A_217, %mul3A_218 : i32
        %get3A_220 = arith.index_cast %mul3A_219 : i32 to index
        %get3A_221 = tpu.vector_load %arg15[%get3A_220] {strides = array<i32>} : memref<8192xi32, #tpu.memory_space<vmem>>, vector<16xi32>,
        %mul3A_222 = arith.constant 16 : i32
        %mul3A_223 = arith.muli %add3A_217, %mul3A_222 : i32
        %get3A_224 = arith.index_cast %mul3A_223 : i32 to index
        %get3A_225 = tpu.vector_load %arg16[%get3A_224] {strides = array<i32>} : memref<8192xi32, #tpu.memory_space<vmem>>, vector<16xi32>,
        %ge3A_226 = arith.constant 0 : i32
        %ge3A_227 = vector.broadcast %ge3A_226 : i32 to vector<16xi32>
        %ge3A_228 = arith.cmpi sge, %get3A_221, %ge3A_227 : vector<16xi32>
        %max3A_229 = arith.constant 0 : i32
        %max3A_230 = vector.broadcast %max3A_229 : i32 to vector<16xi32>
        %max3A_231 = arith.maxsi %get3A_221, %max3A_230 : vector<16xi32>
        %max3A_232 = arith.constant 0 : i32
        %max3A_233 = vector.broadcast %max3A_232 : i32 to vector<16xi32>
        %max3A_234 = arith.maxsi %get3A_225, %max3A_233 : vector<16xi32>
        %gather3A_235 = tpu.vector_load_idx %arg7[%max3A_231] : memref<10000xf32, #tpu.memory_space<vmem>>[vector<16xi32>], vector<16xf32>,
        %jit3A_236 = arith.constant 0.000000e+00 : f32
        %broadcast_in_dim3A_237 = vector.broadcast %jit3A_236 : f32 to vector<16xf32>
        %select_n3A_238 = arith.select %ge3A_228, %gather3A_235, %broadcast_in_dim3A_237 : vector<16xi1>, vector<16xf32>
        %gather3A_239 = tpu.vector_load_idx %arg8[%max3A_231] : memref<10000xf32, #tpu.memory_space<vmem>>[vector<16xi32>], vector<16xf32>,
        %jit3A_240 = arith.constant 0.000000e+00 : f32
        %broadcast_in_dim3A_241 = vector.broadcast %jit3A_240 : f32 to vector<16xf32>
        %select_n3A_242 = arith.select %ge3A_228, %gather3A_239, %broadcast_in_dim3A_241 : vector<16xi1>, vector<16xf32>
        %gather3A_243 = tpu.vector_load_idx %arg9[%max3A_231] : memref<10000xf32, #tpu.memory_space<vmem>>[vector<16xi32>], vector<16xf32>,
        %jit3A_244 = arith.constant 0.000000e+00 : f32
        %broadcast_in_dim3A_245 = vector.broadcast %jit3A_244 : f32 to vector<16xf32>
        %select_n3A_246 = arith.select %ge3A_228, %gather3A_243, %broadcast_in_dim3A_245 : vector<16xi1>, vector<16xf32>
        %gather3A_247 = tpu.vector_load_idx %arg10[%max3A_231] : memref<10000xf32, #tpu.memory_space<vmem>>[vector<16xi32>], vector<16xf32>,
        %jit3A_248 = arith.constant 0.000000e+00 : f32
        %broadcast_in_dim3A_249 = vector.broadcast %jit3A_248 : f32 to vector<16xf32>
        %select_n3A_250 = arith.select %ge3A_228, %gather3A_247, %broadcast_in_dim3A_249 : vector<16xi1>, vector<16xf32>
        %scan3A_251 = arith.constant 4 : i32
        %scan3A_252 = arith.addi %scan3A_95, %scan3A_251 : i32
        %mul3A_253 = arith.constant 1 : i32
        %mul3A_254 = arith.muli %scan3A_252, %mul3A_253 : i32
        %add3A_255 = arith.constant 0 : i32
        %add3A_256 = arith.addi %add3A_255, %mul3A_254 : i32
        tpu.vector_store_idx %arg11[%max3A_234], %select_n3A_238 {add = true} : memref<10000xf32, #tpu.memory_space<vmem>>[vector<16xi32>], vector<16xf32>,
        tpu.vector_store_idx %arg12[%max3A_234], %select_n3A_242 {add = true} : memref<10000xf32, #tpu.memory_space<vmem>>[vector<16xi32>], vector<16xf32>,
        tpu.vector_store_idx %arg13[%max3A_234], %select_n3A_246 {add = true} : memref<10000xf32, #tpu.memory_space<vmem>>[vector<16xi32>], vector<16xf32>,
        tpu.vector_store_idx %arg14[%max3A_234], %select_n3A_250 {add = true} : memref<10000xf32, #tpu.memory_space<vmem>>[vector<16xi32>], vector<16xf32>,
        %mul3A_257 = arith.constant 16 : i32
        %mul3A_258 = arith.muli %add3A_256, %mul3A_257 : i32
        %get3A_259 = arith.index_cast %mul3A_258 : i32 to index
        %get3A_260 = tpu.vector_load %arg15[%get3A_259] {strides = array<i32>} : memref<8192xi32, #tpu.memory_space<vmem>>, vector<16xi32>,
        %mul3A_261 = arith.constant 16 : i32
        %mul3A_262 = arith.muli %add3A_256, %mul3A_261 : i32
        %get3A_263 = arith.index_cast %mul3A_262 : i32 to index
        %get3A_264 = tpu.vector_load %arg16[%get3A_263] {strides = array<i32>} : memref<8192xi32, #tpu.memory_space<vmem>>, vector<16xi32>,
        %ge3A_265 = arith.constant 0 : i32
        %ge3A_266 = vector.broadcast %ge3A_265 : i32 to vector<16xi32>
        %ge3A_267 = arith.cmpi sge, %get3A_260, %ge3A_266 : vector<16xi32>
        %max3A_268 = arith.constant 0 : i32
        %max3A_269 = vector.broadcast %max3A_268 : i32 to vector<16xi32>
        %max3A_270 = arith.maxsi %get3A_260, %max3A_269 : vector<16xi32>
        %max3A_271 = arith.constant 0 : i32
        %max3A_272 = vector.broadcast %max3A_271 : i32 to vector<16xi32>
        %max3A_273 = arith.maxsi %get3A_264, %max3A_272 : vector<16xi32>
        %gather3A_274 = tpu.vector_load_idx %arg7[%max3A_270] : memref<10000xf32, #tpu.memory_space<vmem>>[vector<16xi32>], vector<16xf32>,
        %jit3A_275 = arith.constant 0.000000e+00 : f32
        %broadcast_in_dim3A_276 = vector.broadcast %jit3A_275 : f32 to vector<16xf32>
        %select_n3A_277 = arith.select %ge3A_267, %gather3A_274, %broadcast_in_dim3A_276 : vector<16xi1>, vector<16xf32>
        %gather3A_278 = tpu.vector_load_idx %arg8[%max3A_270] : memref<10000xf32, #tpu.memory_space<vmem>>[vector<16xi32>], vector<16xf32>,
        %jit3A_279 = arith.constant 0.000000e+00 : f32
        %broadcast_in_dim3A_280 = vector.broadcast %jit3A_279 : f32 to vector<16xf32>
        %select_n3A_281 = arith.select %ge3A_267, %gather3A_278, %broadcast_in_dim3A_280 : vector<16xi1>, vector<16xf32>
        %gather3A_282 = tpu.vector_load_idx %arg9[%max3A_270] : memref<10000xf32, #tpu.memory_space<vmem>>[vector<16xi32>], vector<16xf32>,
        %jit3A_283 = arith.constant 0.000000e+00 : f32
        %broadcast_in_dim3A_284 = vector.broadcast %jit3A_283 : f32 to vector<16xf32>
        %select_n3A_285 = arith.select %ge3A_267, %gather3A_282, %broadcast_in_dim3A_284 : vector<16xi1>, vector<16xf32>
        %gather3A_286 = tpu.vector_load_idx %arg10[%max3A_270] : memref<10000xf32, #tpu.memory_space<vmem>>[vector<16xi32>], vector<16xf32>,
        %jit3A_287 = arith.constant 0.000000e+00 : f32
        %broadcast_in_dim3A_288 = vector.broadcast %jit3A_287 : f32 to vector<16xf32>
        %select_n3A_289 = arith.select %ge3A_267, %gather3A_286, %broadcast_in_dim3A_288 : vector<16xi1>, vector<16xf32>
        %scan3A_290 = arith.constant 5 : i32
        %scan3A_291 = arith.addi %scan3A_95, %scan3A_290 : i32
        %mul3A_292 = arith.constant 1 : i32
        %mul3A_293 = arith.muli %scan3A_291, %mul3A_292 : i32
        %add3A_294 = arith.constant 0 : i32
        %add3A_295 = arith.addi %add3A_294, %mul3A_293 : i32
        tpu.vector_store_idx %arg11[%max3A_273], %select_n3A_277 {add = true} : memref<10000xf32, #tpu.memory_space<vmem>>[vector<16xi32>], vector<16xf32>,
        tpu.vector_store_idx %arg12[%max3A_273], %select_n3A_281 {add = true} : memref<10000xf32, #tpu.memory_space<vmem>>[vector<16xi32>], vector<16xf32>,
        tpu.vector_store_idx %arg13[%max3A_273], %select_n3A_285 {add = true} : memref<10000xf32, #tpu.memory_space<vmem>>[vector<16xi32>], vector<16xf32>,
        tpu.vector_store_idx %arg14[%max3A_273], %select_n3A_289 {add = true} : memref<10000xf32, #tpu.memory_space<vmem>>[vector<16xi32>], vector<16xf32>,
        %mul3A_296 = arith.constant 16 : i32
        %mul3A_297 = arith.muli %add3A_295, %mul3A_296 : i32
        %get3A_298 = arith.index_cast %mul3A_297 : i32 to index
        %get3A_299 = tpu.vector_load %arg15[%get3A_298] {strides = array<i32>} : memref<8192xi32, #tpu.memory_space<vmem>>, vector<16xi32>,
        %mul3A_300 = arith.constant 16 : i32
        %mul3A_301 = arith.muli %add3A_295, %mul3A_300 : i32
        %get3A_302 = arith.index_cast %mul3A_301 : i32 to index
        %get3A_303 = tpu.vector_load %arg16[%get3A_302] {strides = array<i32>} : memref<8192xi32, #tpu.memory_space<vmem>>, vector<16xi32>,
        %ge3A_304 = arith.constant 0 : i32
        %ge3A_305 = vector.broadcast %ge3A_304 : i32 to vector<16xi32>
        %ge3A_306 = arith.cmpi sge, %get3A_299, %ge3A_305 : vector<16xi32>
        %max3A_307 = arith.constant 0 : i32
        %max3A_308 = vector.broadcast %max3A_307 : i32 to vector<16xi32>
        %max3A_309 = arith.maxsi %get3A_299, %max3A_308 : vector<16xi32>
        %max3A_310 = arith.constant 0 : i32
        %max3A_311 = vector.broadcast %max3A_310 : i32 to vector<16xi32>
        %max3A_312 = arith.maxsi %get3A_303, %max3A_311 : vector<16xi32>
        %gather3A_313 = tpu.vector_load_idx %arg7[%max3A_309] : memref<10000xf32, #tpu.memory_space<vmem>>[vector<16xi32>], vector<16xf32>,
        %jit3A_314 = arith.constant 0.000000e+00 : f32
        %broadcast_in_dim3A_315 = vector.broadcast %jit3A_314 : f32 to vector<16xf32>
        %select_n3A_316 = arith.select %ge3A_306, %gather3A_313, %broadcast_in_dim3A_315 : vector<16xi1>, vector<16xf32>
        %gather3A_317 = tpu.vector_load_idx %arg8[%max3A_309] : memref<10000xf32, #tpu.memory_space<vmem>>[vector<16xi32>], vector<16xf32>,
        %jit3A_318 = arith.constant 0.000000e+00 : f32
        %broadcast_in_dim3A_319 = vector.broadcast %jit3A_318 : f32 to vector<16xf32>
        %select_n3A_320 = arith.select %ge3A_306, %gather3A_317, %broadcast_in_dim3A_319 : vector<16xi1>, vector<16xf32>
        %gather3A_321 = tpu.vector_load_idx %arg9[%max3A_309] : memref<10000xf32, #tpu.memory_space<vmem>>[vector<16xi32>], vector<16xf32>,
        %jit3A_322 = arith.constant 0.000000e+00 : f32
        %broadcast_in_dim3A_323 = vector.broadcast %jit3A_322 : f32 to vector<16xf32>
        %select_n3A_324 = arith.select %ge3A_306, %gather3A_321, %broadcast_in_dim3A_323 : vector<16xi1>, vector<16xf32>
        %gather3A_325 = tpu.vector_load_idx %arg10[%max3A_309] : memref<10000xf32, #tpu.memory_space<vmem>>[vector<16xi32>], vector<16xf32>,
        %jit3A_326 = arith.constant 0.000000e+00 : f32
        %broadcast_in_dim3A_327 = vector.broadcast %jit3A_326 : f32 to vector<16xf32>
        %select_n3A_328 = arith.select %ge3A_306, %gather3A_325, %broadcast_in_dim3A_327 : vector<16xi1>, vector<16xf32>
        %scan3A_329 = arith.constant 6 : i32
        %scan3A_330 = arith.addi %scan3A_95, %scan3A_329 : i32
        %mul3A_331 = arith.constant 1 : i32
        %mul3A_332 = arith.muli %scan3A_330, %mul3A_331 : i32
        %add3A_333 = arith.constant 0 : i32
        %add3A_334 = arith.addi %add3A_333, %mul3A_332 : i32
        tpu.vector_store_idx %arg11[%max3A_312], %select_n3A_316 {add = true} : memref<10000xf32, #tpu.memory_space<vmem>>[vector<16xi32>], vector<16xf32>,
        tpu.vector_store_idx %arg12[%max3A_312], %select_n3A_320 {add = true} : memref<10000xf32, #tpu.memory_space<vmem>>[vector<16xi32>], vector<16xf32>,
        tpu.vector_store_idx %arg13[%max3A_312], %select_n3A_324 {add = true} : memref<10000xf32, #tpu.memory_space<vmem>>[vector<16xi32>], vector<16xf32>,
        tpu.vector_store_idx %arg14[%max3A_312], %select_n3A_328 {add = true} : memref<10000xf32, #tpu.memory_space<vmem>>[vector<16xi32>], vector<16xf32>,
        %mul3A_335 = arith.constant 16 : i32
        %mul3A_336 = arith.muli %add3A_334, %mul3A_335 : i32
        %get3A_337 = arith.index_cast %mul3A_336 : i32 to index
        %get3A_338 = tpu.vector_load %arg15[%get3A_337] {strides = array<i32>} : memref<8192xi32, #tpu.memory_space<vmem>>, vector<16xi32>,
        %mul3A_339 = arith.constant 16 : i32
        %mul3A_340 = arith.muli %add3A_334, %mul3A_339 : i32
        %get3A_341 = arith.index_cast %mul3A_340 : i32 to index
        %get3A_342 = tpu.vector_load %arg16[%get3A_341] {strides = array<i32>} : memref<8192xi32, #tpu.memory_space<vmem>>, vector<16xi32>,
        %ge3A_343 = arith.constant 0 : i32
        %ge3A_344 = vector.broadcast %ge3A_343 : i32 to vector<16xi32>
        %ge3A_345 = arith.cmpi sge, %get3A_338, %ge3A_344 : vector<16xi32>
        %max3A_346 = arith.constant 0 : i32
        %max3A_347 = vector.broadcast %max3A_346 : i32 to vector<16xi32>
        %max3A_348 = arith.maxsi %get3A_338, %max3A_347 : vector<16xi32>
        %max3A_349 = arith.constant 0 : i32
        %max3A_350 = vector.broadcast %max3A_349 : i32 to vector<16xi32>
        %max3A_351 = arith.maxsi %get3A_342, %max3A_350 : vector<16xi32>
        %gather3A_352 = tpu.vector_load_idx %arg7[%max3A_348] : memref<10000xf32, #tpu.memory_space<vmem>>[vector<16xi32>], vector<16xf32>,
        %jit3A_353 = arith.constant 0.000000e+00 : f32
        %broadcast_in_dim3A_354 = vector.broadcast %jit3A_353 : f32 to vector<16xf32>
        %select_n3A_355 = arith.select %ge3A_345, %gather3A_352, %broadcast_in_dim3A_354 : vector<16xi1>, vector<16xf32>
        %gather3A_356 = tpu.vector_load_idx %arg8[%max3A_348] : memref<10000xf32, #tpu.memory_space<vmem>>[vector<16xi32>], vector<16xf32>,
        %jit3A_357 = arith.constant 0.000000e+00 : f32
        %broadcast_in_dim3A_358 = vector.broadcast %jit3A_357 : f32 to vector<16xf32>
        %select_n3A_359 = arith.select %ge3A_345, %gather3A_356, %broadcast_in_dim3A_358 : vector<16xi1>, vector<16xf32>
        %gather3A_360 = tpu.vector_load_idx %arg9[%max3A_348] : memref<10000xf32, #tpu.memory_space<vmem>>[vector<16xi32>], vector<16xf32>,
        %jit3A_361 = arith.constant 0.000000e+00 : f32
        %broadcast_in_dim3A_362 = vector.broadcast %jit3A_361 : f32 to vector<16xf32>
        %select_n3A_363 = arith.select %ge3A_345, %gather3A_360, %broadcast_in_dim3A_362 : vector<16xi1>, vector<16xf32>
        %gather3A_364 = tpu.vector_load_idx %arg10[%max3A_348] : memref<10000xf32, #tpu.memory_space<vmem>>[vector<16xi32>], vector<16xf32>,
        %jit3A_365 = arith.constant 0.000000e+00 : f32
        %broadcast_in_dim3A_366 = vector.broadcast %jit3A_365 : f32 to vector<16xf32>
        %select_n3A_367 = arith.select %ge3A_345, %gather3A_364, %broadcast_in_dim3A_366 : vector<16xi1>, vector<16xf32>
        %scan3A_368 = arith.constant 7 : i32
        %scan3A_369 = arith.addi %scan3A_95, %scan3A_368 : i32
        %mul3A_370 = arith.constant 1 : i32
        %mul3A_371 = arith.muli %scan3A_369, %mul3A_370 : i32
        %add3A_372 = arith.constant 0 : i32
        %add3A_373 = arith.addi %add3A_372, %mul3A_371 : i32
        tpu.vector_store_idx %arg11[%max3A_351], %select_n3A_355 {add = true} : memref<10000xf32, #tpu.memory_space<vmem>>[vector<16xi32>], vector<16xf32>,
        tpu.vector_store_idx %arg12[%max3A_351], %select_n3A_359 {add = true} : memref<10000xf32, #tpu.memory_space<vmem>>[vector<16xi32>], vector<16xf32>,
        tpu.vector_store_idx %arg13[%max3A_351], %select_n3A_363 {add = true} : memref<10000xf32, #tpu.memory_space<vmem>>[vector<16xi32>], vector<16xf32>,
        tpu.vector_store_idx %arg14[%max3A_351], %select_n3A_367 {add = true} : memref<10000xf32, #tpu.memory_space<vmem>>[vector<16xi32>], vector<16xf32>,
        %mul3A_374 = arith.constant 16 : i32
        %mul3A_375 = arith.muli %add3A_373, %mul3A_374 : i32
        %get3A_376 = arith.index_cast %mul3A_375 : i32 to index
        %get3A_377 = tpu.vector_load %arg15[%get3A_376] {strides = array<i32>} : memref<8192xi32, #tpu.memory_space<vmem>>, vector<16xi32>,
        %mul3A_378 = arith.constant 16 : i32
        %mul3A_379 = arith.muli %add3A_373, %mul3A_378 : i32
        %get3A_380 = arith.index_cast %mul3A_379 : i32 to index
        %get3A_381 = tpu.vector_load %arg16[%get3A_380] {strides = array<i32>} : memref<8192xi32, #tpu.memory_space<vmem>>, vector<16xi32>,
        %ge3A_382 = arith.constant 0 : i32
        %ge3A_383 = vector.broadcast %ge3A_382 : i32 to vector<16xi32>
        %ge3A_384 = arith.cmpi sge, %get3A_377, %ge3A_383 : vector<16xi32>
        %max3A_385 = arith.constant 0 : i32
        %max3A_386 = vector.broadcast %max3A_385 : i32 to vector<16xi32>
        %max3A_387 = arith.maxsi %get3A_377, %max3A_386 : vector<16xi32>
        %max3A_388 = arith.constant 0 : i32
        %max3A_389 = vector.broadcast %max3A_388 : i32 to vector<16xi32>
        %max3A_390 = arith.maxsi %get3A_381, %max3A_389 : vector<16xi32>
        %gather3A_391 = tpu.vector_load_idx %arg7[%max3A_387] : memref<10000xf32, #tpu.memory_space<vmem>>[vector<16xi32>], vector<16xf32>,
        %jit3A_392 = arith.constant 0.000000e+00 : f32
        %broadcast_in_dim3A_393 = vector.broadcast %jit3A_392 : f32 to vector<16xf32>
        %select_n3A_394 = arith.select %ge3A_384, %gather3A_391, %broadcast_in_dim3A_393 : vector<16xi1>, vector<16xf32>
        %gather3A_395 = tpu.vector_load_idx %arg8[%max3A_387] : memref<10000xf32, #tpu.memory_space<vmem>>[vector<16xi32>], vector<16xf32>,
        %jit3A_396 = arith.constant 0.000000e+00 : f32
        %broadcast_in_dim3A_397 = vector.broadcast %jit3A_396 : f32 to vector<16xf32>
        %select_n3A_398 = arith.select %ge3A_384, %gather3A_395, %broadcast_in_dim3A_397 : vector<16xi1>, vector<16xf32>
        %gather3A_399 = tpu.vector_load_idx %arg9[%max3A_387] : memref<10000xf32, #tpu.memory_space<vmem>>[vector<16xi32>], vector<16xf32>,
        %jit3A_400 = arith.constant 0.000000e+00 : f32
        %broadcast_in_dim3A_401 = vector.broadcast %jit3A_400 : f32 to vector<16xf32>
        %select_n3A_402 = arith.select %ge3A_384, %gather3A_399, %broadcast_in_dim3A_401 : vector<16xi1>, vector<16xf32>
        %gather3A_403 = tpu.vector_load_idx %arg10[%max3A_387] : memref<10000xf32, #tpu.memory_space<vmem>>[vector<16xi32>], vector<16xf32>,
        %jit3A_404 = arith.constant 0.000000e+00 : f32
        %broadcast_in_dim3A_405 = vector.broadcast %jit3A_404 : f32 to vector<16xf32>
        %select_n3A_406 = arith.select %ge3A_384, %gather3A_403, %broadcast_in_dim3A_405 : vector<16xi1>, vector<16xf32>
        scf.yield %select_n3A_394, %select_n3A_398, %select_n3A_402, %select_n3A_406, %max3A_390 : vector<16xf32>, vector<16xf32>, vector<16xf32>, vector<16xf32>, vector<16xi32>
      }
      %scan3A_94 = arith.constant 512 : i32
      scf.yield %scan3A_93#0, %scan3A_93#1, %scan3A_93#2, %scan3A_93#3, %scan3A_93#4 : vector<16xf32>, vector<16xf32>, vector<16xf32>, vector<16xf32>, vector<16xi32>
    }
    %scan3A_56 = arith.constant 10 : i32
    tpu.vector_store_idx %arg11[%scan3A_55#4], %scan3A_55#0 {add = true} : memref<10000xf32, #tpu.memory_space<vmem>>[vector<16xi32>], vector<16xf32>,
    tpu.vector_store_idx %arg12[%scan3A_55#4], %scan3A_55#1 {add = true} : memref<10000xf32, #tpu.memory_space<vmem>>[vector<16xi32>], vector<16xf32>,
    tpu.vector_store_idx %arg13[%scan3A_55#4], %scan3A_55#2 {add = true} : memref<10000xf32, #tpu.memory_space<vmem>>[vector<16xi32>], vector<16xf32>,
    tpu.vector_store_idx %arg14[%scan3A_55#4], %scan3A_55#3 {add = true} : memref<10000xf32, #tpu.memory_space<vmem>>[vector<16xi32>], vector<16xf32>,
    %mul3A_57 = arith.constant 40000 : i32
    %mul3A_58 = arith.muli %add3A, %mul3A_57 : i32
    %add3A_59 = arith.constant 0 : i32
    %add3A_60 = arith.addi %mul3A_58, %add3A_59 : i32
    "tpu.region"() ({
      %run_scoped3A = tpu.sem_alloc : memref<!tpu.dma_semaphore, #tpu.memory_space<semaphore_mem>>
      %dma_start3A = tpu.memref_slice %arg6[%add3A_60] : memref<1280000xf32, #tpu.memory_space<hbm>> -> memref<10000xf32, #tpu.memory_space<hbm>>
      %dma_start3A_73 = tpu.memref_slice %arg6[%add3A_60] : memref<1280000xf32, #tpu.memory_space<hbm>> -> memref<10000xf32, #tpu.memory_space<hbm>>
      tpu.enqueue_dma source(%arg11 : memref<10000xf32, #tpu.memory_space<vmem>>) target(%dma_start3A_73 : memref<10000xf32, #tpu.memory_space<hbm>>) target_semaphore(%run_scoped3A : memref<!tpu.dma_semaphore, #tpu.memory_space<semaphore_mem>>)
      %dma_wait3A = tpu.memref_slice %arg6[%add3A_60] : memref<1280000xf32, #tpu.memory_space<hbm>> -> memref<10000xf32, #tpu.memory_space<hbm>>
      %dma_wait3A_74 = tpu.memref_slice %arg6[%add3A_60] : memref<1280000xf32, #tpu.memory_space<hbm>> -> memref<10000xf32, #tpu.memory_space<hbm>>
      tpu.wait_dma2 semaphore(%run_scoped3A : memref<!tpu.dma_semaphore, #tpu.memory_space<semaphore_mem>>) src(%arg11 : memref<10000xf32, #tpu.memory_space<vmem>>) dst(%dma_wait3A_74 : memref<10000xf32, #tpu.memory_space<hbm>>)
      tpu.yield
    }) : () -> ()
    %mul3A_61 = arith.constant 40000 : i32
    %mul3A_62 = arith.muli %add3A, %mul3A_61 : i32
    %add3A_63 = arith.constant 10000 : i32
    %add3A_64 = arith.addi %mul3A_62, %add3A_63 : i32
    "tpu.region"() ({
      %run_scoped3A = tpu.sem_alloc : memref<!tpu.dma_semaphore, #tpu.memory_space<semaphore_mem>>
      %dma_start3A = tpu.memref_slice %arg6[%add3A_64] : memref<1280000xf32, #tpu.memory_space<hbm>> -> memref<10000xf32, #tpu.memory_space<hbm>>
      %dma_start3A_73 = tpu.memref_slice %arg6[%add3A_64] : memref<1280000xf32, #tpu.memory_space<hbm>> -> memref<10000xf32, #tpu.memory_space<hbm>>
      tpu.enqueue_dma source(%arg12 : memref<10000xf32, #tpu.memory_space<vmem>>) target(%dma_start3A_73 : memref<10000xf32, #tpu.memory_space<hbm>>) target_semaphore(%run_scoped3A : memref<!tpu.dma_semaphore, #tpu.memory_space<semaphore_mem>>)
      %dma_wait3A = tpu.memref_slice %arg6[%add3A_64] : memref<1280000xf32, #tpu.memory_space<hbm>> -> memref<10000xf32, #tpu.memory_space<hbm>>
      %dma_wait3A_74 = tpu.memref_slice %arg6[%add3A_64] : memref<1280000xf32, #tpu.memory_space<hbm>> -> memref<10000xf32, #tpu.memory_space<hbm>>
      tpu.wait_dma2 semaphore(%run_scoped3A : memref<!tpu.dma_semaphore, #tpu.memory_space<semaphore_mem>>) src(%arg12 : memref<10000xf32, #tpu.memory_space<vmem>>) dst(%dma_wait3A_74 : memref<10000xf32, #tpu.memory_space<hbm>>)
      tpu.yield
    }) : () -> ()
    %mul3A_65 = arith.constant 40000 : i32
    %mul3A_66 = arith.muli %add3A, %mul3A_65 : i32
    %add3A_67 = arith.constant 20000 : i32
    %add3A_68 = arith.addi %mul3A_66, %add3A_67 : i32
    "tpu.region"() ({
      %run_scoped3A = tpu.sem_alloc : memref<!tpu.dma_semaphore, #tpu.memory_space<semaphore_mem>>
      %dma_start3A = tpu.memref_slice %arg6[%add3A_68] : memref<1280000xf32, #tpu.memory_space<hbm>> -> memref<10000xf32, #tpu.memory_space<hbm>>
      %dma_start3A_73 = tpu.memref_slice %arg6[%add3A_68] : memref<1280000xf32, #tpu.memory_space<hbm>> -> memref<10000xf32, #tpu.memory_space<hbm>>
      tpu.enqueue_dma source(%arg13 : memref<10000xf32, #tpu.memory_space<vmem>>) target(%dma_start3A_73 : memref<10000xf32, #tpu.memory_space<hbm>>) target_semaphore(%run_scoped3A : memref<!tpu.dma_semaphore, #tpu.memory_space<semaphore_mem>>)
      %dma_wait3A = tpu.memref_slice %arg6[%add3A_68] : memref<1280000xf32, #tpu.memory_space<hbm>> -> memref<10000xf32, #tpu.memory_space<hbm>>
      %dma_wait3A_74 = tpu.memref_slice %arg6[%add3A_68] : memref<1280000xf32, #tpu.memory_space<hbm>> -> memref<10000xf32, #tpu.memory_space<hbm>>
      tpu.wait_dma2 semaphore(%run_scoped3A : memref<!tpu.dma_semaphore, #tpu.memory_space<semaphore_mem>>) src(%arg13 : memref<10000xf32, #tpu.memory_space<vmem>>) dst(%dma_wait3A_74 : memref<10000xf32, #tpu.memory_space<hbm>>)
      tpu.yield
    }) : () -> ()
    %mul3A_69 = arith.constant 40000 : i32
    %mul3A_70 = arith.muli %add3A, %mul3A_69 : i32
    %add3A_71 = arith.constant 30000 : i32
    %add3A_72 = arith.addi %mul3A_70, %add3A_71 : i32
    "tpu.region"() ({
      %run_scoped3A = tpu.sem_alloc : memref<!tpu.dma_semaphore, #tpu.memory_space<semaphore_mem>>
      %dma_start3A = tpu.memref_slice %arg6[%add3A_72] : memref<1280000xf32, #tpu.memory_space<hbm>> -> memref<10000xf32, #tpu.memory_space<hbm>>
      %dma_start3A_73 = tpu.memref_slice %arg6[%add3A_72] : memref<1280000xf32, #tpu.memory_space<hbm>> -> memref<10000xf32, #tpu.memory_space<hbm>>
      tpu.enqueue_dma source(%arg14 : memref<10000xf32, #tpu.memory_space<vmem>>) target(%dma_start3A_73 : memref<10000xf32, #tpu.memory_space<hbm>>) target_semaphore(%run_scoped3A : memref<!tpu.dma_semaphore, #tpu.memory_space<semaphore_mem>>)
      %dma_wait3A = tpu.memref_slice %arg6[%add3A_72] : memref<1280000xf32, #tpu.memory_space<hbm>> -> memref<10000xf32, #tpu.memory_space<hbm>>
      %dma_wait3A_74 = tpu.memref_slice %arg6[%add3A_72] : memref<1280000xf32, #tpu.memory_space<hbm>> -> memref<10000xf32, #tpu.memory_space<hbm>>
      tpu.wait_dma2 semaphore(%run_scoped3A : memref<!tpu.dma_semaphore, #tpu.memory_space<semaphore_mem>>) src(%arg14 : memref<10000xf32, #tpu.memory_space<vmem>>) dst(%dma_wait3A_74 : memref<10000xf32, #tpu.memory_space<hbm>>)
      tpu.yield
    }) : () -> ()
    return
  }
}

#map = affine_map<(d0, d1) -> (0)>
module attributes {stable_mosaic.version = 14 : i64} {
  func.func @_sc_degree_body(%arg0: i32, %arg1: i32, %arg2: memref<327680xi32, #tpu.memory_space<hbm>>, %arg3: memref<10000xf32, #tpu.memory_space<hbm>>, %arg4: memref<320000xf32, #tpu.memory_space<hbm>>, %arg5: memref<10000xf32, #tpu.memory_space<vmem>>, %arg6: memref<10240xi32, #tpu.memory_space<vmem>>) attributes {dimension_semantics = [#tpu.dimension_semantics<core_parallel>, #tpu.dimension_semantics<subcore_parallel>], iteration_bounds = array<i64: 2, 16>, scalar_prefetch = 0 : i64, scratch_operands = 2 : i64, tpu.core_type = #tpu.core_type<sc_vector_subcore>, window_params = [{transform_indices = #map}, {transform_indices = #map}, {transform_indices = #map}]} {
    %mul3A = arith.constant 2 : i32
    %mul3A_0 = arith.muli %arg1, %mul3A : i32
    %add3A = arith.addi %mul3A_0, %arg0 : i32
    "tpu.region"() ({
      %run_scoped3A = tpu.sem_alloc : memref<!tpu.dma_semaphore, #tpu.memory_space<semaphore_mem>>
      tpu.enqueue_dma source(%arg3 : memref<10000xf32, #tpu.memory_space<hbm>>) target(%arg5 : memref<10000xf32, #tpu.memory_space<vmem>>) target_semaphore(%run_scoped3A : memref<!tpu.dma_semaphore, #tpu.memory_space<semaphore_mem>>)
      tpu.wait_dma2 semaphore(%run_scoped3A : memref<!tpu.dma_semaphore, #tpu.memory_space<semaphore_mem>>) src(%arg3 : memref<10000xf32, #tpu.memory_space<hbm>>) dst(%arg5 : memref<10000xf32, #tpu.memory_space<vmem>>)
      tpu.yield
    }) : () -> ()
    %mul3A_1 = arith.constant 10240 : i32
    %mul3A_2 = arith.muli %add3A, %mul3A_1 : i32
    "tpu.region"() ({
      %run_scoped3A = tpu.sem_alloc : memref<!tpu.dma_semaphore, #tpu.memory_space<semaphore_mem>>
      %dma_start3A = tpu.memref_slice %arg2[%mul3A_2] : memref<327680xi32, #tpu.memory_space<hbm>> -> memref<10240xi32, #tpu.memory_space<hbm>>
      %dma_start3A_9 = tpu.memref_slice %arg2[%mul3A_2] : memref<327680xi32, #tpu.memory_space<hbm>> -> memref<10240xi32, #tpu.memory_space<hbm>>
      tpu.enqueue_dma source(%dma_start3A_9 : memref<10240xi32, #tpu.memory_space<hbm>>) target(%arg6 : memref<10240xi32, #tpu.memory_space<vmem>>) target_semaphore(%run_scoped3A : memref<!tpu.dma_semaphore, #tpu.memory_space<semaphore_mem>>)
      %dma_wait3A = tpu.memref_slice %arg2[%mul3A_2] : memref<327680xi32, #tpu.memory_space<hbm>> -> memref<10240xi32, #tpu.memory_space<hbm>>
      %dma_wait3A_10 = tpu.memref_slice %arg2[%mul3A_2] : memref<327680xi32, #tpu.memory_space<hbm>> -> memref<10240xi32, #tpu.memory_space<hbm>>
      tpu.wait_dma2 semaphore(%run_scoped3A : memref<!tpu.dma_semaphore, #tpu.memory_space<semaphore_mem>>) src(%dma_wait3A_10 : memref<10240xi32, #tpu.memory_space<hbm>>) dst(%arg6 : memref<10240xi32, #tpu.memory_space<vmem>>)
      tpu.yield
    }) : () -> ()
    %scan3A = arith.constant 0 : i32
    %scan3A_3 = arith.constant 640 : i32
    %scan3A_4 = arith.addi %scan3A, %scan3A_3 : i32
    %scan3A_5 = arith.constant 4 : i32
    scf.for %scan3A_9 = %scan3A to %scan3A_4 step %scan3A_5  : i32 {
      %mul3A_10 = arith.constant 1 : i32
      %mul3A_11 = arith.muli %scan3A_9, %mul3A_10 : i32
      %add3A_12 = arith.constant 0 : i32
      %add3A_13 = arith.addi %add3A_12, %mul3A_11 : i32
      %mul3A_14 = arith.constant 16 : i32
      %mul3A_15 = arith.muli %add3A_13, %mul3A_14 : i32
      %get3A = arith.index_cast %mul3A_15 : i32 to index
      %get3A_16 = tpu.vector_load %arg6[%get3A] {strides = array<i32>} : memref<10240xi32, #tpu.memory_space<vmem>>, vector<16xi32>,
      %ge3A = arith.constant 0 : i32
      %ge3A_17 = vector.broadcast %ge3A : i32 to vector<16xi32>
      %ge3A_18 = arith.cmpi sge, %get3A_16, %ge3A_17 : vector<16xi32>
      %max3A = arith.constant 0 : i32
      %max3A_19 = vector.broadcast %max3A : i32 to vector<16xi32>
      %max3A_20 = arith.maxsi %get3A_16, %max3A_19 : vector<16xi32>
      %broadcast_in_dim3A = arith.constant 1.000000e+00 : f32
      %broadcast_in_dim3A_21 = vector.broadcast %broadcast_in_dim3A : f32 to vector<16xf32>
      tpu.vector_store_idx %arg5[%max3A_20], %broadcast_in_dim3A_21 masked %ge3A_18 {add = true} : memref<10000xf32, #tpu.memory_space<vmem>>[vector<16xi32>], vector<16xf32>, vector<16xi1>
      %scan3A_22 = arith.constant 1 : i32
      %scan3A_23 = arith.addi %scan3A_9, %scan3A_22 : i32
      %mul3A_24 = arith.constant 1 : i32
      %mul3A_25 = arith.muli %scan3A_23, %mul3A_24 : i32
      %add3A_26 = arith.constant 0 : i32
      %add3A_27 = arith.addi %add3A_26, %mul3A_25 : i32
      %mul3A_28 = arith.constant 16 : i32
      %mul3A_29 = arith.muli %add3A_27, %mul3A_28 : i32
      %get3A_30 = arith.index_cast %mul3A_29 : i32 to index
      %get3A_31 = tpu.vector_load %arg6[%get3A_30] {strides = array<i32>} : memref<10240xi32, #tpu.memory_space<vmem>>, vector<16xi32>,
      %ge3A_32 = arith.constant 0 : i32
      %ge3A_33 = vector.broadcast %ge3A_32 : i32 to vector<16xi32>
      %ge3A_34 = arith.cmpi sge, %get3A_31, %ge3A_33 : vector<16xi32>
      %max3A_35 = arith.constant 0 : i32
      %max3A_36 = vector.broadcast %max3A_35 : i32 to vector<16xi32>
      %max3A_37 = arith.maxsi %get3A_31, %max3A_36 : vector<16xi32>
      %broadcast_in_dim3A_38 = arith.constant 1.000000e+00 : f32
      %broadcast_in_dim3A_39 = vector.broadcast %broadcast_in_dim3A_38 : f32 to vector<16xf32>
      tpu.vector_store_idx %arg5[%max3A_37], %broadcast_in_dim3A_39 masked %ge3A_34 {add = true} : memref<10000xf32, #tpu.memory_space<vmem>>[vector<16xi32>], vector<16xf32>, vector<16xi1>
      %scan3A_40 = arith.constant 2 : i32
      %scan3A_41 = arith.addi %scan3A_9, %scan3A_40 : i32
      %mul3A_42 = arith.constant 1 : i32
      %mul3A_43 = arith.muli %scan3A_41, %mul3A_42 : i32
      %add3A_44 = arith.constant 0 : i32
      %add3A_45 = arith.addi %add3A_44, %mul3A_43 : i32
      %mul3A_46 = arith.constant 16 : i32
      %mul3A_47 = arith.muli %add3A_45, %mul3A_46 : i32
      %get3A_48 = arith.index_cast %mul3A_47 : i32 to index
      %get3A_49 = tpu.vector_load %arg6[%get3A_48] {strides = array<i32>} : memref<10240xi32, #tpu.memory_space<vmem>>, vector<16xi32>,
      %ge3A_50 = arith.constant 0 : i32
      %ge3A_51 = vector.broadcast %ge3A_50 : i32 to vector<16xi32>
      %ge3A_52 = arith.cmpi sge, %get3A_49, %ge3A_51 : vector<16xi32>
      %max3A_53 = arith.constant 0 : i32
      %max3A_54 = vector.broadcast %max3A_53 : i32 to vector<16xi32>
      %max3A_55 = arith.maxsi %get3A_49, %max3A_54 : vector<16xi32>
      %broadcast_in_dim3A_56 = arith.constant 1.000000e+00 : f32
      %broadcast_in_dim3A_57 = vector.broadcast %broadcast_in_dim3A_56 : f32 to vector<16xf32>
      tpu.vector_store_idx %arg5[%max3A_55], %broadcast_in_dim3A_57 masked %ge3A_52 {add = true} : memref<10000xf32, #tpu.memory_space<vmem>>[vector<16xi32>], vector<16xf32>, vector<16xi1>
      %scan3A_58 = arith.constant 3 : i32
      %scan3A_59 = arith.addi %scan3A_9, %scan3A_58 : i32
      %mul3A_60 = arith.constant 1 : i32
      %mul3A_61 = arith.muli %scan3A_59, %mul3A_60 : i32
      %add3A_62 = arith.constant 0 : i32
      %add3A_63 = arith.addi %add3A_62, %mul3A_61 : i32
      %mul3A_64 = arith.constant 16 : i32
      %mul3A_65 = arith.muli %add3A_63, %mul3A_64 : i32
      %get3A_66 = arith.index_cast %mul3A_65 : i32 to index
      %get3A_67 = tpu.vector_load %arg6[%get3A_66] {strides = array<i32>} : memref<10240xi32, #tpu.memory_space<vmem>>, vector<16xi32>,
      %ge3A_68 = arith.constant 0 : i32
      %ge3A_69 = vector.broadcast %ge3A_68 : i32 to vector<16xi32>
      %ge3A_70 = arith.cmpi sge, %get3A_67, %ge3A_69 : vector<16xi32>
      %max3A_71 = arith.constant 0 : i32
      %max3A_72 = vector.broadcast %max3A_71 : i32 to vector<16xi32>
      %max3A_73 = arith.maxsi %get3A_67, %max3A_72 : vector<16xi32>
      %broadcast_in_dim3A_74 = arith.constant 1.000000e+00 : f32
      %broadcast_in_dim3A_75 = vector.broadcast %broadcast_in_dim3A_74 : f32 to vector<16xf32>
      tpu.vector_store_idx %arg5[%max3A_73], %broadcast_in_dim3A_75 masked %ge3A_70 {add = true} : memref<10000xf32, #tpu.memory_space<vmem>>[vector<16xi32>], vector<16xf32>, vector<16xi1>
    }
    %scan3A_6 = arith.constant 640 : i32
    %mul3A_7 = arith.constant 10000 : i32
    %mul3A_8 = arith.muli %add3A, %mul3A_7 : i32
    "tpu.region"() ({
      %run_scoped3A = tpu.sem_alloc : memref<!tpu.dma_semaphore, #tpu.memory_space<semaphore_mem>>
      %dma_start3A = tpu.memref_slice %arg4[%mul3A_8] : memref<320000xf32, #tpu.memory_space<hbm>> -> memref<10000xf32, #tpu.memory_space<hbm>>
      %dma_start3A_9 = tpu.memref_slice %arg4[%mul3A_8] : memref<320000xf32, #tpu.memory_space<hbm>> -> memref<10000xf32, #tpu.memory_space<hbm>>
      tpu.enqueue_dma source(%arg5 : memref<10000xf32, #tpu.memory_space<vmem>>) target(%dma_start3A_9 : memref<10000xf32, #tpu.memory_space<hbm>>) target_semaphore(%run_scoped3A : memref<!tpu.dma_semaphore, #tpu.memory_space<semaphore_mem>>)
      %dma_wait3A = tpu.memref_slice %arg4[%mul3A_8] : memref<320000xf32, #tpu.memory_space<hbm>> -> memref<10000xf32, #tpu.memory_space<hbm>>
      %dma_wait3A_10 = tpu.memref_slice %arg4[%mul3A_8] : memref<320000xf32, #tpu.memory_space<hbm>> -> memref<10000xf32, #tpu.memory_space<hbm>>
      tpu.wait_dma2 semaphore(%run_scoped3A : memref<!tpu.dma_semaphore, #tpu.memory_space<semaphore_mem>>) src(%arg5 : memref<10000xf32, #tpu.memory_space<vmem>>) dst(%dma_wait3A_10 : memref<10000xf32, #tpu.memory_space<hbm>>)
      tpu.yield
    }) : () -> ()
    return
  }
}

#map = affine_map<(d0, d1) -> (0)>
module attributes {stable_mosaic.version = 14 : i64} {
  func.func @_sc_aggregate_body(%arg0: i32, %arg1: i32, %arg2: memref<320000xf32, #tpu.memory_space<hbm>>, %arg3: memref<327680xi32, #tpu.memory_space<hbm>>, %arg4: memref<327680xi32, #tpu.memory_space<hbm>>, %arg5: memref<10000xf32, #tpu.memory_space<hbm>>, %arg6: memref<1280000xf32, #tpu.memory_space<hbm>>, %arg7: memref<10000xf32, #tpu.memory_space<vmem>>, %arg8: memref<10000xf32, #tpu.memory_space<vmem>>, %arg9: memref<10000xf32, #tpu.memory_space<vmem>>, %arg10: memref<10000xf32, #tpu.memory_space<vmem>>, %arg11: memref<10000xf32, #tpu.memory_space<vmem>>, %arg12: memref<10000xf32, #tpu.memory_space<vmem>>, %arg13: memref<10000xf32, #tpu.memory_space<vmem>>, %arg14: memref<10000xf32, #tpu.memory_space<vmem>>, %arg15: memref<8192xi32, #tpu.memory_space<vmem>>, %arg16: memref<8192xi32, #tpu.memory_space<vmem>>) attributes {dimension_semantics = [#tpu.dimension_semantics<core_parallel>, #tpu.dimension_semantics<subcore_parallel>], iteration_bounds = array<i64: 2, 16>, scalar_prefetch = 0 : i64, scratch_operands = 10 : i64, tpu.core_type = #tpu.core_type<sc_vector_subcore>, window_params = [{transform_indices = #map}, {transform_indices = #map}, {transform_indices = #map}, {transform_indices = #map}, {transform_indices = #map}]} {
    %mul3A = arith.constant 2 : i32
    %mul3A_0 = arith.muli %arg1, %mul3A : i32
    %add3A = arith.addi %mul3A_0, %arg0 : i32
    %jit3A = arith.constant 8 : i32
    %div3A = arith.divsi %add3A, %jit3A : i32
    %sign3A = arith.constant 0 : i32
    %sign3A_1 = arith.cmpi sgt, %add3A, %sign3A : i32
    %sign3A_2 = arith.extui %sign3A_1 : i1 to i32
    %sign3A_3 = arith.constant 0 : i32
    %sign3A_4 = arith.cmpi slt, %add3A, %sign3A_3 : i32
    %sign3A_5 = arith.extui %sign3A_4 : i1 to i32
    %sign3A_6 = arith.subi %sign3A_2, %sign3A_5 : i32
    %sign3A_7 = arith.constant 0 : i32
    %sign3A_8 = arith.cmpi sgt, %jit3A, %sign3A_7 : i32
    %sign3A_9 = arith.extui %sign3A_8 : i1 to i32
    %sign3A_10 = arith.constant 0 : i32
    %sign3A_11 = arith.cmpi slt, %jit3A, %sign3A_10 : i32
    %sign3A_12 = arith.extui %sign3A_11 : i1 to i32
    %sign3A_13 = arith.subi %sign3A_9, %sign3A_12 : i32
    %ne3A = arith.cmpi ne, %sign3A_6, %sign3A_13 : i32
    %rem3A = arith.remsi %add3A, %jit3A : i32
    %ne3A_14 = arith.constant 0 : i32
    %ne3A_15 = arith.cmpi ne, %rem3A, %ne3A_14 : i32
    %and3A = arith.andi %ne3A, %ne3A_15 : i1
    %sub3A = arith.constant 1 : i32
    %sub3A_16 = arith.subi %div3A, %sub3A : i32
    %select_n3A = arith.select %and3A, %sub3A_16, %div3A : i32
    %jit3A_17 = arith.constant 8 : i32
    %eq3A = arith.constant 0 : i32
    %eq3A_18 = arith.cmpi eq, %jit3A_17, %eq3A : i32
    %jit3A_19 = arith.constant 1 : i32
    %select_n3A_20 = arith.select %eq3A_18, %jit3A_19, %jit3A_17 : i32
    %rem3A_21 = arith.remsi %add3A, %select_n3A_20 : i32
    %ne3A_22 = arith.constant 0 : i32
    %ne3A_23 = arith.cmpi ne, %rem3A_21, %ne3A_22 : i32
    %lt3A = arith.constant 0 : i32
    %lt3A_24 = arith.cmpi slt, %rem3A_21, %lt3A : i32
    %lt3A_25 = arith.constant 0 : i32
    %lt3A_26 = arith.cmpi slt, %select_n3A_20, %lt3A_25 : i32
    %ne3A_27 = arith.xori %lt3A_24, %lt3A_26 : i1
    %and3A_28 = arith.andi %ne3A_27, %ne3A_23 : i1
    %add3A_29 = arith.addi %rem3A_21, %select_n3A_20 : i32
    %select_n3A_30 = arith.select %and3A_28, %add3A_29, %rem3A_21 : i32
    %mul3A_31 = arith.constant 40000 : i32
    %mul3A_32 = arith.muli %select_n3A_30, %mul3A_31 : i32
    %add3A_33 = arith.constant 0 : i32
    %add3A_34 = arith.addi %mul3A_32, %add3A_33 : i32
    "tpu.region"() ({
      %run_scoped3A = tpu.sem_alloc : memref<!tpu.dma_semaphore, #tpu.memory_space<semaphore_mem>>
      %dma_start3A = tpu.memref_slice %arg2[%add3A_34] : memref<320000xf32, #tpu.memory_space<hbm>> -> memref<10000xf32, #tpu.memory_space<hbm>>
      %dma_start3A_73 = tpu.memref_slice %arg2[%add3A_34] : memref<320000xf32, #tpu.memory_space<hbm>> -> memref<10000xf32, #tpu.memory_space<hbm>>
      tpu.enqueue_dma source(%dma_start3A_73 : memref<10000xf32, #tpu.memory_space<hbm>>) target(%arg7 : memref<10000xf32, #tpu.memory_space<vmem>>) target_semaphore(%run_scoped3A : memref<!tpu.dma_semaphore, #tpu.memory_space<semaphore_mem>>)
      %dma_wait3A = tpu.memref_slice %arg2[%add3A_34] : memref<320000xf32, #tpu.memory_space<hbm>> -> memref<10000xf32, #tpu.memory_space<hbm>>
      %dma_wait3A_74 = tpu.memref_slice %arg2[%add3A_34] : memref<320000xf32, #tpu.memory_space<hbm>> -> memref<10000xf32, #tpu.memory_space<hbm>>
      tpu.wait_dma2 semaphore(%run_scoped3A : memref<!tpu.dma_semaphore, #tpu.memory_space<semaphore_mem>>) src(%dma_wait3A_74 : memref<10000xf32, #tpu.memory_space<hbm>>) dst(%arg7 : memref<10000xf32, #tpu.memory_space<vmem>>)
      tpu.yield
    }) : () -> ()
    "tpu.region"() ({
      %run_scoped3A = tpu.sem_alloc : memref<!tpu.dma_semaphore, #tpu.memory_space<semaphore_mem>>
      tpu.enqueue_dma source(%arg5 : memref<10000xf32, #tpu.memory_space<hbm>>) target(%arg11 : memref<10000xf32, #tpu.memory_space<vmem>>) target_semaphore(%run_scoped3A : memref<!tpu.dma_semaphore, #tpu.memory_space<semaphore_mem>>)
      tpu.wait_dma2 semaphore(%run_scoped3A : memref<!tpu.dma_semaphore, #tpu.memory_space<semaphore_mem>>) src(%arg5 : memref<10000xf32, #tpu.memory_space<hbm>>) dst(%arg11 : memref<10000xf32, #tpu.memory_space<vmem>>)
      tpu.yield
    }) : () -> ()
    %mul3A_35 = arith.constant 40000 : i32
    %mul3A_36 = arith.muli %select_n3A_30, %mul3A_35 : i32
    %add3A_37 = arith.constant 10000 : i32
    %add3A_38 = arith.addi %mul3A_36, %add3A_37 : i32
    "tpu.region"() ({
      %run_scoped3A = tpu.sem_alloc : memref<!tpu.dma_semaphore, #tpu.memory_space<semaphore_mem>>
      %dma_start3A = tpu.memref_slice %arg2[%add3A_38] : memref<320000xf32, #tpu.memory_space<hbm>> -> memref<10000xf32, #tpu.memory_space<hbm>>
      %dma_start3A_73 = tpu.memref_slice %arg2[%add3A_38] : memref<320000xf32, #tpu.memory_space<hbm>> -> memref<10000xf32, #tpu.memory_space<hbm>>
      tpu.enqueue_dma source(%dma_start3A_73 : memref<10000xf32, #tpu.memory_space<hbm>>) target(%arg8 : memref<10000xf32, #tpu.memory_space<vmem>>) target_semaphore(%run_scoped3A : memref<!tpu.dma_semaphore, #tpu.memory_space<semaphore_mem>>)
      %dma_wait3A = tpu.memref_slice %arg2[%add3A_38] : memref<320000xf32, #tpu.memory_space<hbm>> -> memref<10000xf32, #tpu.memory_space<hbm>>
      %dma_wait3A_74 = tpu.memref_slice %arg2[%add3A_38] : memref<320000xf32, #tpu.memory_space<hbm>> -> memref<10000xf32, #tpu.memory_space<hbm>>
      tpu.wait_dma2 semaphore(%run_scoped3A : memref<!tpu.dma_semaphore, #tpu.memory_space<semaphore_mem>>) src(%dma_wait3A_74 : memref<10000xf32, #tpu.memory_space<hbm>>) dst(%arg8 : memref<10000xf32, #tpu.memory_space<vmem>>)
      tpu.yield
    }) : () -> ()
    "tpu.region"() ({
      %run_scoped3A = tpu.sem_alloc : memref<!tpu.dma_semaphore, #tpu.memory_space<semaphore_mem>>
      tpu.enqueue_dma source(%arg5 : memref<10000xf32, #tpu.memory_space<hbm>>) target(%arg12 : memref<10000xf32, #tpu.memory_space<vmem>>) target_semaphore(%run_scoped3A : memref<!tpu.dma_semaphore, #tpu.memory_space<semaphore_mem>>)
      tpu.wait_dma2 semaphore(%run_scoped3A : memref<!tpu.dma_semaphore, #tpu.memory_space<semaphore_mem>>) src(%arg5 : memref<10000xf32, #tpu.memory_space<hbm>>) dst(%arg12 : memref<10000xf32, #tpu.memory_space<vmem>>)
      tpu.yield
    }) : () -> ()
    %mul3A_39 = arith.constant 40000 : i32
    %mul3A_40 = arith.muli %select_n3A_30, %mul3A_39 : i32
    %add3A_41 = arith.constant 20000 : i32
    %add3A_42 = arith.addi %mul3A_40, %add3A_41 : i32
    "tpu.region"() ({
      %run_scoped3A = tpu.sem_alloc : memref<!tpu.dma_semaphore, #tpu.memory_space<semaphore_mem>>
      %dma_start3A = tpu.memref_slice %arg2[%add3A_42] : memref<320000xf32, #tpu.memory_space<hbm>> -> memref<10000xf32, #tpu.memory_space<hbm>>
      %dma_start3A_73 = tpu.memref_slice %arg2[%add3A_42] : memref<320000xf32, #tpu.memory_space<hbm>> -> memref<10000xf32, #tpu.memory_space<hbm>>
      tpu.enqueue_dma source(%dma_start3A_73 : memref<10000xf32, #tpu.memory_space<hbm>>) target(%arg9 : memref<10000xf32, #tpu.memory_space<vmem>>) target_semaphore(%run_scoped3A : memref<!tpu.dma_semaphore, #tpu.memory_space<semaphore_mem>>)
      %dma_wait3A = tpu.memref_slice %arg2[%add3A_42] : memref<320000xf32, #tpu.memory_space<hbm>> -> memref<10000xf32, #tpu.memory_space<hbm>>
      %dma_wait3A_74 = tpu.memref_slice %arg2[%add3A_42] : memref<320000xf32, #tpu.memory_space<hbm>> -> memref<10000xf32, #tpu.memory_space<hbm>>
      tpu.wait_dma2 semaphore(%run_scoped3A : memref<!tpu.dma_semaphore, #tpu.memory_space<semaphore_mem>>) src(%dma_wait3A_74 : memref<10000xf32, #tpu.memory_space<hbm>>) dst(%arg9 : memref<10000xf32, #tpu.memory_space<vmem>>)
      tpu.yield
    }) : () -> ()
    "tpu.region"() ({
      %run_scoped3A = tpu.sem_alloc : memref<!tpu.dma_semaphore, #tpu.memory_space<semaphore_mem>>
      tpu.enqueue_dma source(%arg5 : memref<10000xf32, #tpu.memory_space<hbm>>) target(%arg13 : memref<10000xf32, #tpu.memory_space<vmem>>) target_semaphore(%run_scoped3A : memref<!tpu.dma_semaphore, #tpu.memory_space<semaphore_mem>>)
      tpu.wait_dma2 semaphore(%run_scoped3A : memref<!tpu.dma_semaphore, #tpu.memory_space<semaphore_mem>>) src(%arg5 : memref<10000xf32, #tpu.memory_space<hbm>>) dst(%arg13 : memref<10000xf32, #tpu.memory_space<vmem>>)
      tpu.yield
    }) : () -> ()
    %mul3A_43 = arith.constant 40000 : i32
    %mul3A_44 = arith.muli %select_n3A_30, %mul3A_43 : i32
    %add3A_45 = arith.constant 30000 : i32
    %add3A_46 = arith.addi %mul3A_44, %add3A_45 : i32
    "tpu.region"() ({
      %run_scoped3A = tpu.sem_alloc : memref<!tpu.dma_semaphore, #tpu.memory_space<semaphore_mem>>
      %dma_start3A = tpu.memref_slice %arg2[%add3A_46] : memref<320000xf32, #tpu.memory_space<hbm>> -> memref<10000xf32, #tpu.memory_space<hbm>>
      %dma_start3A_73 = tpu.memref_slice %arg2[%add3A_46] : memref<320000xf32, #tpu.memory_space<hbm>> -> memref<10000xf32, #tpu.memory_space<hbm>>
      tpu.enqueue_dma source(%dma_start3A_73 : memref<10000xf32, #tpu.memory_space<hbm>>) target(%arg10 : memref<10000xf32, #tpu.memory_space<vmem>>) target_semaphore(%run_scoped3A : memref<!tpu.dma_semaphore, #tpu.memory_space<semaphore_mem>>)
      %dma_wait3A = tpu.memref_slice %arg2[%add3A_46] : memref<320000xf32, #tpu.memory_space<hbm>> -> memref<10000xf32, #tpu.memory_space<hbm>>
      %dma_wait3A_74 = tpu.memref_slice %arg2[%add3A_46] : memref<320000xf32, #tpu.memory_space<hbm>> -> memref<10000xf32, #tpu.memory_space<hbm>>
      tpu.wait_dma2 semaphore(%run_scoped3A : memref<!tpu.dma_semaphore, #tpu.memory_space<semaphore_mem>>) src(%dma_wait3A_74 : memref<10000xf32, #tpu.memory_space<hbm>>) dst(%arg10 : memref<10000xf32, #tpu.memory_space<vmem>>)
      tpu.yield
    }) : () -> ()
    "tpu.region"() ({
      %run_scoped3A = tpu.sem_alloc : memref<!tpu.dma_semaphore, #tpu.memory_space<semaphore_mem>>
      tpu.enqueue_dma source(%arg5 : memref<10000xf32, #tpu.memory_space<hbm>>) target(%arg14 : memref<10000xf32, #tpu.memory_space<vmem>>) target_semaphore(%run_scoped3A : memref<!tpu.dma_semaphore, #tpu.memory_space<semaphore_mem>>)
      tpu.wait_dma2 semaphore(%run_scoped3A : memref<!tpu.dma_semaphore, #tpu.memory_space<semaphore_mem>>) src(%arg5 : memref<10000xf32, #tpu.memory_space<hbm>>) dst(%arg14 : memref<10000xf32, #tpu.memory_space<vmem>>)
      tpu.yield
    }) : () -> ()
    %mul3A_47 = arith.constant 81920 : i32
    %mul3A_48 = arith.muli %select_n3A, %mul3A_47 : i32
    %broadcast_in_dim3A = arith.constant 0.000000e+00 : f32
    %broadcast_in_dim3A_49 = vector.broadcast %broadcast_in_dim3A : f32 to vector<16xf32>
    %broadcast_in_dim3A_50 = arith.constant 0 : i32
    %broadcast_in_dim3A_51 = vector.broadcast %broadcast_in_dim3A_50 : i32 to vector<16xi32>
    %scan3A = arith.constant 0 : i32
    %scan3A_52 = arith.constant 10 : i32
    %scan3A_53 = arith.addi %scan3A, %scan3A_52 : i32
    %scan3A_54 = arith.constant 1 : i32
    %scan3A_55:5 = scf.for %scan3A_73 = %scan3A to %scan3A_53 step %scan3A_54 iter_args(%scan3A_74 = %broadcast_in_dim3A_49, %scan3A_75 = %broadcast_in_dim3A_49, %scan3A_76 = %broadcast_in_dim3A_49, %scan3A_77 = %broadcast_in_dim3A_49, %scan3A_78 = %broadcast_in_dim3A_51) -> (vector<16xf32>, vector<16xf32>, vector<16xf32>, vector<16xf32>, vector<16xi32>)  : i32 {
      %mul3A_79 = arith.constant 1 : i32
      %mul3A_80 = arith.muli %scan3A_73, %mul3A_79 : i32
      %add3A_81 = arith.constant 0 : i32
      %add3A_82 = arith.addi %add3A_81, %mul3A_80 : i32
      %mul3A_83 = arith.constant 8192 : i32
      %mul3A_84 = arith.muli %add3A_82, %mul3A_83 : i32
      %add3A_85 = arith.addi %mul3A_48, %mul3A_84 : i32
      "tpu.region"() ({
        %run_scoped3A = tpu.sem_alloc : memref<!tpu.dma_semaphore, #tpu.memory_space<semaphore_mem>>
        %dma_start3A = tpu.memref_slice %arg3[%add3A_85] : memref<327680xi32, #tpu.memory_space<hbm>> -> memref<8192xi32, #tpu.memory_space<hbm>>
        %dma_start3A_95 = tpu.memref_slice %arg3[%add3A_85] : memref<327680xi32, #tpu.memory_space<hbm>> -> memref<8192xi32, #tpu.memory_space<hbm>>
        tpu.enqueue_dma source(%dma_start3A_95 : memref<8192xi32, #tpu.memory_space<hbm>>) target(%arg15 : memref<8192xi32, #tpu.memory_space<vmem>>) target_semaphore(%run_scoped3A : memref<!tpu.dma_semaphore, #tpu.memory_space<semaphore_mem>>)
        %dma_wait3A = tpu.memref_slice %arg3[%add3A_85] : memref<327680xi32, #tpu.memory_space<hbm>> -> memref<8192xi32, #tpu.memory_space<hbm>>
        %dma_wait3A_96 = tpu.memref_slice %arg3[%add3A_85] : memref<327680xi32, #tpu.memory_space<hbm>> -> memref<8192xi32, #tpu.memory_space<hbm>>
        tpu.wait_dma2 semaphore(%run_scoped3A : memref<!tpu.dma_semaphore, #tpu.memory_space<semaphore_mem>>) src(%dma_wait3A_96 : memref<8192xi32, #tpu.memory_space<hbm>>) dst(%arg15 : memref<8192xi32, #tpu.memory_space<vmem>>)
        tpu.yield
      }) : () -> ()
      %mul3A_86 = arith.constant 8192 : i32
      %mul3A_87 = arith.muli %add3A_82, %mul3A_86 : i32
      %add3A_88 = arith.addi %mul3A_48, %mul3A_87 : i32
      "tpu.region"() ({
        %run_scoped3A = tpu.sem_alloc : memref<!tpu.dma_semaphore, #tpu.memory_space<semaphore_mem>>
        %dma_start3A = tpu.memref_slice %arg4[%add3A_88] : memref<327680xi32, #tpu.memory_space<hbm>> -> memref<8192xi32, #tpu.memory_space<hbm>>
        %dma_start3A_95 = tpu.memref_slice %arg4[%add3A_88] : memref<327680xi32, #tpu.memory_space<hbm>> -> memref<8192xi32, #tpu.memory_space<hbm>>
        tpu.enqueue_dma source(%dma_start3A_95 : memref<8192xi32, #tpu.memory_space<hbm>>) target(%arg16 : memref<8192xi32, #tpu.memory_space<vmem>>) target_semaphore(%run_scoped3A : memref<!tpu.dma_semaphore, #tpu.memory_space<semaphore_mem>>)
        %dma_wait3A = tpu.memref_slice %arg4[%add3A_88] : memref<327680xi32, #tpu.memory_space<hbm>> -> memref<8192xi32, #tpu.memory_space<hbm>>
        %dma_wait3A_96 = tpu.memref_slice %arg4[%add3A_88] : memref<327680xi32, #tpu.memory_space<hbm>> -> memref<8192xi32, #tpu.memory_space<hbm>>
        tpu.wait_dma2 semaphore(%run_scoped3A : memref<!tpu.dma_semaphore, #tpu.memory_space<semaphore_mem>>) src(%dma_wait3A_96 : memref<8192xi32, #tpu.memory_space<hbm>>) dst(%arg16 : memref<8192xi32, #tpu.memory_space<vmem>>)
        tpu.yield
      }) : () -> ()
      %scan3A_89 = arith.constant 0 : i32
      %scan3A_90 = arith.constant 512 : i32
      %scan3A_91 = arith.addi %scan3A_89, %scan3A_90 : i32
      %scan3A_92 = arith.constant 8 : i32
      %scan3A_93:5 = scf.for %scan3A_95 = %scan3A_89 to %scan3A_91 step %scan3A_92 iter_args(%scan3A_96 = %scan3A_74, %scan3A_97 = %scan3A_75, %scan3A_98 = %scan3A_76, %scan3A_99 = %scan3A_77, %scan3A_100 = %scan3A_78) -> (vector<16xf32>, vector<16xf32>, vector<16xf32>, vector<16xf32>, vector<16xi32>)  : i32 {
        %mul3A_101 = arith.constant 1 : i32
        %mul3A_102 = arith.muli %scan3A_95, %mul3A_101 : i32
        %add3A_103 = arith.constant 0 : i32
        %add3A_104 = arith.addi %add3A_103, %mul3A_102 : i32
        tpu.vector_store_idx %arg11[%scan3A_100], %scan3A_96 {add = true} : memref<10000xf32, #tpu.memory_space<vmem>>[vector<16xi32>], vector<16xf32>,
        tpu.vector_store_idx %arg12[%scan3A_100], %scan3A_97 {add = true} : memref<10000xf32, #tpu.memory_space<vmem>>[vector<16xi32>], vector<16xf32>,
        tpu.vector_store_idx %arg13[%scan3A_100], %scan3A_98 {add = true} : memref<10000xf32, #tpu.memory_space<vmem>>[vector<16xi32>], vector<16xf32>,
        tpu.vector_store_idx %arg14[%scan3A_100], %scan3A_99 {add = true} : memref<10000xf32, #tpu.memory_space<vmem>>[vector<16xi32>], vector<16xf32>,
        %mul3A_105 = arith.constant 16 : i32
        %mul3A_106 = arith.muli %add3A_104, %mul3A_105 : i32
        %get3A = arith.index_cast %mul3A_106 : i32 to index
        %get3A_107 = tpu.vector_load %arg15[%get3A] {strides = array<i32>} : memref<8192xi32, #tpu.memory_space<vmem>>, vector<16xi32>,
        %mul3A_108 = arith.constant 16 : i32
        %mul3A_109 = arith.muli %add3A_104, %mul3A_108 : i32
        %get3A_110 = arith.index_cast %mul3A_109 : i32 to index
        %get3A_111 = tpu.vector_load %arg16[%get3A_110] {strides = array<i32>} : memref<8192xi32, #tpu.memory_space<vmem>>, vector<16xi32>,
        %ge3A = arith.constant 0 : i32
        %ge3A_112 = vector.broadcast %ge3A : i32 to vector<16xi32>
        %ge3A_113 = arith.cmpi sge, %get3A_107, %ge3A_112 : vector<16xi32>
        %max3A = arith.constant 0 : i32
        %max3A_114 = vector.broadcast %max3A : i32 to vector<16xi32>
        %max3A_115 = arith.maxsi %get3A_107, %max3A_114 : vector<16xi32>
        %max3A_116 = arith.constant 0 : i32
        %max3A_117 = vector.broadcast %max3A_116 : i32 to vector<16xi32>
        %max3A_118 = arith.maxsi %get3A_111, %max3A_117 : vector<16xi32>
        %gather3A = tpu.vector_load_idx %arg7[%max3A_115] : memref<10000xf32, #tpu.memory_space<vmem>>[vector<16xi32>], vector<16xf32>,
        %jit3A_119 = arith.constant 0.000000e+00 : f32
        %broadcast_in_dim3A_120 = vector.broadcast %jit3A_119 : f32 to vector<16xf32>
        %select_n3A_121 = arith.select %ge3A_113, %gather3A, %broadcast_in_dim3A_120 : vector<16xi1>, vector<16xf32>
        %gather3A_122 = tpu.vector_load_idx %arg8[%max3A_115] : memref<10000xf32, #tpu.memory_space<vmem>>[vector<16xi32>], vector<16xf32>,
        %jit3A_123 = arith.constant 0.000000e+00 : f32
        %broadcast_in_dim3A_124 = vector.broadcast %jit3A_123 : f32 to vector<16xf32>
        %select_n3A_125 = arith.select %ge3A_113, %gather3A_122, %broadcast_in_dim3A_124 : vector<16xi1>, vector<16xf32>
        %gather3A_126 = tpu.vector_load_idx %arg9[%max3A_115] : memref<10000xf32, #tpu.memory_space<vmem>>[vector<16xi32>], vector<16xf32>,
        %jit3A_127 = arith.constant 0.000000e+00 : f32
        %broadcast_in_dim3A_128 = vector.broadcast %jit3A_127 : f32 to vector<16xf32>
        %select_n3A_129 = arith.select %ge3A_113, %gather3A_126, %broadcast_in_dim3A_128 : vector<16xi1>, vector<16xf32>
        %gather3A_130 = tpu.vector_load_idx %arg10[%max3A_115] : memref<10000xf32, #tpu.memory_space<vmem>>[vector<16xi32>], vector<16xf32>,
        %jit3A_131 = arith.constant 0.000000e+00 : f32
        %broadcast_in_dim3A_132 = vector.broadcast %jit3A_131 : f32 to vector<16xf32>
        %select_n3A_133 = arith.select %ge3A_113, %gather3A_130, %broadcast_in_dim3A_132 : vector<16xi1>, vector<16xf32>
        %scan3A_134 = arith.constant 1 : i32
        %scan3A_135 = arith.addi %scan3A_95, %scan3A_134 : i32
        %mul3A_136 = arith.constant 1 : i32
        %mul3A_137 = arith.muli %scan3A_135, %mul3A_136 : i32
        %add3A_138 = arith.constant 0 : i32
        %add3A_139 = arith.addi %add3A_138, %mul3A_137 : i32
        tpu.vector_store_idx %arg11[%max3A_118], %select_n3A_121 {add = true} : memref<10000xf32, #tpu.memory_space<vmem>>[vector<16xi32>], vector<16xf32>,
        tpu.vector_store_idx %arg12[%max3A_118], %select_n3A_125 {add = true} : memref<10000xf32, #tpu.memory_space<vmem>>[vector<16xi32>], vector<16xf32>,
        tpu.vector_store_idx %arg13[%max3A_118], %select_n3A_129 {add = true} : memref<10000xf32, #tpu.memory_space<vmem>>[vector<16xi32>], vector<16xf32>,
        tpu.vector_store_idx %arg14[%max3A_118], %select_n3A_133 {add = true} : memref<10000xf32, #tpu.memory_space<vmem>>[vector<16xi32>], vector<16xf32>,
        %mul3A_140 = arith.constant 16 : i32
        %mul3A_141 = arith.muli %add3A_139, %mul3A_140 : i32
        %get3A_142 = arith.index_cast %mul3A_141 : i32 to index
        %get3A_143 = tpu.vector_load %arg15[%get3A_142] {strides = array<i32>} : memref<8192xi32, #tpu.memory_space<vmem>>, vector<16xi32>,
        %mul3A_144 = arith.constant 16 : i32
        %mul3A_145 = arith.muli %add3A_139, %mul3A_144 : i32
        %get3A_146 = arith.index_cast %mul3A_145 : i32 to index
        %get3A_147 = tpu.vector_load %arg16[%get3A_146] {strides = array<i32>} : memref<8192xi32, #tpu.memory_space<vmem>>, vector<16xi32>,
        %ge3A_148 = arith.constant 0 : i32
        %ge3A_149 = vector.broadcast %ge3A_148 : i32 to vector<16xi32>
        %ge3A_150 = arith.cmpi sge, %get3A_143, %ge3A_149 : vector<16xi32>
        %max3A_151 = arith.constant 0 : i32
        %max3A_152 = vector.broadcast %max3A_151 : i32 to vector<16xi32>
        %max3A_153 = arith.maxsi %get3A_143, %max3A_152 : vector<16xi32>
        %max3A_154 = arith.constant 0 : i32
        %max3A_155 = vector.broadcast %max3A_154 : i32 to vector<16xi32>
        %max3A_156 = arith.maxsi %get3A_147, %max3A_155 : vector<16xi32>
        %gather3A_157 = tpu.vector_load_idx %arg7[%max3A_153] : memref<10000xf32, #tpu.memory_space<vmem>>[vector<16xi32>], vector<16xf32>,
        %jit3A_158 = arith.constant 0.000000e+00 : f32
        %broadcast_in_dim3A_159 = vector.broadcast %jit3A_158 : f32 to vector<16xf32>
        %select_n3A_160 = arith.select %ge3A_150, %gather3A_157, %broadcast_in_dim3A_159 : vector<16xi1>, vector<16xf32>
        %gather3A_161 = tpu.vector_load_idx %arg8[%max3A_153] : memref<10000xf32, #tpu.memory_space<vmem>>[vector<16xi32>], vector<16xf32>,
        %jit3A_162 = arith.constant 0.000000e+00 : f32
        %broadcast_in_dim3A_163 = vector.broadcast %jit3A_162 : f32 to vector<16xf32>
        %select_n3A_164 = arith.select %ge3A_150, %gather3A_161, %broadcast_in_dim3A_163 : vector<16xi1>, vector<16xf32>
        %gather3A_165 = tpu.vector_load_idx %arg9[%max3A_153] : memref<10000xf32, #tpu.memory_space<vmem>>[vector<16xi32>], vector<16xf32>,
        %jit3A_166 = arith.constant 0.000000e+00 : f32
        %broadcast_in_dim3A_167 = vector.broadcast %jit3A_166 : f32 to vector<16xf32>
        %select_n3A_168 = arith.select %ge3A_150, %gather3A_165, %broadcast_in_dim3A_167 : vector<16xi1>, vector<16xf32>
        %gather3A_169 = tpu.vector_load_idx %arg10[%max3A_153] : memref<10000xf32, #tpu.memory_space<vmem>>[vector<16xi32>], vector<16xf32>,
        %jit3A_170 = arith.constant 0.000000e+00 : f32
        %broadcast_in_dim3A_171 = vector.broadcast %jit3A_170 : f32 to vector<16xf32>
        %select_n3A_172 = arith.select %ge3A_150, %gather3A_169, %broadcast_in_dim3A_171 : vector<16xi1>, vector<16xf32>
        %scan3A_173 = arith.constant 2 : i32
        %scan3A_174 = arith.addi %scan3A_95, %scan3A_173 : i32
        %mul3A_175 = arith.constant 1 : i32
        %mul3A_176 = arith.muli %scan3A_174, %mul3A_175 : i32
        %add3A_177 = arith.constant 0 : i32
        %add3A_178 = arith.addi %add3A_177, %mul3A_176 : i32
        tpu.vector_store_idx %arg11[%max3A_156], %select_n3A_160 {add = true} : memref<10000xf32, #tpu.memory_space<vmem>>[vector<16xi32>], vector<16xf32>,
        tpu.vector_store_idx %arg12[%max3A_156], %select_n3A_164 {add = true} : memref<10000xf32, #tpu.memory_space<vmem>>[vector<16xi32>], vector<16xf32>,
        tpu.vector_store_idx %arg13[%max3A_156], %select_n3A_168 {add = true} : memref<10000xf32, #tpu.memory_space<vmem>>[vector<16xi32>], vector<16xf32>,
        tpu.vector_store_idx %arg14[%max3A_156], %select_n3A_172 {add = true} : memref<10000xf32, #tpu.memory_space<vmem>>[vector<16xi32>], vector<16xf32>,
        %mul3A_179 = arith.constant 16 : i32
        %mul3A_180 = arith.muli %add3A_178, %mul3A_179 : i32
        %get3A_181 = arith.index_cast %mul3A_180 : i32 to index
        %get3A_182 = tpu.vector_load %arg15[%get3A_181] {strides = array<i32>} : memref<8192xi32, #tpu.memory_space<vmem>>, vector<16xi32>,
        %mul3A_183 = arith.constant 16 : i32
        %mul3A_184 = arith.muli %add3A_178, %mul3A_183 : i32
        %get3A_185 = arith.index_cast %mul3A_184 : i32 to index
        %get3A_186 = tpu.vector_load %arg16[%get3A_185] {strides = array<i32>} : memref<8192xi32, #tpu.memory_space<vmem>>, vector<16xi32>,
        %ge3A_187 = arith.constant 0 : i32
        %ge3A_188 = vector.broadcast %ge3A_187 : i32 to vector<16xi32>
        %ge3A_189 = arith.cmpi sge, %get3A_182, %ge3A_188 : vector<16xi32>
        %max3A_190 = arith.constant 0 : i32
        %max3A_191 = vector.broadcast %max3A_190 : i32 to vector<16xi32>
        %max3A_192 = arith.maxsi %get3A_182, %max3A_191 : vector<16xi32>
        %max3A_193 = arith.constant 0 : i32
        %max3A_194 = vector.broadcast %max3A_193 : i32 to vector<16xi32>
        %max3A_195 = arith.maxsi %get3A_186, %max3A_194 : vector<16xi32>
        %gather3A_196 = tpu.vector_load_idx %arg7[%max3A_192] : memref<10000xf32, #tpu.memory_space<vmem>>[vector<16xi32>], vector<16xf32>,
        %jit3A_197 = arith.constant 0.000000e+00 : f32
        %broadcast_in_dim3A_198 = vector.broadcast %jit3A_197 : f32 to vector<16xf32>
        %select_n3A_199 = arith.select %ge3A_189, %gather3A_196, %broadcast_in_dim3A_198 : vector<16xi1>, vector<16xf32>
        %gather3A_200 = tpu.vector_load_idx %arg8[%max3A_192] : memref<10000xf32, #tpu.memory_space<vmem>>[vector<16xi32>], vector<16xf32>,
        %jit3A_201 = arith.constant 0.000000e+00 : f32
        %broadcast_in_dim3A_202 = vector.broadcast %jit3A_201 : f32 to vector<16xf32>
        %select_n3A_203 = arith.select %ge3A_189, %gather3A_200, %broadcast_in_dim3A_202 : vector<16xi1>, vector<16xf32>
        %gather3A_204 = tpu.vector_load_idx %arg9[%max3A_192] : memref<10000xf32, #tpu.memory_space<vmem>>[vector<16xi32>], vector<16xf32>,
        %jit3A_205 = arith.constant 0.000000e+00 : f32
        %broadcast_in_dim3A_206 = vector.broadcast %jit3A_205 : f32 to vector<16xf32>
        %select_n3A_207 = arith.select %ge3A_189, %gather3A_204, %broadcast_in_dim3A_206 : vector<16xi1>, vector<16xf32>
        %gather3A_208 = tpu.vector_load_idx %arg10[%max3A_192] : memref<10000xf32, #tpu.memory_space<vmem>>[vector<16xi32>], vector<16xf32>,
        %jit3A_209 = arith.constant 0.000000e+00 : f32
        %broadcast_in_dim3A_210 = vector.broadcast %jit3A_209 : f32 to vector<16xf32>
        %select_n3A_211 = arith.select %ge3A_189, %gather3A_208, %broadcast_in_dim3A_210 : vector<16xi1>, vector<16xf32>
        %scan3A_212 = arith.constant 3 : i32
        %scan3A_213 = arith.addi %scan3A_95, %scan3A_212 : i32
        %mul3A_214 = arith.constant 1 : i32
        %mul3A_215 = arith.muli %scan3A_213, %mul3A_214 : i32
        %add3A_216 = arith.constant 0 : i32
        %add3A_217 = arith.addi %add3A_216, %mul3A_215 : i32
        tpu.vector_store_idx %arg11[%max3A_195], %select_n3A_199 {add = true} : memref<10000xf32, #tpu.memory_space<vmem>>[vector<16xi32>], vector<16xf32>,
        tpu.vector_store_idx %arg12[%max3A_195], %select_n3A_203 {add = true} : memref<10000xf32, #tpu.memory_space<vmem>>[vector<16xi32>], vector<16xf32>,
        tpu.vector_store_idx %arg13[%max3A_195], %select_n3A_207 {add = true} : memref<10000xf32, #tpu.memory_space<vmem>>[vector<16xi32>], vector<16xf32>,
        tpu.vector_store_idx %arg14[%max3A_195], %select_n3A_211 {add = true} : memref<10000xf32, #tpu.memory_space<vmem>>[vector<16xi32>], vector<16xf32>,
        %mul3A_218 = arith.constant 16 : i32
        %mul3A_219 = arith.muli %add3A_217, %mul3A_218 : i32
        %get3A_220 = arith.index_cast %mul3A_219 : i32 to index
        %get3A_221 = tpu.vector_load %arg15[%get3A_220] {strides = array<i32>} : memref<8192xi32, #tpu.memory_space<vmem>>, vector<16xi32>,
        %mul3A_222 = arith.constant 16 : i32
        %mul3A_223 = arith.muli %add3A_217, %mul3A_222 : i32
        %get3A_224 = arith.index_cast %mul3A_223 : i32 to index
        %get3A_225 = tpu.vector_load %arg16[%get3A_224] {strides = array<i32>} : memref<8192xi32, #tpu.memory_space<vmem>>, vector<16xi32>,
        %ge3A_226 = arith.constant 0 : i32
        %ge3A_227 = vector.broadcast %ge3A_226 : i32 to vector<16xi32>
        %ge3A_228 = arith.cmpi sge, %get3A_221, %ge3A_227 : vector<16xi32>
        %max3A_229 = arith.constant 0 : i32
        %max3A_230 = vector.broadcast %max3A_229 : i32 to vector<16xi32>
        %max3A_231 = arith.maxsi %get3A_221, %max3A_230 : vector<16xi32>
        %max3A_232 = arith.constant 0 : i32
        %max3A_233 = vector.broadcast %max3A_232 : i32 to vector<16xi32>
        %max3A_234 = arith.maxsi %get3A_225, %max3A_233 : vector<16xi32>
        %gather3A_235 = tpu.vector_load_idx %arg7[%max3A_231] : memref<10000xf32, #tpu.memory_space<vmem>>[vector<16xi32>], vector<16xf32>,
        %jit3A_236 = arith.constant 0.000000e+00 : f32
        %broadcast_in_dim3A_237 = vector.broadcast %jit3A_236 : f32 to vector<16xf32>
        %select_n3A_238 = arith.select %ge3A_228, %gather3A_235, %broadcast_in_dim3A_237 : vector<16xi1>, vector<16xf32>
        %gather3A_239 = tpu.vector_load_idx %arg8[%max3A_231] : memref<10000xf32, #tpu.memory_space<vmem>>[vector<16xi32>], vector<16xf32>,
        %jit3A_240 = arith.constant 0.000000e+00 : f32
        %broadcast_in_dim3A_241 = vector.broadcast %jit3A_240 : f32 to vector<16xf32>
        %select_n3A_242 = arith.select %ge3A_228, %gather3A_239, %broadcast_in_dim3A_241 : vector<16xi1>, vector<16xf32>
        %gather3A_243 = tpu.vector_load_idx %arg9[%max3A_231] : memref<10000xf32, #tpu.memory_space<vmem>>[vector<16xi32>], vector<16xf32>,
        %jit3A_244 = arith.constant 0.000000e+00 : f32
        %broadcast_in_dim3A_245 = vector.broadcast %jit3A_244 : f32 to vector<16xf32>
        %select_n3A_246 = arith.select %ge3A_228, %gather3A_243, %broadcast_in_dim3A_245 : vector<16xi1>, vector<16xf32>
        %gather3A_247 = tpu.vector_load_idx %arg10[%max3A_231] : memref<10000xf32, #tpu.memory_space<vmem>>[vector<16xi32>], vector<16xf32>,
        %jit3A_248 = arith.constant 0.000000e+00 : f32
        %broadcast_in_dim3A_249 = vector.broadcast %jit3A_248 : f32 to vector<16xf32>
        %select_n3A_250 = arith.select %ge3A_228, %gather3A_247, %broadcast_in_dim3A_249 : vector<16xi1>, vector<16xf32>
        %scan3A_251 = arith.constant 4 : i32
        %scan3A_252 = arith.addi %scan3A_95, %scan3A_251 : i32
        %mul3A_253 = arith.constant 1 : i32
        %mul3A_254 = arith.muli %scan3A_252, %mul3A_253 : i32
        %add3A_255 = arith.constant 0 : i32
        %add3A_256 = arith.addi %add3A_255, %mul3A_254 : i32
        tpu.vector_store_idx %arg11[%max3A_234], %select_n3A_238 {add = true} : memref<10000xf32, #tpu.memory_space<vmem>>[vector<16xi32>], vector<16xf32>,
        tpu.vector_store_idx %arg12[%max3A_234], %select_n3A_242 {add = true} : memref<10000xf32, #tpu.memory_space<vmem>>[vector<16xi32>], vector<16xf32>,
        tpu.vector_store_idx %arg13[%max3A_234], %select_n3A_246 {add = true} : memref<10000xf32, #tpu.memory_space<vmem>>[vector<16xi32>], vector<16xf32>,
        tpu.vector_store_idx %arg14[%max3A_234], %select_n3A_250 {add = true} : memref<10000xf32, #tpu.memory_space<vmem>>[vector<16xi32>], vector<16xf32>,
        %mul3A_257 = arith.constant 16 : i32
        %mul3A_258 = arith.muli %add3A_256, %mul3A_257 : i32
        %get3A_259 = arith.index_cast %mul3A_258 : i32 to index
        %get3A_260 = tpu.vector_load %arg15[%get3A_259] {strides = array<i32>} : memref<8192xi32, #tpu.memory_space<vmem>>, vector<16xi32>,
        %mul3A_261 = arith.constant 16 : i32
        %mul3A_262 = arith.muli %add3A_256, %mul3A_261 : i32
        %get3A_263 = arith.index_cast %mul3A_262 : i32 to index
        %get3A_264 = tpu.vector_load %arg16[%get3A_263] {strides = array<i32>} : memref<8192xi32, #tpu.memory_space<vmem>>, vector<16xi32>,
        %ge3A_265 = arith.constant 0 : i32
        %ge3A_266 = vector.broadcast %ge3A_265 : i32 to vector<16xi32>
        %ge3A_267 = arith.cmpi sge, %get3A_260, %ge3A_266 : vector<16xi32>
        %max3A_268 = arith.constant 0 : i32
        %max3A_269 = vector.broadcast %max3A_268 : i32 to vector<16xi32>
        %max3A_270 = arith.maxsi %get3A_260, %max3A_269 : vector<16xi32>
        %max3A_271 = arith.constant 0 : i32
        %max3A_272 = vector.broadcast %max3A_271 : i32 to vector<16xi32>
        %max3A_273 = arith.maxsi %get3A_264, %max3A_272 : vector<16xi32>
        %gather3A_274 = tpu.vector_load_idx %arg7[%max3A_270] : memref<10000xf32, #tpu.memory_space<vmem>>[vector<16xi32>], vector<16xf32>,
        %jit3A_275 = arith.constant 0.000000e+00 : f32
        %broadcast_in_dim3A_276 = vector.broadcast %jit3A_275 : f32 to vector<16xf32>
        %select_n3A_277 = arith.select %ge3A_267, %gather3A_274, %broadcast_in_dim3A_276 : vector<16xi1>, vector<16xf32>
        %gather3A_278 = tpu.vector_load_idx %arg8[%max3A_270] : memref<10000xf32, #tpu.memory_space<vmem>>[vector<16xi32>], vector<16xf32>,
        %jit3A_279 = arith.constant 0.000000e+00 : f32
        %broadcast_in_dim3A_280 = vector.broadcast %jit3A_279 : f32 to vector<16xf32>
        %select_n3A_281 = arith.select %ge3A_267, %gather3A_278, %broadcast_in_dim3A_280 : vector<16xi1>, vector<16xf32>
        %gather3A_282 = tpu.vector_load_idx %arg9[%max3A_270] : memref<10000xf32, #tpu.memory_space<vmem>>[vector<16xi32>], vector<16xf32>,
        %jit3A_283 = arith.constant 0.000000e+00 : f32
        %broadcast_in_dim3A_284 = vector.broadcast %jit3A_283 : f32 to vector<16xf32>
        %select_n3A_285 = arith.select %ge3A_267, %gather3A_282, %broadcast_in_dim3A_284 : vector<16xi1>, vector<16xf32>
        %gather3A_286 = tpu.vector_load_idx %arg10[%max3A_270] : memref<10000xf32, #tpu.memory_space<vmem>>[vector<16xi32>], vector<16xf32>,
        %jit3A_287 = arith.constant 0.000000e+00 : f32
        %broadcast_in_dim3A_288 = vector.broadcast %jit3A_287 : f32 to vector<16xf32>
        %select_n3A_289 = arith.select %ge3A_267, %gather3A_286, %broadcast_in_dim3A_288 : vector<16xi1>, vector<16xf32>
        %scan3A_290 = arith.constant 5 : i32
        %scan3A_291 = arith.addi %scan3A_95, %scan3A_290 : i32
        %mul3A_292 = arith.constant 1 : i32
        %mul3A_293 = arith.muli %scan3A_291, %mul3A_292 : i32
        %add3A_294 = arith.constant 0 : i32
        %add3A_295 = arith.addi %add3A_294, %mul3A_293 : i32
        tpu.vector_store_idx %arg11[%max3A_273], %select_n3A_277 {add = true} : memref<10000xf32, #tpu.memory_space<vmem>>[vector<16xi32>], vector<16xf32>,
        tpu.vector_store_idx %arg12[%max3A_273], %select_n3A_281 {add = true} : memref<10000xf32, #tpu.memory_space<vmem>>[vector<16xi32>], vector<16xf32>,
        tpu.vector_store_idx %arg13[%max3A_273], %select_n3A_285 {add = true} : memref<10000xf32, #tpu.memory_space<vmem>>[vector<16xi32>], vector<16xf32>,
        tpu.vector_store_idx %arg14[%max3A_273], %select_n3A_289 {add = true} : memref<10000xf32, #tpu.memory_space<vmem>>[vector<16xi32>], vector<16xf32>,
        %mul3A_296 = arith.constant 16 : i32
        %mul3A_297 = arith.muli %add3A_295, %mul3A_296 : i32
        %get3A_298 = arith.index_cast %mul3A_297 : i32 to index
        %get3A_299 = tpu.vector_load %arg15[%get3A_298] {strides = array<i32>} : memref<8192xi32, #tpu.memory_space<vmem>>, vector<16xi32>,
        %mul3A_300 = arith.constant 16 : i32
        %mul3A_301 = arith.muli %add3A_295, %mul3A_300 : i32
        %get3A_302 = arith.index_cast %mul3A_301 : i32 to index
        %get3A_303 = tpu.vector_load %arg16[%get3A_302] {strides = array<i32>} : memref<8192xi32, #tpu.memory_space<vmem>>, vector<16xi32>,
        %ge3A_304 = arith.constant 0 : i32
        %ge3A_305 = vector.broadcast %ge3A_304 : i32 to vector<16xi32>
        %ge3A_306 = arith.cmpi sge, %get3A_299, %ge3A_305 : vector<16xi32>
        %max3A_307 = arith.constant 0 : i32
        %max3A_308 = vector.broadcast %max3A_307 : i32 to vector<16xi32>
        %max3A_309 = arith.maxsi %get3A_299, %max3A_308 : vector<16xi32>
        %max3A_310 = arith.constant 0 : i32
        %max3A_311 = vector.broadcast %max3A_310 : i32 to vector<16xi32>
        %max3A_312 = arith.maxsi %get3A_303, %max3A_311 : vector<16xi32>
        %gather3A_313 = tpu.vector_load_idx %arg7[%max3A_309] : memref<10000xf32, #tpu.memory_space<vmem>>[vector<16xi32>], vector<16xf32>,
        %jit3A_314 = arith.constant 0.000000e+00 : f32
        %broadcast_in_dim3A_315 = vector.broadcast %jit3A_314 : f32 to vector<16xf32>
        %select_n3A_316 = arith.select %ge3A_306, %gather3A_313, %broadcast_in_dim3A_315 : vector<16xi1>, vector<16xf32>
        %gather3A_317 = tpu.vector_load_idx %arg8[%max3A_309] : memref<10000xf32, #tpu.memory_space<vmem>>[vector<16xi32>], vector<16xf32>,
        %jit3A_318 = arith.constant 0.000000e+00 : f32
        %broadcast_in_dim3A_319 = vector.broadcast %jit3A_318 : f32 to vector<16xf32>
        %select_n3A_320 = arith.select %ge3A_306, %gather3A_317, %broadcast_in_dim3A_319 : vector<16xi1>, vector<16xf32>
        %gather3A_321 = tpu.vector_load_idx %arg9[%max3A_309] : memref<10000xf32, #tpu.memory_space<vmem>>[vector<16xi32>], vector<16xf32>,
        %jit3A_322 = arith.constant 0.000000e+00 : f32
        %broadcast_in_dim3A_323 = vector.broadcast %jit3A_322 : f32 to vector<16xf32>
        %select_n3A_324 = arith.select %ge3A_306, %gather3A_321, %broadcast_in_dim3A_323 : vector<16xi1>, vector<16xf32>
        %gather3A_325 = tpu.vector_load_idx %arg10[%max3A_309] : memref<10000xf32, #tpu.memory_space<vmem>>[vector<16xi32>], vector<16xf32>,
        %jit3A_326 = arith.constant 0.000000e+00 : f32
        %broadcast_in_dim3A_327 = vector.broadcast %jit3A_326 : f32 to vector<16xf32>
        %select_n3A_328 = arith.select %ge3A_306, %gather3A_325, %broadcast_in_dim3A_327 : vector<16xi1>, vector<16xf32>
        %scan3A_329 = arith.constant 6 : i32
        %scan3A_330 = arith.addi %scan3A_95, %scan3A_329 : i32
        %mul3A_331 = arith.constant 1 : i32
        %mul3A_332 = arith.muli %scan3A_330, %mul3A_331 : i32
        %add3A_333 = arith.constant 0 : i32
        %add3A_334 = arith.addi %add3A_333, %mul3A_332 : i32
        tpu.vector_store_idx %arg11[%max3A_312], %select_n3A_316 {add = true} : memref<10000xf32, #tpu.memory_space<vmem>>[vector<16xi32>], vector<16xf32>,
        tpu.vector_store_idx %arg12[%max3A_312], %select_n3A_320 {add = true} : memref<10000xf32, #tpu.memory_space<vmem>>[vector<16xi32>], vector<16xf32>,
        tpu.vector_store_idx %arg13[%max3A_312], %select_n3A_324 {add = true} : memref<10000xf32, #tpu.memory_space<vmem>>[vector<16xi32>], vector<16xf32>,
        tpu.vector_store_idx %arg14[%max3A_312], %select_n3A_328 {add = true} : memref<10000xf32, #tpu.memory_space<vmem>>[vector<16xi32>], vector<16xf32>,
        %mul3A_335 = arith.constant 16 : i32
        %mul3A_336 = arith.muli %add3A_334, %mul3A_335 : i32
        %get3A_337 = arith.index_cast %mul3A_336 : i32 to index
        %get3A_338 = tpu.vector_load %arg15[%get3A_337] {strides = array<i32>} : memref<8192xi32, #tpu.memory_space<vmem>>, vector<16xi32>,
        %mul3A_339 = arith.constant 16 : i32
        %mul3A_340 = arith.muli %add3A_334, %mul3A_339 : i32
        %get3A_341 = arith.index_cast %mul3A_340 : i32 to index
        %get3A_342 = tpu.vector_load %arg16[%get3A_341] {strides = array<i32>} : memref<8192xi32, #tpu.memory_space<vmem>>, vector<16xi32>,
        %ge3A_343 = arith.constant 0 : i32
        %ge3A_344 = vector.broadcast %ge3A_343 : i32 to vector<16xi32>
        %ge3A_345 = arith.cmpi sge, %get3A_338, %ge3A_344 : vector<16xi32>
        %max3A_346 = arith.constant 0 : i32
        %max3A_347 = vector.broadcast %max3A_346 : i32 to vector<16xi32>
        %max3A_348 = arith.maxsi %get3A_338, %max3A_347 : vector<16xi32>
        %max3A_349 = arith.constant 0 : i32
        %max3A_350 = vector.broadcast %max3A_349 : i32 to vector<16xi32>
        %max3A_351 = arith.maxsi %get3A_342, %max3A_350 : vector<16xi32>
        %gather3A_352 = tpu.vector_load_idx %arg7[%max3A_348] : memref<10000xf32, #tpu.memory_space<vmem>>[vector<16xi32>], vector<16xf32>,
        %jit3A_353 = arith.constant 0.000000e+00 : f32
        %broadcast_in_dim3A_354 = vector.broadcast %jit3A_353 : f32 to vector<16xf32>
        %select_n3A_355 = arith.select %ge3A_345, %gather3A_352, %broadcast_in_dim3A_354 : vector<16xi1>, vector<16xf32>
        %gather3A_356 = tpu.vector_load_idx %arg8[%max3A_348] : memref<10000xf32, #tpu.memory_space<vmem>>[vector<16xi32>], vector<16xf32>,
        %jit3A_357 = arith.constant 0.000000e+00 : f32
        %broadcast_in_dim3A_358 = vector.broadcast %jit3A_357 : f32 to vector<16xf32>
        %select_n3A_359 = arith.select %ge3A_345, %gather3A_356, %broadcast_in_dim3A_358 : vector<16xi1>, vector<16xf32>
        %gather3A_360 = tpu.vector_load_idx %arg9[%max3A_348] : memref<10000xf32, #tpu.memory_space<vmem>>[vector<16xi32>], vector<16xf32>,
        %jit3A_361 = arith.constant 0.000000e+00 : f32
        %broadcast_in_dim3A_362 = vector.broadcast %jit3A_361 : f32 to vector<16xf32>
        %select_n3A_363 = arith.select %ge3A_345, %gather3A_360, %broadcast_in_dim3A_362 : vector<16xi1>, vector<16xf32>
        %gather3A_364 = tpu.vector_load_idx %arg10[%max3A_348] : memref<10000xf32, #tpu.memory_space<vmem>>[vector<16xi32>], vector<16xf32>,
        %jit3A_365 = arith.constant 0.000000e+00 : f32
        %broadcast_in_dim3A_366 = vector.broadcast %jit3A_365 : f32 to vector<16xf32>
        %select_n3A_367 = arith.select %ge3A_345, %gather3A_364, %broadcast_in_dim3A_366 : vector<16xi1>, vector<16xf32>
        %scan3A_368 = arith.constant 7 : i32
        %scan3A_369 = arith.addi %scan3A_95, %scan3A_368 : i32
        %mul3A_370 = arith.constant 1 : i32
        %mul3A_371 = arith.muli %scan3A_369, %mul3A_370 : i32
        %add3A_372 = arith.constant 0 : i32
        %add3A_373 = arith.addi %add3A_372, %mul3A_371 : i32
        tpu.vector_store_idx %arg11[%max3A_351], %select_n3A_355 {add = true} : memref<10000xf32, #tpu.memory_space<vmem>>[vector<16xi32>], vector<16xf32>,
        tpu.vector_store_idx %arg12[%max3A_351], %select_n3A_359 {add = true} : memref<10000xf32, #tpu.memory_space<vmem>>[vector<16xi32>], vector<16xf32>,
        tpu.vector_store_idx %arg13[%max3A_351], %select_n3A_363 {add = true} : memref<10000xf32, #tpu.memory_space<vmem>>[vector<16xi32>], vector<16xf32>,
        tpu.vector_store_idx %arg14[%max3A_351], %select_n3A_367 {add = true} : memref<10000xf32, #tpu.memory_space<vmem>>[vector<16xi32>], vector<16xf32>,
        %mul3A_374 = arith.constant 16 : i32
        %mul3A_375 = arith.muli %add3A_373, %mul3A_374 : i32
        %get3A_376 = arith.index_cast %mul3A_375 : i32 to index
        %get3A_377 = tpu.vector_load %arg15[%get3A_376] {strides = array<i32>} : memref<8192xi32, #tpu.memory_space<vmem>>, vector<16xi32>,
        %mul3A_378 = arith.constant 16 : i32
        %mul3A_379 = arith.muli %add3A_373, %mul3A_378 : i32
        %get3A_380 = arith.index_cast %mul3A_379 : i32 to index
        %get3A_381 = tpu.vector_load %arg16[%get3A_380] {strides = array<i32>} : memref<8192xi32, #tpu.memory_space<vmem>>, vector<16xi32>,
        %ge3A_382 = arith.constant 0 : i32
        %ge3A_383 = vector.broadcast %ge3A_382 : i32 to vector<16xi32>
        %ge3A_384 = arith.cmpi sge, %get3A_377, %ge3A_383 : vector<16xi32>
        %max3A_385 = arith.constant 0 : i32
        %max3A_386 = vector.broadcast %max3A_385 : i32 to vector<16xi32>
        %max3A_387 = arith.maxsi %get3A_377, %max3A_386 : vector<16xi32>
        %max3A_388 = arith.constant 0 : i32
        %max3A_389 = vector.broadcast %max3A_388 : i32 to vector<16xi32>
        %max3A_390 = arith.maxsi %get3A_381, %max3A_389 : vector<16xi32>
        %gather3A_391 = tpu.vector_load_idx %arg7[%max3A_387] : memref<10000xf32, #tpu.memory_space<vmem>>[vector<16xi32>], vector<16xf32>,
        %jit3A_392 = arith.constant 0.000000e+00 : f32
        %broadcast_in_dim3A_393 = vector.broadcast %jit3A_392 : f32 to vector<16xf32>
        %select_n3A_394 = arith.select %ge3A_384, %gather3A_391, %broadcast_in_dim3A_393 : vector<16xi1>, vector<16xf32>
        %gather3A_395 = tpu.vector_load_idx %arg8[%max3A_387] : memref<10000xf32, #tpu.memory_space<vmem>>[vector<16xi32>], vector<16xf32>,
        %jit3A_396 = arith.constant 0.000000e+00 : f32
        %broadcast_in_dim3A_397 = vector.broadcast %jit3A_396 : f32 to vector<16xf32>
        %select_n3A_398 = arith.select %ge3A_384, %gather3A_395, %broadcast_in_dim3A_397 : vector<16xi1>, vector<16xf32>
        %gather3A_399 = tpu.vector_load_idx %arg9[%max3A_387] : memref<10000xf32, #tpu.memory_space<vmem>>[vector<16xi32>], vector<16xf32>,
        %jit3A_400 = arith.constant 0.000000e+00 : f32
        %broadcast_in_dim3A_401 = vector.broadcast %jit3A_400 : f32 to vector<16xf32>
        %select_n3A_402 = arith.select %ge3A_384, %gather3A_399, %broadcast_in_dim3A_401 : vector<16xi1>, vector<16xf32>
        %gather3A_403 = tpu.vector_load_idx %arg10[%max3A_387] : memref<10000xf32, #tpu.memory_space<vmem>>[vector<16xi32>], vector<16xf32>,
        %jit3A_404 = arith.constant 0.000000e+00 : f32
        %broadcast_in_dim3A_405 = vector.broadcast %jit3A_404 : f32 to vector<16xf32>
        %select_n3A_406 = arith.select %ge3A_384, %gather3A_403, %broadcast_in_dim3A_405 : vector<16xi1>, vector<16xf32>
        scf.yield %select_n3A_394, %select_n3A_398, %select_n3A_402, %select_n3A_406, %max3A_390 : vector<16xf32>, vector<16xf32>, vector<16xf32>, vector<16xf32>, vector<16xi32>
      }
      %scan3A_94 = arith.constant 512 : i32
      scf.yield %scan3A_93#0, %scan3A_93#1, %scan3A_93#2, %scan3A_93#3, %scan3A_93#4 : vector<16xf32>, vector<16xf32>, vector<16xf32>, vector<16xf32>, vector<16xi32>
    }
    %scan3A_56 = arith.constant 10 : i32
    tpu.vector_store_idx %arg11[%scan3A_55#4], %scan3A_55#0 {add = true} : memref<10000xf32, #tpu.memory_space<vmem>>[vector<16xi32>], vector<16xf32>,
    tpu.vector_store_idx %arg12[%scan3A_55#4], %scan3A_55#1 {add = true} : memref<10000xf32, #tpu.memory_space<vmem>>[vector<16xi32>], vector<16xf32>,
    tpu.vector_store_idx %arg13[%scan3A_55#4], %scan3A_55#2 {add = true} : memref<10000xf32, #tpu.memory_space<vmem>>[vector<16xi32>], vector<16xf32>,
    tpu.vector_store_idx %arg14[%scan3A_55#4], %scan3A_55#3 {add = true} : memref<10000xf32, #tpu.memory_space<vmem>>[vector<16xi32>], vector<16xf32>,
    %mul3A_57 = arith.constant 40000 : i32
    %mul3A_58 = arith.muli %add3A, %mul3A_57 : i32
    %add3A_59 = arith.constant 0 : i32
    %add3A_60 = arith.addi %mul3A_58, %add3A_59 : i32
    "tpu.region"() ({
      %run_scoped3A = tpu.sem_alloc : memref<!tpu.dma_semaphore, #tpu.memory_space<semaphore_mem>>
      %dma_start3A = tpu.memref_slice %arg6[%add3A_60] : memref<1280000xf32, #tpu.memory_space<hbm>> -> memref<10000xf32, #tpu.memory_space<hbm>>
      %dma_start3A_73 = tpu.memref_slice %arg6[%add3A_60] : memref<1280000xf32, #tpu.memory_space<hbm>> -> memref<10000xf32, #tpu.memory_space<hbm>>
      tpu.enqueue_dma source(%arg11 : memref<10000xf32, #tpu.memory_space<vmem>>) target(%dma_start3A_73 : memref<10000xf32, #tpu.memory_space<hbm>>) target_semaphore(%run_scoped3A : memref<!tpu.dma_semaphore, #tpu.memory_space<semaphore_mem>>)
      %dma_wait3A = tpu.memref_slice %arg6[%add3A_60] : memref<1280000xf32, #tpu.memory_space<hbm>> -> memref<10000xf32, #tpu.memory_space<hbm>>
      %dma_wait3A_74 = tpu.memref_slice %arg6[%add3A_60] : memref<1280000xf32, #tpu.memory_space<hbm>> -> memref<10000xf32, #tpu.memory_space<hbm>>
      tpu.wait_dma2 semaphore(%run_scoped3A : memref<!tpu.dma_semaphore, #tpu.memory_space<semaphore_mem>>) src(%arg11 : memref<10000xf32, #tpu.memory_space<vmem>>) dst(%dma_wait3A_74 : memref<10000xf32, #tpu.memory_space<hbm>>)
      tpu.yield
    }) : () -> ()
    %mul3A_61 = arith.constant 40000 : i32
    %mul3A_62 = arith.muli %add3A, %mul3A_61 : i32
    %add3A_63 = arith.constant 10000 : i32
    %add3A_64 = arith.addi %mul3A_62, %add3A_63 : i32
    "tpu.region"() ({
      %run_scoped3A = tpu.sem_alloc : memref<!tpu.dma_semaphore, #tpu.memory_space<semaphore_mem>>
      %dma_start3A = tpu.memref_slice %arg6[%add3A_64] : memref<1280000xf32, #tpu.memory_space<hbm>> -> memref<10000xf32, #tpu.memory_space<hbm>>
      %dma_start3A_73 = tpu.memref_slice %arg6[%add3A_64] : memref<1280000xf32, #tpu.memory_space<hbm>> -> memref<10000xf32, #tpu.memory_space<hbm>>
      tpu.enqueue_dma source(%arg12 : memref<10000xf32, #tpu.memory_space<vmem>>) target(%dma_start3A_73 : memref<10000xf32, #tpu.memory_space<hbm>>) target_semaphore(%run_scoped3A : memref<!tpu.dma_semaphore, #tpu.memory_space<semaphore_mem>>)
      %dma_wait3A = tpu.memref_slice %arg6[%add3A_64] : memref<1280000xf32, #tpu.memory_space<hbm>> -> memref<10000xf32, #tpu.memory_space<hbm>>
      %dma_wait3A_74 = tpu.memref_slice %arg6[%add3A_64] : memref<1280000xf32, #tpu.memory_space<hbm>> -> memref<10000xf32, #tpu.memory_space<hbm>>
      tpu.wait_dma2 semaphore(%run_scoped3A : memref<!tpu.dma_semaphore, #tpu.memory_space<semaphore_mem>>) src(%arg12 : memref<10000xf32, #tpu.memory_space<vmem>>) dst(%dma_wait3A_74 : memref<10000xf32, #tpu.memory_space<hbm>>)
      tpu.yield
    }) : () -> ()
    %mul3A_65 = arith.constant 40000 : i32
    %mul3A_66 = arith.muli %add3A, %mul3A_65 : i32
    %add3A_67 = arith.constant 20000 : i32
    %add3A_68 = arith.addi %mul3A_66, %add3A_67 : i32
    "tpu.region"() ({
      %run_scoped3A = tpu.sem_alloc : memref<!tpu.dma_semaphore, #tpu.memory_space<semaphore_mem>>
      %dma_start3A = tpu.memref_slice %arg6[%add3A_68] : memref<1280000xf32, #tpu.memory_space<hbm>> -> memref<10000xf32, #tpu.memory_space<hbm>>
      %dma_start3A_73 = tpu.memref_slice %arg6[%add3A_68] : memref<1280000xf32, #tpu.memory_space<hbm>> -> memref<10000xf32, #tpu.memory_space<hbm>>
      tpu.enqueue_dma source(%arg13 : memref<10000xf32, #tpu.memory_space<vmem>>) target(%dma_start3A_73 : memref<10000xf32, #tpu.memory_space<hbm>>) target_semaphore(%run_scoped3A : memref<!tpu.dma_semaphore, #tpu.memory_space<semaphore_mem>>)
      %dma_wait3A = tpu.memref_slice %arg6[%add3A_68] : memref<1280000xf32, #tpu.memory_space<hbm>> -> memref<10000xf32, #tpu.memory_space<hbm>>
      %dma_wait3A_74 = tpu.memref_slice %arg6[%add3A_68] : memref<1280000xf32, #tpu.memory_space<hbm>> -> memref<10000xf32, #tpu.memory_space<hbm>>
      tpu.wait_dma2 semaphore(%run_scoped3A : memref<!tpu.dma_semaphore, #tpu.memory_space<semaphore_mem>>) src(%arg13 : memref<10000xf32, #tpu.memory_space<vmem>>) dst(%dma_wait3A_74 : memref<10000xf32, #tpu.memory_space<hbm>>)
      tpu.yield
    }) : () -> ()
    %mul3A_69 = arith.constant 40000 : i32
    %mul3A_70 = arith.muli %add3A, %mul3A_69 : i32
    %add3A_71 = arith.constant 30000 : i32
    %add3A_72 = arith.addi %mul3A_70, %add3A_71 : i32
    "tpu.region"() ({
      %run_scoped3A = tpu.sem_alloc : memref<!tpu.dma_semaphore, #tpu.memory_space<semaphore_mem>>
      %dma_start3A = tpu.memref_slice %arg6[%add3A_72] : memref<1280000xf32, #tpu.memory_space<hbm>> -> memref<10000xf32, #tpu.memory_space<hbm>>
      %dma_start3A_73 = tpu.memref_slice %arg6[%add3A_72] : memref<1280000xf32, #tpu.memory_space<hbm>> -> memref<10000xf32, #tpu.memory_space<hbm>>
      tpu.enqueue_dma source(%arg14 : memref<10000xf32, #tpu.memory_space<vmem>>) target(%dma_start3A_73 : memref<10000xf32, #tpu.memory_space<hbm>>) target_semaphore(%run_scoped3A : memref<!tpu.dma_semaphore, #tpu.memory_space<semaphore_mem>>)
      %dma_wait3A = tpu.memref_slice %arg6[%add3A_72] : memref<1280000xf32, #tpu.memory_space<hbm>> -> memref<10000xf32, #tpu.memory_space<hbm>>
      %dma_wait3A_74 = tpu.memref_slice %arg6[%add3A_72] : memref<1280000xf32, #tpu.memory_space<hbm>> -> memref<10000xf32, #tpu.memory_space<hbm>>
      tpu.wait_dma2 semaphore(%run_scoped3A : memref<!tpu.dma_semaphore, #tpu.memory_space<semaphore_mem>>) src(%arg14 : memref<10000xf32, #tpu.memory_space<vmem>>) dst(%dma_wait3A_74 : memref<10000xf32, #tpu.memory_space<hbm>>)
      tpu.yield
    }) : () -> ()
    return
  }
}

module attributes {stable_mosaic.version = 14 : i64} {
  func.func @_embed_body(%arg0: memref<10000x128xf32, #tpu.memory_space<vmem>>, %arg1: memref<10000x128xf32, #tpu.memory_space<vmem>>, %arg2: memref<128x64xf32, #tpu.memory_space<vmem>>, %arg3: memref<192x64xf32, #tpu.memory_space<vmem>>, %arg4: memref<1x64xf32, #tpu.memory_space<vmem>>, %arg5: memref<64x32xf32, #tpu.memory_space<vmem>>, %arg6: memref<1x32xf32, #tpu.memory_space<vmem>>, %arg7: memref<32x32xf32, #tpu.memory_space<vmem>>, %arg8: memref<32x10000xf32, #tpu.memory_space<vmem>>) attributes {dimension_semantics = [], scalar_prefetch = 0 : i64, scratch_operands = 0 : i64, tpu.core_type = #tpu.core_type<tc>} {
    %get3A = arith.constant 0 : index
    %get3A_0 = arith.constant 0 : index
    %get3A_1 = vector.load %arg1[%get3A, %get3A_0] : memref<10000x128xf32, #tpu.memory_space<vmem>>, vector<10000x128xf32>
    %get3A_2 = arith.constant 0 : index
    %get3A_3 = arith.constant 0 : index
    %get3A_4 = vector.load %arg2[%get3A_2, %get3A_3] : memref<128x64xf32, #tpu.memory_space<vmem>>, vector<128x64xf32>
    %dot_general3A = arith.constant dense<0.000000e+00> : vector<10000x64xf32>
    %dot_general3A_5 = tpu.matmul %get3A_1, %get3A_4, %dot_general3A {dimension_numbers = #tpu.dot_dimension_numbers<[1], [0], [0], [1], [0, 0, 1, 1], [], []>, transpose_lhs_hint = false} : vector<10000x128xf32>, vector<128x64xf32>, vector<10000x64xf32> -> vector<10000x64xf32>
    %get3A_6 = arith.constant 0 : index
    %get3A_7 = arith.constant 0 : index
    %get3A_8 = vector.load %arg0[%get3A_6, %get3A_7] : memref<10000x128xf32, #tpu.memory_space<vmem>>, vector<10000x128xf32>
    %concatenate3A = tpu.concatenate %get3A_8, %dot_general3A_5 in 1 : vector<10000x128xf32>, vector<10000x64xf32> -> vector<10000x192xf32>
    %get3A_9 = arith.constant 0 : index
    %get3A_10 = arith.constant 0 : index
    %get3A_11 = vector.load %arg3[%get3A_9, %get3A_10] : memref<192x64xf32, #tpu.memory_space<vmem>>, vector<192x64xf32>
    %dot_general3A_12 = arith.constant dense<0.000000e+00> : vector<10000x64xf32>
    %dot_general3A_13 = tpu.matmul %concatenate3A, %get3A_11, %dot_general3A_12 {dimension_numbers = #tpu.dot_dimension_numbers<[1], [0], [0], [1], [0, 0, 1, 1], [], []>, transpose_lhs_hint = false} : vector<10000x192xf32>, vector<192x64xf32>, vector<10000x64xf32> -> vector<10000x64xf32>
    %get3A_14 = arith.constant 0 : index
    %get3A_15 = arith.constant 0 : index
    %get3A_16 = vector.load %arg4[%get3A_14, %get3A_15] : memref<1x64xf32, #tpu.memory_space<vmem>>, vector<1x64xf32>
    %add3A = vector.broadcast %get3A_16 : vector<1x64xf32> to vector<10000x64xf32>
    %add3A_17 = arith.addf %dot_general3A_13, %add3A : vector<10000x64xf32>
    %tanh3A = math.tanh %add3A_17 : vector<10000x64xf32>
    %get3A_18 = arith.constant 0 : index
    %get3A_19 = arith.constant 0 : index
    %get3A_20 = vector.load %arg5[%get3A_18, %get3A_19] : memref<64x32xf32, #tpu.memory_space<vmem>>, vector<64x32xf32>
    %dot_general3A_21 = arith.constant dense<0.000000e+00> : vector<10000x32xf32>
    %dot_general3A_22 = tpu.matmul %tanh3A, %get3A_20, %dot_general3A_21 {dimension_numbers = #tpu.dot_dimension_numbers<[1], [0], [0], [1], [0, 0, 1, 1], [], []>, transpose_lhs_hint = false} : vector<10000x64xf32>, vector<64x32xf32>, vector<10000x32xf32> -> vector<10000x32xf32>
    %get3A_23 = arith.constant 0 : index
    %get3A_24 = arith.constant 0 : index
    %get3A_25 = vector.load %arg6[%get3A_23, %get3A_24] : memref<1x32xf32, #tpu.memory_space<vmem>>, vector<1x32xf32>
    %add3A_26 = vector.broadcast %get3A_25 : vector<1x32xf32> to vector<10000x32xf32>
    %add3A_27 = arith.addf %dot_general3A_22, %add3A_26 : vector<10000x32xf32>
    %tanh3A_28 = math.tanh %add3A_27 : vector<10000x32xf32>
    %get3A_29 = arith.constant 0 : index
    %get3A_30 = arith.constant 0 : index
    %get3A_31 = vector.load %arg7[%get3A_29, %get3A_30] : memref<32x32xf32, #tpu.memory_space<vmem>>, vector<32x32xf32>
    %dot_general3A_32 = arith.constant dense<0.000000e+00> : vector<10000x32xf32>
    %dot_general3A_33 = tpu.matmul %tanh3A_28, %get3A_31, %dot_general3A_32 {dimension_numbers = #tpu.dot_dimension_numbers<[1], [0], [0], [1], [0, 0, 1, 1], [], []>, transpose_lhs_hint = false} : vector<10000x32xf32>, vector<32x32xf32>, vector<10000x32xf32> -> vector<10000x32xf32>
    %transpose3A = tpu.transpose %dot_general3A_33, [1, 0] : vector<10000x32xf32> -> vector<32x10000xf32>
    %swap3A = arith.constant 0 : index
    %swap3A_34 = arith.constant 0 : index
    %swap3A_35 = vector.load %arg8[%swap3A, %swap3A_34] : memref<32x10000xf32, #tpu.memory_space<vmem>>, vector<32x10000xf32>
    tpu.vector_store %arg8[%swap3A, %swap3A_34], %transpose3A {strides = array<i32>} : memref<32x10000xf32, #tpu.memory_space<vmem>>, vector<32x10000xf32>,
    return
  }
}

module attributes {stable_mosaic.version = 14 : i64} {
  func.func @_scale_body(%arg0: memref<32x10000xf32, #tpu.memory_space<vmem>>, %arg1: memref<32x10000xf32, #tpu.memory_space<vmem>>, %arg2: memref<1x10000xf32, #tpu.memory_space<vmem>>, %arg3: memref<32x10000xf32, #tpu.memory_space<vmem>>) attributes {dimension_semantics = [], scalar_prefetch = 0 : i64, scratch_operands = 0 : i64, tpu.core_type = #tpu.core_type<tc>} {
    %get3A = arith.constant 0 : index
    %get3A_0 = arith.constant 0 : index
    %get3A_1 = vector.load %arg0[%get3A, %get3A_0] : memref<32x10000xf32, #tpu.memory_space<vmem>>, vector<32x10000xf32>
    %reduce_sum3A = arith.constant dense<0.000000e+00> : vector<10000xf32>
    %reduce_sum3A_2 = vector.multi_reduction <add>, %get3A_1, %reduce_sum3A [0] : vector<32x10000xf32> to vector<10000xf32>
    %broadcast_in_dim3A = vector.shape_cast %reduce_sum3A_2 : vector<10000xf32> to vector<1x10000xf32>
    %add3A = arith.constant 1.000000e+00 : f32
    %add3A_3 = vector.broadcast %add3A : f32 to vector<1x10000xf32>
    %add3A_4 = arith.addf %broadcast_in_dim3A, %add3A_3 : vector<1x10000xf32>
    %rsqrt3A = math.rsqrt %add3A_4 : vector<1x10000xf32>
    %swap3A = arith.constant 0 : index
    %swap3A_5 = arith.constant 0 : index
    %swap3A_6 = vector.load %arg2[%swap3A, %swap3A_5] : memref<1x10000xf32, #tpu.memory_space<vmem>>, vector<1x10000xf32>
    tpu.vector_store %arg2[%swap3A, %swap3A_5], %rsqrt3A {strides = array<i32>} : memref<1x10000xf32, #tpu.memory_space<vmem>>, vector<1x10000xf32>,
    %get3A_7 = arith.constant 0 : index
    %get3A_8 = arith.constant 0 : index
    %get3A_9 = vector.load %arg1[%get3A_7, %get3A_8] : memref<32x10000xf32, #tpu.memory_space<vmem>>, vector<32x10000xf32>
    %mul3A = vector.broadcast %rsqrt3A : vector<1x10000xf32> to vector<32x10000xf32>
    %mul3A_10 = arith.mulf %mul3A, %get3A_9 : vector<32x10000xf32>
    %swap3A_11 = arith.constant 0 : index
    %swap3A_12 = arith.constant 0 : index
    %swap3A_13 = vector.load %arg3[%swap3A_11, %swap3A_12] : memref<32x10000xf32, #tpu.memory_space<vmem>>, vector<32x10000xf32>
    tpu.vector_store %arg3[%swap3A_11, %swap3A_12], %mul3A_10 {strides = array<i32>} : memref<32x10000xf32, #tpu.memory_space<vmem>>, vector<32x10000xf32>,
    return
  }
}

module attributes {stable_mosaic.version = 14 : i64} {
  func.func @_layer_body(%arg0: memref<4x8x4x10000xf32, #tpu.memory_space<vmem>>, %arg1: memref<32x10000xf32, #tpu.memory_space<vmem>>, %arg2: memref<1x10000xf32, #tpu.memory_space<vmem>>, %arg3: memref<32x1xf32, #tpu.memory_space<vmem>>, %arg4: memref<32x32xf32, #tpu.memory_space<vmem>>, %arg5: memref<32x10000xf32, #tpu.memory_space<vmem>>) attributes {dimension_semantics = [], scalar_prefetch = 0 : i64, scratch_operands = 0 : i64, tpu.core_type = #tpu.core_type<tc>} {
    %get3A = arith.constant 0 : index
    %get3A_0 = arith.constant 0 : index
    %get3A_1 = vector.load %arg2[%get3A, %get3A_0] : memref<1x10000xf32, #tpu.memory_space<vmem>>, vector<1x10000xf32>
    %get3A_2 = arith.constant 0 : index
    %get3A_3 = arith.constant 0 : index
    %get3A_4 = arith.constant 0 : index
    %get3A_5 = arith.constant 0 : index
    %get3A_6 = vector.load %arg0[%get3A_2, %get3A_3, %get3A_4, %get3A_5] : memref<4x8x4x10000xf32, #tpu.memory_space<vmem>>, vector<1x1x4x10000xf32>
    %get3A_7 = vector.shape_cast %get3A_6 : vector<1x1x4x10000xf32> to vector<4x10000xf32>
    %get3A_8 = arith.constant 1 : index
    %get3A_9 = arith.constant 0 : index
    %get3A_10 = arith.constant 0 : index
    %get3A_11 = arith.constant 0 : index
    %get3A_12 = vector.load %arg0[%get3A_8, %get3A_9, %get3A_10, %get3A_11] : memref<4x8x4x10000xf32, #tpu.memory_space<vmem>>, vector<1x1x4x10000xf32>
    %get3A_13 = vector.shape_cast %get3A_12 : vector<1x1x4x10000xf32> to vector<4x10000xf32>
    %add3A = arith.addf %get3A_7, %get3A_13 : vector<4x10000xf32>
    %get3A_14 = arith.constant 2 : index
    %get3A_15 = arith.constant 0 : index
    %get3A_16 = arith.constant 0 : index
    %get3A_17 = arith.constant 0 : index
    %get3A_18 = vector.load %arg0[%get3A_14, %get3A_15, %get3A_16, %get3A_17] : memref<4x8x4x10000xf32, #tpu.memory_space<vmem>>, vector<1x1x4x10000xf32>
    %get3A_19 = vector.shape_cast %get3A_18 : vector<1x1x4x10000xf32> to vector<4x10000xf32>
    %add3A_20 = arith.addf %add3A, %get3A_19 : vector<4x10000xf32>
    %get3A_21 = arith.constant 3 : index
    %get3A_22 = arith.constant 0 : index
    %get3A_23 = arith.constant 0 : index
    %get3A_24 = arith.constant 0 : index
    %get3A_25 = vector.load %arg0[%get3A_21, %get3A_22, %get3A_23, %get3A_24] : memref<4x8x4x10000xf32, #tpu.memory_space<vmem>>, vector<1x1x4x10000xf32>
    %get3A_26 = vector.shape_cast %get3A_25 : vector<1x1x4x10000xf32> to vector<4x10000xf32>
    %add3A_27 = arith.addf %add3A_20, %get3A_26 : vector<4x10000xf32>
    %get3A_28 = arith.constant 0 : index
    %get3A_29 = arith.constant 1 : index
    %get3A_30 = arith.constant 0 : index
    %get3A_31 = arith.constant 0 : index
    %get3A_32 = vector.load %arg0[%get3A_28, %get3A_29, %get3A_30, %get3A_31] : memref<4x8x4x10000xf32, #tpu.memory_space<vmem>>, vector<1x1x4x10000xf32>
    %get3A_33 = vector.shape_cast %get3A_32 : vector<1x1x4x10000xf32> to vector<4x10000xf32>
    %get3A_34 = arith.constant 1 : index
    %get3A_35 = arith.constant 1 : index
    %get3A_36 = arith.constant 0 : index
    %get3A_37 = arith.constant 0 : index
    %get3A_38 = vector.load %arg0[%get3A_34, %get3A_35, %get3A_36, %get3A_37] : memref<4x8x4x10000xf32, #tpu.memory_space<vmem>>, vector<1x1x4x10000xf32>
    %get3A_39 = vector.shape_cast %get3A_38 : vector<1x1x4x10000xf32> to vector<4x10000xf32>
    %add3A_40 = arith.addf %get3A_33, %get3A_39 : vector<4x10000xf32>
    %get3A_41 = arith.constant 2 : index
    %get3A_42 = arith.constant 1 : index
    %get3A_43 = arith.constant 0 : index
    %get3A_44 = arith.constant 0 : index
    %get3A_45 = vector.load %arg0[%get3A_41, %get3A_42, %get3A_43, %get3A_44] : memref<4x8x4x10000xf32, #tpu.memory_space<vmem>>, vector<1x1x4x10000xf32>
    %get3A_46 = vector.shape_cast %get3A_45 : vector<1x1x4x10000xf32> to vector<4x10000xf32>
    %add3A_47 = arith.addf %add3A_40, %get3A_46 : vector<4x10000xf32>
    %get3A_48 = arith.constant 3 : index
    %get3A_49 = arith.constant 1 : index
    %get3A_50 = arith.constant 0 : index
    %get3A_51 = arith.constant 0 : index
    %get3A_52 = vector.load %arg0[%get3A_48, %get3A_49, %get3A_50, %get3A_51] : memref<4x8x4x10000xf32, #tpu.memory_space<vmem>>, vector<1x1x4x10000xf32>
    %get3A_53 = vector.shape_cast %get3A_52 : vector<1x1x4x10000xf32> to vector<4x10000xf32>
    %add3A_54 = arith.addf %add3A_47, %get3A_53 : vector<4x10000xf32>
    %get3A_55 = arith.constant 0 : index
    %get3A_56 = arith.constant 2 : index
    %get3A_57 = arith.constant 0 : index
    %get3A_58 = arith.constant 0 : index
    %get3A_59 = vector.load %arg0[%get3A_55, %get3A_56, %get3A_57, %get3A_58] : memref<4x8x4x10000xf32, #tpu.memory_space<vmem>>, vector<1x1x4x10000xf32>
    %get3A_60 = vector.shape_cast %get3A_59 : vector<1x1x4x10000xf32> to vector<4x10000xf32>
    %get3A_61 = arith.constant 1 : index
    %get3A_62 = arith.constant 2 : index
    %get3A_63 = arith.constant 0 : index
    %get3A_64 = arith.constant 0 : index
    %get3A_65 = vector.load %arg0[%get3A_61, %get3A_62, %get3A_63, %get3A_64] : memref<4x8x4x10000xf32, #tpu.memory_space<vmem>>, vector<1x1x4x10000xf32>
    %get3A_66 = vector.shape_cast %get3A_65 : vector<1x1x4x10000xf32> to vector<4x10000xf32>
    %add3A_67 = arith.addf %get3A_60, %get3A_66 : vector<4x10000xf32>
    %get3A_68 = arith.constant 2 : index
    %get3A_69 = arith.constant 2 : index
    %get3A_70 = arith.constant 0 : index
    %get3A_71 = arith.constant 0 : index
    %get3A_72 = vector.load %arg0[%get3A_68, %get3A_69, %get3A_70, %get3A_71] : memref<4x8x4x10000xf32, #tpu.memory_space<vmem>>, vector<1x1x4x10000xf32>
    %get3A_73 = vector.shape_cast %get3A_72 : vector<1x1x4x10000xf32> to vector<4x10000xf32>
    %add3A_74 = arith.addf %add3A_67, %get3A_73 : vector<4x10000xf32>
    %get3A_75 = arith.constant 3 : index
    %get3A_76 = arith.constant 2 : index
    %get3A_77 = arith.constant 0 : index
    %get3A_78 = arith.constant 0 : index
    %get3A_79 = vector.load %arg0[%get3A_75, %get3A_76, %get3A_77, %get3A_78] : memref<4x8x4x10000xf32, #tpu.memory_space<vmem>>, vector<1x1x4x10000xf32>
    %get3A_80 = vector.shape_cast %get3A_79 : vector<1x1x4x10000xf32> to vector<4x10000xf32>
    %add3A_81 = arith.addf %add3A_74, %get3A_80 : vector<4x10000xf32>
    %get3A_82 = arith.constant 0 : index
    %get3A_83 = arith.constant 3 : index
    %get3A_84 = arith.constant 0 : index
    %get3A_85 = arith.constant 0 : index
    %get3A_86 = vector.load %arg0[%get3A_82, %get3A_83, %get3A_84, %get3A_85] : memref<4x8x4x10000xf32, #tpu.memory_space<vmem>>, vector<1x1x4x10000xf32>
    %get3A_87 = vector.shape_cast %get3A_86 : vector<1x1x4x10000xf32> to vector<4x10000xf32>
    %get3A_88 = arith.constant 1 : index
    %get3A_89 = arith.constant 3 : index
    %get3A_90 = arith.constant 0 : index
    %get3A_91 = arith.constant 0 : index
    %get3A_92 = vector.load %arg0[%get3A_88, %get3A_89, %get3A_90, %get3A_91] : memref<4x8x4x10000xf32, #tpu.memory_space<vmem>>, vector<1x1x4x10000xf32>
    %get3A_93 = vector.shape_cast %get3A_92 : vector<1x1x4x10000xf32> to vector<4x10000xf32>
    %add3A_94 = arith.addf %get3A_87, %get3A_93 : vector<4x10000xf32>
    %get3A_95 = arith.constant 2 : index
    %get3A_96 = arith.constant 3 : index
    %get3A_97 = arith.constant 0 : index
    %get3A_98 = arith.constant 0 : index
    %get3A_99 = vector.load %arg0[%get3A_95, %get3A_96, %get3A_97, %get3A_98] : memref<4x8x4x10000xf32, #tpu.memory_space<vmem>>, vector<1x1x4x10000xf32>
    %get3A_100 = vector.shape_cast %get3A_99 : vector<1x1x4x10000xf32> to vector<4x10000xf32>
    %add3A_101 = arith.addf %add3A_94, %get3A_100 : vector<4x10000xf32>
    %get3A_102 = arith.constant 3 : index
    %get3A_103 = arith.constant 3 : index
    %get3A_104 = arith.constant 0 : index
    %get3A_105 = arith.constant 0 : index
    %get3A_106 = vector.load %arg0[%get3A_102, %get3A_103, %get3A_104, %get3A_105] : memref<4x8x4x10000xf32, #tpu.memory_space<vmem>>, vector<1x1x4x10000xf32>
    %get3A_107 = vector.shape_cast %get3A_106 : vector<1x1x4x10000xf32> to vector<4x10000xf32>
    %add3A_108 = arith.addf %add3A_101, %get3A_107 : vector<4x10000xf32>
    %get3A_109 = arith.constant 0 : index
    %get3A_110 = arith.constant 4 : index
    %get3A_111 = arith.constant 0 : index
    %get3A_112 = arith.constant 0 : index
    %get3A_113 = vector.load %arg0[%get3A_109, %get3A_110, %get3A_111, %get3A_112] : memref<4x8x4x10000xf32, #tpu.memory_space<vmem>>, vector<1x1x4x10000xf32>
    %get3A_114 = vector.shape_cast %get3A_113 : vector<1x1x4x10000xf32> to vector<4x10000xf32>
    %get3A_115 = arith.constant 1 : index
    %get3A_116 = arith.constant 4 : index
    %get3A_117 = arith.constant 0 : index
    %get3A_118 = arith.constant 0 : index
    %get3A_119 = vector.load %arg0[%get3A_115, %get3A_116, %get3A_117, %get3A_118] : memref<4x8x4x10000xf32, #tpu.memory_space<vmem>>, vector<1x1x4x10000xf32>
    %get3A_120 = vector.shape_cast %get3A_119 : vector<1x1x4x10000xf32> to vector<4x10000xf32>
    %add3A_121 = arith.addf %get3A_114, %get3A_120 : vector<4x10000xf32>
    %get3A_122 = arith.constant 2 : index
    %get3A_123 = arith.constant 4 : index
    %get3A_124 = arith.constant 0 : index
    %get3A_125 = arith.constant 0 : index
    %get3A_126 = vector.load %arg0[%get3A_122, %get3A_123, %get3A_124, %get3A_125] : memref<4x8x4x10000xf32, #tpu.memory_space<vmem>>, vector<1x1x4x10000xf32>
    %get3A_127 = vector.shape_cast %get3A_126 : vector<1x1x4x10000xf32> to vector<4x10000xf32>
    %add3A_128 = arith.addf %add3A_121, %get3A_127 : vector<4x10000xf32>
    %get3A_129 = arith.constant 3 : index
    %get3A_130 = arith.constant 4 : index
    %get3A_131 = arith.constant 0 : index
    %get3A_132 = arith.constant 0 : index
    %get3A_133 = vector.load %arg0[%get3A_129, %get3A_130, %get3A_131, %get3A_132] : memref<4x8x4x10000xf32, #tpu.memory_space<vmem>>, vector<1x1x4x10000xf32>
    %get3A_134 = vector.shape_cast %get3A_133 : vector<1x1x4x10000xf32> to vector<4x10000xf32>
    %add3A_135 = arith.addf %add3A_128, %get3A_134 : vector<4x10000xf32>
    %get3A_136 = arith.constant 0 : index
    %get3A_137 = arith.constant 5 : index
    %get3A_138 = arith.constant 0 : index
    %get3A_139 = arith.constant 0 : index
    %get3A_140 = vector.load %arg0[%get3A_136, %get3A_137, %get3A_138, %get3A_139] : memref<4x8x4x10000xf32, #tpu.memory_space<vmem>>, vector<1x1x4x10000xf32>
    %get3A_141 = vector.shape_cast %get3A_140 : vector<1x1x4x10000xf32> to vector<4x10000xf32>
    %get3A_142 = arith.constant 1 : index
    %get3A_143 = arith.constant 5 : index
    %get3A_144 = arith.constant 0 : index
    %get3A_145 = arith.constant 0 : index
    %get3A_146 = vector.load %arg0[%get3A_142, %get3A_143, %get3A_144, %get3A_145] : memref<4x8x4x10000xf32, #tpu.memory_space<vmem>>, vector<1x1x4x10000xf32>
    %get3A_147 = vector.shape_cast %get3A_146 : vector<1x1x4x10000xf32> to vector<4x10000xf32>
    %add3A_148 = arith.addf %get3A_141, %get3A_147 : vector<4x10000xf32>
    %get3A_149 = arith.constant 2 : index
    %get3A_150 = arith.constant 5 : index
    %get3A_151 = arith.constant 0 : index
    %get3A_152 = arith.constant 0 : index
    %get3A_153 = vector.load %arg0[%get3A_149, %get3A_150, %get3A_151, %get3A_152] : memref<4x8x4x10000xf32, #tpu.memory_space<vmem>>, vector<1x1x4x10000xf32>
    %get3A_154 = vector.shape_cast %get3A_153 : vector<1x1x4x10000xf32> to vector<4x10000xf32>
    %add3A_155 = arith.addf %add3A_148, %get3A_154 : vector<4x10000xf32>
    %get3A_156 = arith.constant 3 : index
    %get3A_157 = arith.constant 5 : index
    %get3A_158 = arith.constant 0 : index
    %get3A_159 = arith.constant 0 : index
    %get3A_160 = vector.load %arg0[%get3A_156, %get3A_157, %get3A_158, %get3A_159] : memref<4x8x4x10000xf32, #tpu.memory_space<vmem>>, vector<1x1x4x10000xf32>
    %get3A_161 = vector.shape_cast %get3A_160 : vector<1x1x4x10000xf32> to vector<4x10000xf32>
    %add3A_162 = arith.addf %add3A_155, %get3A_161 : vector<4x10000xf32>
    %get3A_163 = arith.constant 0 : index
    %get3A_164 = arith.constant 6 : index
    %get3A_165 = arith.constant 0 : index
    %get3A_166 = arith.constant 0 : index
    %get3A_167 = vector.load %arg0[%get3A_163, %get3A_164, %get3A_165, %get3A_166] : memref<4x8x4x10000xf32, #tpu.memory_space<vmem>>, vector<1x1x4x10000xf32>
    %get3A_168 = vector.shape_cast %get3A_167 : vector<1x1x4x10000xf32> to vector<4x10000xf32>
    %get3A_169 = arith.constant 1 : index
    %get3A_170 = arith.constant 6 : index
    %get3A_171 = arith.constant 0 : index
    %get3A_172 = arith.constant 0 : index
    %get3A_173 = vector.load %arg0[%get3A_169, %get3A_170, %get3A_171, %get3A_172] : memref<4x8x4x10000xf32, #tpu.memory_space<vmem>>, vector<1x1x4x10000xf32>
    %get3A_174 = vector.shape_cast %get3A_173 : vector<1x1x4x10000xf32> to vector<4x10000xf32>
    %add3A_175 = arith.addf %get3A_168, %get3A_174 : vector<4x10000xf32>
    %get3A_176 = arith.constant 2 : index
    %get3A_177 = arith.constant 6 : index
    %get3A_178 = arith.constant 0 : index
    %get3A_179 = arith.constant 0 : index
    %get3A_180 = vector.load %arg0[%get3A_176, %get3A_177, %get3A_178, %get3A_179] : memref<4x8x4x10000xf32, #tpu.memory_space<vmem>>, vector<1x1x4x10000xf32>
    %get3A_181 = vector.shape_cast %get3A_180 : vector<1x1x4x10000xf32> to vector<4x10000xf32>
    %add3A_182 = arith.addf %add3A_175, %get3A_181 : vector<4x10000xf32>
    %get3A_183 = arith.constant 3 : index
    %get3A_184 = arith.constant 6 : index
    %get3A_185 = arith.constant 0 : index
    %get3A_186 = arith.constant 0 : index
    %get3A_187 = vector.load %arg0[%get3A_183, %get3A_184, %get3A_185, %get3A_186] : memref<4x8x4x10000xf32, #tpu.memory_space<vmem>>, vector<1x1x4x10000xf32>
    %get3A_188 = vector.shape_cast %get3A_187 : vector<1x1x4x10000xf32> to vector<4x10000xf32>
    %add3A_189 = arith.addf %add3A_182, %get3A_188 : vector<4x10000xf32>
    %get3A_190 = arith.constant 0 : index
    %get3A_191 = arith.constant 7 : index
    %get3A_192 = arith.constant 0 : index
    %get3A_193 = arith.constant 0 : index
    %get3A_194 = vector.load %arg0[%get3A_190, %get3A_191, %get3A_192, %get3A_193] : memref<4x8x4x10000xf32, #tpu.memory_space<vmem>>, vector<1x1x4x10000xf32>
    %get3A_195 = vector.shape_cast %get3A_194 : vector<1x1x4x10000xf32> to vector<4x10000xf32>
    %get3A_196 = arith.constant 1 : index
    %get3A_197 = arith.constant 7 : index
    %get3A_198 = arith.constant 0 : index
    %get3A_199 = arith.constant 0 : index
    %get3A_200 = vector.load %arg0[%get3A_196, %get3A_197, %get3A_198, %get3A_199] : memref<4x8x4x10000xf32, #tpu.memory_space<vmem>>, vector<1x1x4x10000xf32>
    %get3A_201 = vector.shape_cast %get3A_200 : vector<1x1x4x10000xf32> to vector<4x10000xf32>
    %add3A_202 = arith.addf %get3A_195, %get3A_201 : vector<4x10000xf32>
    %get3A_203 = arith.constant 2 : index
    %get3A_204 = arith.constant 7 : index
    %get3A_205 = arith.constant 0 : index
    %get3A_206 = arith.constant 0 : index
    %get3A_207 = vector.load %arg0[%get3A_203, %get3A_204, %get3A_205, %get3A_206] : memref<4x8x4x10000xf32, #tpu.memory_space<vmem>>, vector<1x1x4x10000xf32>
    %get3A_208 = vector.shape_cast %get3A_207 : vector<1x1x4x10000xf32> to vector<4x10000xf32>
    %add3A_209 = arith.addf %add3A_202, %get3A_208 : vector<4x10000xf32>
    %get3A_210 = arith.constant 3 : index
    %get3A_211 = arith.constant 7 : index
    %get3A_212 = arith.constant 0 : index
    %get3A_213 = arith.constant 0 : index
    %get3A_214 = vector.load %arg0[%get3A_210, %get3A_211, %get3A_212, %get3A_213] : memref<4x8x4x10000xf32, #tpu.memory_space<vmem>>, vector<1x1x4x10000xf32>
    %get3A_215 = vector.shape_cast %get3A_214 : vector<1x1x4x10000xf32> to vector<4x10000xf32>
    %add3A_216 = arith.addf %add3A_209, %get3A_215 : vector<4x10000xf32>
    %concatenate3A = tpu.concatenate %add3A_27, %add3A_54, %add3A_81, %add3A_108, %add3A_135, %add3A_162, %add3A_189, %add3A_216 in 0 : vector<4x10000xf32>, vector<4x10000xf32>, vector<4x10000xf32>, vector<4x10000xf32>, vector<4x10000xf32>, vector<4x10000xf32>, vector<4x10000xf32>, vector<4x10000xf32> -> vector<32x10000xf32>
    %get3A_217 = arith.constant 0 : index
    %get3A_218 = arith.constant 0 : index
    %get3A_219 = vector.load %arg1[%get3A_217, %get3A_218] : memref<32x10000xf32, #tpu.memory_space<vmem>>, vector<32x10000xf32>
    %add3A_220 = arith.addf %concatenate3A, %get3A_219 : vector<32x10000xf32>
    %mul3A = vector.broadcast %get3A_1 : vector<1x10000xf32> to vector<32x10000xf32>
    %mul3A_221 = arith.mulf %mul3A, %add3A_220 : vector<32x10000xf32>
    %get3A_222 = arith.constant 0 : index
    %get3A_223 = arith.constant 0 : index
    %get3A_224 = vector.load %arg3[%get3A_222, %get3A_223] : memref<32x1xf32, #tpu.memory_space<vmem>>, vector<32x1xf32>
    %add3A_225 = vector.broadcast %get3A_224 : vector<32x1xf32> to vector<32x10000xf32>
    %add3A_226 = arith.addf %mul3A_221, %add3A_225 : vector<32x10000xf32>
    %max3A = arith.constant 0.000000e+00 : f32
    %max3A_227 = vector.broadcast %max3A : f32 to vector<32x10000xf32>
    %max3A_228 = arith.maximumf %add3A_226, %max3A_227 : vector<32x10000xf32>
    %get3A_229 = arith.constant 0 : index
    %get3A_230 = arith.constant 0 : index
    %get3A_231 = vector.load %arg4[%get3A_229, %get3A_230] : memref<32x32xf32, #tpu.memory_space<vmem>>, vector<32x32xf32>
    %transpose3A = tpu.transpose %get3A_231, [1, 0] : vector<32x32xf32> -> vector<32x32xf32>
    %dot_general3A = arith.constant dense<0.000000e+00> : vector<32x10000xf32>
    %dot_general3A_232 = tpu.matmul %transpose3A, %max3A_228, %dot_general3A {dimension_numbers = #tpu.dot_dimension_numbers<[1], [0], [0], [1], [0, 0, 1, 1], [], []>, transpose_lhs_hint = false} : vector<32x32xf32>, vector<32x10000xf32>, vector<32x10000xf32> -> vector<32x10000xf32>
    %mul3A_233 = vector.broadcast %get3A_1 : vector<1x10000xf32> to vector<32x10000xf32>
    %mul3A_234 = arith.mulf %mul3A_233, %dot_general3A_232 : vector<32x10000xf32>
    %swap3A = arith.constant 0 : index
    %swap3A_235 = arith.constant 0 : index
    %swap3A_236 = vector.load %arg5[%swap3A, %swap3A_235] : memref<32x10000xf32, #tpu.memory_space<vmem>>, vector<32x10000xf32>
    tpu.vector_store %arg5[%swap3A, %swap3A_235], %mul3A_234 {strides = array<i32>} : memref<32x10000xf32, #tpu.memory_space<vmem>>, vector<32x10000xf32>,
    return
  }
}

module attributes {stable_mosaic.version = 14 : i64} {
  func.func @_final_body(%arg0: memref<4x8x4x10000xf32, #tpu.memory_space<vmem>>, %arg1: memref<32x10000xf32, #tpu.memory_space<vmem>>, %arg2: memref<1x10000xf32, #tpu.memory_space<vmem>>, %arg3: memref<32x1xf32, #tpu.memory_space<vmem>>, %arg4: memref<32x32xf32, #tpu.memory_space<vmem>>, %arg5: memref<1x32xf32, #tpu.memory_space<vmem>>, %arg6: memref<32x16xf32, #tpu.memory_space<vmem>>, %arg7: memref<1x16xf32, #tpu.memory_space<vmem>>, %arg8: memref<10000x16xf32, #tpu.memory_space<vmem>>, %arg9: memref<10000x16xf32, #tpu.memory_space<vmem>>) attributes {dimension_semantics = [], scalar_prefetch = 0 : i64, scratch_operands = 0 : i64, tpu.core_type = #tpu.core_type<tc>} {
    %get3A = arith.constant 0 : index
    %get3A_0 = arith.constant 0 : index
    %get3A_1 = vector.load %arg2[%get3A, %get3A_0] : memref<1x10000xf32, #tpu.memory_space<vmem>>, vector<1x10000xf32>
    %get3A_2 = arith.constant 0 : index
    %get3A_3 = arith.constant 0 : index
    %get3A_4 = arith.constant 0 : index
    %get3A_5 = arith.constant 0 : index
    %get3A_6 = vector.load %arg0[%get3A_2, %get3A_3, %get3A_4, %get3A_5] : memref<4x8x4x10000xf32, #tpu.memory_space<vmem>>, vector<1x1x4x10000xf32>
    %get3A_7 = vector.shape_cast %get3A_6 : vector<1x1x4x10000xf32> to vector<4x10000xf32>
    %get3A_8 = arith.constant 1 : index
    %get3A_9 = arith.constant 0 : index
    %get3A_10 = arith.constant 0 : index
    %get3A_11 = arith.constant 0 : index
    %get3A_12 = vector.load %arg0[%get3A_8, %get3A_9, %get3A_10, %get3A_11] : memref<4x8x4x10000xf32, #tpu.memory_space<vmem>>, vector<1x1x4x10000xf32>
    %get3A_13 = vector.shape_cast %get3A_12 : vector<1x1x4x10000xf32> to vector<4x10000xf32>
    %add3A = arith.addf %get3A_7, %get3A_13 : vector<4x10000xf32>
    %get3A_14 = arith.constant 2 : index
    %get3A_15 = arith.constant 0 : index
    %get3A_16 = arith.constant 0 : index
    %get3A_17 = arith.constant 0 : index
    %get3A_18 = vector.load %arg0[%get3A_14, %get3A_15, %get3A_16, %get3A_17] : memref<4x8x4x10000xf32, #tpu.memory_space<vmem>>, vector<1x1x4x10000xf32>
    %get3A_19 = vector.shape_cast %get3A_18 : vector<1x1x4x10000xf32> to vector<4x10000xf32>
    %add3A_20 = arith.addf %add3A, %get3A_19 : vector<4x10000xf32>
    %get3A_21 = arith.constant 3 : index
    %get3A_22 = arith.constant 0 : index
    %get3A_23 = arith.constant 0 : index
    %get3A_24 = arith.constant 0 : index
    %get3A_25 = vector.load %arg0[%get3A_21, %get3A_22, %get3A_23, %get3A_24] : memref<4x8x4x10000xf32, #tpu.memory_space<vmem>>, vector<1x1x4x10000xf32>
    %get3A_26 = vector.shape_cast %get3A_25 : vector<1x1x4x10000xf32> to vector<4x10000xf32>
    %add3A_27 = arith.addf %add3A_20, %get3A_26 : vector<4x10000xf32>
    %get3A_28 = arith.constant 0 : index
    %get3A_29 = arith.constant 1 : index
    %get3A_30 = arith.constant 0 : index
    %get3A_31 = arith.constant 0 : index
    %get3A_32 = vector.load %arg0[%get3A_28, %get3A_29, %get3A_30, %get3A_31] : memref<4x8x4x10000xf32, #tpu.memory_space<vmem>>, vector<1x1x4x10000xf32>
    %get3A_33 = vector.shape_cast %get3A_32 : vector<1x1x4x10000xf32> to vector<4x10000xf32>
    %get3A_34 = arith.constant 1 : index
    %get3A_35 = arith.constant 1 : index
    %get3A_36 = arith.constant 0 : index
    %get3A_37 = arith.constant 0 : index
    %get3A_38 = vector.load %arg0[%get3A_34, %get3A_35, %get3A_36, %get3A_37] : memref<4x8x4x10000xf32, #tpu.memory_space<vmem>>, vector<1x1x4x10000xf32>
    %get3A_39 = vector.shape_cast %get3A_38 : vector<1x1x4x10000xf32> to vector<4x10000xf32>
    %add3A_40 = arith.addf %get3A_33, %get3A_39 : vector<4x10000xf32>
    %get3A_41 = arith.constant 2 : index
    %get3A_42 = arith.constant 1 : index
    %get3A_43 = arith.constant 0 : index
    %get3A_44 = arith.constant 0 : index
    %get3A_45 = vector.load %arg0[%get3A_41, %get3A_42, %get3A_43, %get3A_44] : memref<4x8x4x10000xf32, #tpu.memory_space<vmem>>, vector<1x1x4x10000xf32>
    %get3A_46 = vector.shape_cast %get3A_45 : vector<1x1x4x10000xf32> to vector<4x10000xf32>
    %add3A_47 = arith.addf %add3A_40, %get3A_46 : vector<4x10000xf32>
    %get3A_48 = arith.constant 3 : index
    %get3A_49 = arith.constant 1 : index
    %get3A_50 = arith.constant 0 : index
    %get3A_51 = arith.constant 0 : index
    %get3A_52 = vector.load %arg0[%get3A_48, %get3A_49, %get3A_50, %get3A_51] : memref<4x8x4x10000xf32, #tpu.memory_space<vmem>>, vector<1x1x4x10000xf32>
    %get3A_53 = vector.shape_cast %get3A_52 : vector<1x1x4x10000xf32> to vector<4x10000xf32>
    %add3A_54 = arith.addf %add3A_47, %get3A_53 : vector<4x10000xf32>
    %get3A_55 = arith.constant 0 : index
    %get3A_56 = arith.constant 2 : index
    %get3A_57 = arith.constant 0 : index
    %get3A_58 = arith.constant 0 : index
    %get3A_59 = vector.load %arg0[%get3A_55, %get3A_56, %get3A_57, %get3A_58] : memref<4x8x4x10000xf32, #tpu.memory_space<vmem>>, vector<1x1x4x10000xf32>
    %get3A_60 = vector.shape_cast %get3A_59 : vector<1x1x4x10000xf32> to vector<4x10000xf32>
    %get3A_61 = arith.constant 1 : index
    %get3A_62 = arith.constant 2 : index
    %get3A_63 = arith.constant 0 : index
    %get3A_64 = arith.constant 0 : index
    %get3A_65 = vector.load %arg0[%get3A_61, %get3A_62, %get3A_63, %get3A_64] : memref<4x8x4x10000xf32, #tpu.memory_space<vmem>>, vector<1x1x4x10000xf32>
    %get3A_66 = vector.shape_cast %get3A_65 : vector<1x1x4x10000xf32> to vector<4x10000xf32>
    %add3A_67 = arith.addf %get3A_60, %get3A_66 : vector<4x10000xf32>
    %get3A_68 = arith.constant 2 : index
    %get3A_69 = arith.constant 2 : index
    %get3A_70 = arith.constant 0 : index
    %get3A_71 = arith.constant 0 : index
    %get3A_72 = vector.load %arg0[%get3A_68, %get3A_69, %get3A_70, %get3A_71] : memref<4x8x4x10000xf32, #tpu.memory_space<vmem>>, vector<1x1x4x10000xf32>
    %get3A_73 = vector.shape_cast %get3A_72 : vector<1x1x4x10000xf32> to vector<4x10000xf32>
    %add3A_74 = arith.addf %add3A_67, %get3A_73 : vector<4x10000xf32>
    %get3A_75 = arith.constant 3 : index
    %get3A_76 = arith.constant 2 : index
    %get3A_77 = arith.constant 0 : index
    %get3A_78 = arith.constant 0 : index
    %get3A_79 = vector.load %arg0[%get3A_75, %get3A_76, %get3A_77, %get3A_78] : memref<4x8x4x10000xf32, #tpu.memory_space<vmem>>, vector<1x1x4x10000xf32>
    %get3A_80 = vector.shape_cast %get3A_79 : vector<1x1x4x10000xf32> to vector<4x10000xf32>
    %add3A_81 = arith.addf %add3A_74, %get3A_80 : vector<4x10000xf32>
    %get3A_82 = arith.constant 0 : index
    %get3A_83 = arith.constant 3 : index
    %get3A_84 = arith.constant 0 : index
    %get3A_85 = arith.constant 0 : index
    %get3A_86 = vector.load %arg0[%get3A_82, %get3A_83, %get3A_84, %get3A_85] : memref<4x8x4x10000xf32, #tpu.memory_space<vmem>>, vector<1x1x4x10000xf32>
    %get3A_87 = vector.shape_cast %get3A_86 : vector<1x1x4x10000xf32> to vector<4x10000xf32>
    %get3A_88 = arith.constant 1 : index
    %get3A_89 = arith.constant 3 : index
    %get3A_90 = arith.constant 0 : index
    %get3A_91 = arith.constant 0 : index
    %get3A_92 = vector.load %arg0[%get3A_88, %get3A_89, %get3A_90, %get3A_91] : memref<4x8x4x10000xf32, #tpu.memory_space<vmem>>, vector<1x1x4x10000xf32>
    %get3A_93 = vector.shape_cast %get3A_92 : vector<1x1x4x10000xf32> to vector<4x10000xf32>
    %add3A_94 = arith.addf %get3A_87, %get3A_93 : vector<4x10000xf32>
    %get3A_95 = arith.constant 2 : index
    %get3A_96 = arith.constant 3 : index
    %get3A_97 = arith.constant 0 : index
    %get3A_98 = arith.constant 0 : index
    %get3A_99 = vector.load %arg0[%get3A_95, %get3A_96, %get3A_97, %get3A_98] : memref<4x8x4x10000xf32, #tpu.memory_space<vmem>>, vector<1x1x4x10000xf32>
    %get3A_100 = vector.shape_cast %get3A_99 : vector<1x1x4x10000xf32> to vector<4x10000xf32>
    %add3A_101 = arith.addf %add3A_94, %get3A_100 : vector<4x10000xf32>
    %get3A_102 = arith.constant 3 : index
    %get3A_103 = arith.constant 3 : index
    %get3A_104 = arith.constant 0 : index
    %get3A_105 = arith.constant 0 : index
    %get3A_106 = vector.load %arg0[%get3A_102, %get3A_103, %get3A_104, %get3A_105] : memref<4x8x4x10000xf32, #tpu.memory_space<vmem>>, vector<1x1x4x10000xf32>
    %get3A_107 = vector.shape_cast %get3A_106 : vector<1x1x4x10000xf32> to vector<4x10000xf32>
    %add3A_108 = arith.addf %add3A_101, %get3A_107 : vector<4x10000xf32>
    %get3A_109 = arith.constant 0 : index
    %get3A_110 = arith.constant 4 : index
    %get3A_111 = arith.constant 0 : index
    %get3A_112 = arith.constant 0 : index
    %get3A_113 = vector.load %arg0[%get3A_109, %get3A_110, %get3A_111, %get3A_112] : memref<4x8x4x10000xf32, #tpu.memory_space<vmem>>, vector<1x1x4x10000xf32>
    %get3A_114 = vector.shape_cast %get3A_113 : vector<1x1x4x10000xf32> to vector<4x10000xf32>
    %get3A_115 = arith.constant 1 : index
    %get3A_116 = arith.constant 4 : index
    %get3A_117 = arith.constant 0 : index
    %get3A_118 = arith.constant 0 : index
    %get3A_119 = vector.load %arg0[%get3A_115, %get3A_116, %get3A_117, %get3A_118] : memref<4x8x4x10000xf32, #tpu.memory_space<vmem>>, vector<1x1x4x10000xf32>
    %get3A_120 = vector.shape_cast %get3A_119 : vector<1x1x4x10000xf32> to vector<4x10000xf32>
    %add3A_121 = arith.addf %get3A_114, %get3A_120 : vector<4x10000xf32>
    %get3A_122 = arith.constant 2 : index
    %get3A_123 = arith.constant 4 : index
    %get3A_124 = arith.constant 0 : index
    %get3A_125 = arith.constant 0 : index
    %get3A_126 = vector.load %arg0[%get3A_122, %get3A_123, %get3A_124, %get3A_125] : memref<4x8x4x10000xf32, #tpu.memory_space<vmem>>, vector<1x1x4x10000xf32>
    %get3A_127 = vector.shape_cast %get3A_126 : vector<1x1x4x10000xf32> to vector<4x10000xf32>
    %add3A_128 = arith.addf %add3A_121, %get3A_127 : vector<4x10000xf32>
    %get3A_129 = arith.constant 3 : index
    %get3A_130 = arith.constant 4 : index
    %get3A_131 = arith.constant 0 : index
    %get3A_132 = arith.constant 0 : index
    %get3A_133 = vector.load %arg0[%get3A_129, %get3A_130, %get3A_131, %get3A_132] : memref<4x8x4x10000xf32, #tpu.memory_space<vmem>>, vector<1x1x4x10000xf32>
    %get3A_134 = vector.shape_cast %get3A_133 : vector<1x1x4x10000xf32> to vector<4x10000xf32>
    %add3A_135 = arith.addf %add3A_128, %get3A_134 : vector<4x10000xf32>
    %get3A_136 = arith.constant 0 : index
    %get3A_137 = arith.constant 5 : index
    %get3A_138 = arith.constant 0 : index
    %get3A_139 = arith.constant 0 : index
    %get3A_140 = vector.load %arg0[%get3A_136, %get3A_137, %get3A_138, %get3A_139] : memref<4x8x4x10000xf32, #tpu.memory_space<vmem>>, vector<1x1x4x10000xf32>
    %get3A_141 = vector.shape_cast %get3A_140 : vector<1x1x4x10000xf32> to vector<4x10000xf32>
    %get3A_142 = arith.constant 1 : index
    %get3A_143 = arith.constant 5 : index
    %get3A_144 = arith.constant 0 : index
    %get3A_145 = arith.constant 0 : index
    %get3A_146 = vector.load %arg0[%get3A_142, %get3A_143, %get3A_144, %get3A_145] : memref<4x8x4x10000xf32, #tpu.memory_space<vmem>>, vector<1x1x4x10000xf32>
    %get3A_147 = vector.shape_cast %get3A_146 : vector<1x1x4x10000xf32> to vector<4x10000xf32>
    %add3A_148 = arith.addf %get3A_141, %get3A_147 : vector<4x10000xf32>
    %get3A_149 = arith.constant 2 : index
    %get3A_150 = arith.constant 5 : index
    %get3A_151 = arith.constant 0 : index
    %get3A_152 = arith.constant 0 : index
    %get3A_153 = vector.load %arg0[%get3A_149, %get3A_150, %get3A_151, %get3A_152] : memref<4x8x4x10000xf32, #tpu.memory_space<vmem>>, vector<1x1x4x10000xf32>
    %get3A_154 = vector.shape_cast %get3A_153 : vector<1x1x4x10000xf32> to vector<4x10000xf32>
    %add3A_155 = arith.addf %add3A_148, %get3A_154 : vector<4x10000xf32>
    %get3A_156 = arith.constant 3 : index
    %get3A_157 = arith.constant 5 : index
    %get3A_158 = arith.constant 0 : index
    %get3A_159 = arith.constant 0 : index
    %get3A_160 = vector.load %arg0[%get3A_156, %get3A_157, %get3A_158, %get3A_159] : memref<4x8x4x10000xf32, #tpu.memory_space<vmem>>, vector<1x1x4x10000xf32>
    %get3A_161 = vector.shape_cast %get3A_160 : vector<1x1x4x10000xf32> to vector<4x10000xf32>
    %add3A_162 = arith.addf %add3A_155, %get3A_161 : vector<4x10000xf32>
    %get3A_163 = arith.constant 0 : index
    %get3A_164 = arith.constant 6 : index
    %get3A_165 = arith.constant 0 : index
    %get3A_166 = arith.constant 0 : index
    %get3A_167 = vector.load %arg0[%get3A_163, %get3A_164, %get3A_165, %get3A_166] : memref<4x8x4x10000xf32, #tpu.memory_space<vmem>>, vector<1x1x4x10000xf32>
    %get3A_168 = vector.shape_cast %get3A_167 : vector<1x1x4x10000xf32> to vector<4x10000xf32>
    %get3A_169 = arith.constant 1 : index
    %get3A_170 = arith.constant 6 : index
    %get3A_171 = arith.constant 0 : index
    %get3A_172 = arith.constant 0 : index
    %get3A_173 = vector.load %arg0[%get3A_169, %get3A_170, %get3A_171, %get3A_172] : memref<4x8x4x10000xf32, #tpu.memory_space<vmem>>, vector<1x1x4x10000xf32>
    %get3A_174 = vector.shape_cast %get3A_173 : vector<1x1x4x10000xf32> to vector<4x10000xf32>
    %add3A_175 = arith.addf %get3A_168, %get3A_174 : vector<4x10000xf32>
    %get3A_176 = arith.constant 2 : index
    %get3A_177 = arith.constant 6 : index
    %get3A_178 = arith.constant 0 : index
    %get3A_179 = arith.constant 0 : index
    %get3A_180 = vector.load %arg0[%get3A_176, %get3A_177, %get3A_178, %get3A_179] : memref<4x8x4x10000xf32, #tpu.memory_space<vmem>>, vector<1x1x4x10000xf32>
    %get3A_181 = vector.shape_cast %get3A_180 : vector<1x1x4x10000xf32> to vector<4x10000xf32>
    %add3A_182 = arith.addf %add3A_175, %get3A_181 : vector<4x10000xf32>
    %get3A_183 = arith.constant 3 : index
    %get3A_184 = arith.constant 6 : index
    %get3A_185 = arith.constant 0 : index
    %get3A_186 = arith.constant 0 : index
    %get3A_187 = vector.load %arg0[%get3A_183, %get3A_184, %get3A_185, %get3A_186] : memref<4x8x4x10000xf32, #tpu.memory_space<vmem>>, vector<1x1x4x10000xf32>
    %get3A_188 = vector.shape_cast %get3A_187 : vector<1x1x4x10000xf32> to vector<4x10000xf32>
    %add3A_189 = arith.addf %add3A_182, %get3A_188 : vector<4x10000xf32>
    %get3A_190 = arith.constant 0 : index
    %get3A_191 = arith.constant 7 : index
    %get3A_192 = arith.constant 0 : index
    %get3A_193 = arith.constant 0 : index
    %get3A_194 = vector.load %arg0[%get3A_190, %get3A_191, %get3A_192, %get3A_193] : memref<4x8x4x10000xf32, #tpu.memory_space<vmem>>, vector<1x1x4x10000xf32>
    %get3A_195 = vector.shape_cast %get3A_194 : vector<1x1x4x10000xf32> to vector<4x10000xf32>
    %get3A_196 = arith.constant 1 : index
    %get3A_197 = arith.constant 7 : index
    %get3A_198 = arith.constant 0 : index
    %get3A_199 = arith.constant 0 : index
    %get3A_200 = vector.load %arg0[%get3A_196, %get3A_197, %get3A_198, %get3A_199] : memref<4x8x4x10000xf32, #tpu.memory_space<vmem>>, vector<1x1x4x10000xf32>
    %get3A_201 = vector.shape_cast %get3A_200 : vector<1x1x4x10000xf32> to vector<4x10000xf32>
    %add3A_202 = arith.addf %get3A_195, %get3A_201 : vector<4x10000xf32>
    %get3A_203 = arith.constant 2 : index
    %get3A_204 = arith.constant 7 : index
    %get3A_205 = arith.constant 0 : index
    %get3A_206 = arith.constant 0 : index
    %get3A_207 = vector.load %arg0[%get3A_203, %get3A_204, %get3A_205, %get3A_206] : memref<4x8x4x10000xf32, #tpu.memory_space<vmem>>, vector<1x1x4x10000xf32>
    %get3A_208 = vector.shape_cast %get3A_207 : vector<1x1x4x10000xf32> to vector<4x10000xf32>
    %add3A_209 = arith.addf %add3A_202, %get3A_208 : vector<4x10000xf32>
    %get3A_210 = arith.constant 3 : index
    %get3A_211 = arith.constant 7 : index
    %get3A_212 = arith.constant 0 : index
    %get3A_213 = arith.constant 0 : index
    %get3A_214 = vector.load %arg0[%get3A_210, %get3A_211, %get3A_212, %get3A_213] : memref<4x8x4x10000xf32, #tpu.memory_space<vmem>>, vector<1x1x4x10000xf32>
    %get3A_215 = vector.shape_cast %get3A_214 : vector<1x1x4x10000xf32> to vector<4x10000xf32>
    %add3A_216 = arith.addf %add3A_209, %get3A_215 : vector<4x10000xf32>
    %concatenate3A = tpu.concatenate %add3A_27, %add3A_54, %add3A_81, %add3A_108, %add3A_135, %add3A_162, %add3A_189, %add3A_216 in 0 : vector<4x10000xf32>, vector<4x10000xf32>, vector<4x10000xf32>, vector<4x10000xf32>, vector<4x10000xf32>, vector<4x10000xf32>, vector<4x10000xf32>, vector<4x10000xf32> -> vector<32x10000xf32>
    %get3A_217 = arith.constant 0 : index
    %get3A_218 = arith.constant 0 : index
    %get3A_219 = vector.load %arg1[%get3A_217, %get3A_218] : memref<32x10000xf32, #tpu.memory_space<vmem>>, vector<32x10000xf32>
    %add3A_220 = arith.addf %concatenate3A, %get3A_219 : vector<32x10000xf32>
    %mul3A = vector.broadcast %get3A_1 : vector<1x10000xf32> to vector<32x10000xf32>
    %mul3A_221 = arith.mulf %mul3A, %add3A_220 : vector<32x10000xf32>
    %get3A_222 = arith.constant 0 : index
    %get3A_223 = arith.constant 0 : index
    %get3A_224 = vector.load %arg3[%get3A_222, %get3A_223] : memref<32x1xf32, #tpu.memory_space<vmem>>, vector<32x1xf32>
    %add3A_225 = vector.broadcast %get3A_224 : vector<32x1xf32> to vector<32x10000xf32>
    %add3A_226 = arith.addf %mul3A_221, %add3A_225 : vector<32x10000xf32>
    %max3A = arith.constant 0.000000e+00 : f32
    %max3A_227 = vector.broadcast %max3A : f32 to vector<32x10000xf32>
    %max3A_228 = arith.maximumf %add3A_226, %max3A_227 : vector<32x10000xf32>
    %transpose3A = tpu.transpose %max3A_228, [1, 0] : vector<32x10000xf32> -> vector<10000x32xf32>
    %get3A_229 = arith.constant 0 : index
    %get3A_230 = arith.constant 0 : index
    %get3A_231 = vector.load %arg4[%get3A_229, %get3A_230] : memref<32x32xf32, #tpu.memory_space<vmem>>, vector<32x32xf32>
    %dot_general3A = arith.constant dense<0.000000e+00> : vector<10000x32xf32>
    %dot_general3A_232 = tpu.matmul %transpose3A, %get3A_231, %dot_general3A {dimension_numbers = #tpu.dot_dimension_numbers<[1], [0], [0], [1], [0, 0, 1, 1], [], []>, transpose_lhs_hint = false} : vector<10000x32xf32>, vector<32x32xf32>, vector<10000x32xf32> -> vector<10000x32xf32>
    %get3A_233 = arith.constant 0 : index
    %get3A_234 = arith.constant 0 : index
    %get3A_235 = vector.load %arg5[%get3A_233, %get3A_234] : memref<1x32xf32, #tpu.memory_space<vmem>>, vector<1x32xf32>
    %add3A_236 = vector.broadcast %get3A_235 : vector<1x32xf32> to vector<10000x32xf32>
    %add3A_237 = arith.addf %dot_general3A_232, %add3A_236 : vector<10000x32xf32>
    %tanh3A = math.tanh %add3A_237 : vector<10000x32xf32>
    %get3A_238 = arith.constant 0 : index
    %get3A_239 = arith.constant 0 : index
    %get3A_240 = vector.load %arg6[%get3A_238, %get3A_239] : memref<32x16xf32, #tpu.memory_space<vmem>>, vector<32x16xf32>
    %dot_general3A_241 = arith.constant dense<0.000000e+00> : vector<10000x16xf32>
    %dot_general3A_242 = tpu.matmul %tanh3A, %get3A_240, %dot_general3A_241 {dimension_numbers = #tpu.dot_dimension_numbers<[1], [0], [0], [1], [0, 0, 1, 1], [], []>, transpose_lhs_hint = false} : vector<10000x32xf32>, vector<32x16xf32>, vector<10000x16xf32> -> vector<10000x16xf32>
    %get3A_243 = arith.constant 0 : index
    %get3A_244 = arith.constant 0 : index
    %get3A_245 = vector.load %arg7[%get3A_243, %get3A_244] : memref<1x16xf32, #tpu.memory_space<vmem>>, vector<1x16xf32>
    %add3A_246 = vector.broadcast %get3A_245 : vector<1x16xf32> to vector<10000x16xf32>
    %add3A_247 = arith.addf %dot_general3A_242, %add3A_246 : vector<10000x16xf32>
    %tanh3A_248 = math.tanh %add3A_247 : vector<10000x16xf32>
    %get3A_249 = arith.constant 0 : index
    %get3A_250 = arith.constant 0 : index
    %get3A_251 = vector.load %arg8[%get3A_249, %get3A_250] : memref<10000x16xf32, #tpu.memory_space<vmem>>, vector<10000x16xf32>
    %add3A_252 = arith.addf %tanh3A_248, %get3A_251 : vector<10000x16xf32>
    %swap3A = arith.constant 0 : index
    %swap3A_253 = arith.constant 0 : index
    %swap3A_254 = vector.load %arg9[%swap3A, %swap3A_253] : memref<10000x16xf32, #tpu.memory_space<vmem>>, vector<10000x16xf32>
    tpu.vector_store %arg9[%swap3A, %swap3A_253], %add3A_252 {strides = array<i32>} : memref<10000x16xf32, #tpu.memory_space<vmem>>, vector<10000x16xf32>,
    return
  }
}

</mosaic_0001>

<sc_bundles>
// kernel: kernel.11.cloned.1.call-start
scs
__scs_entry_jumppad:
0x0: {  	(pc) =	sbr.rel $0x88, $3  }
0x1: {  	(tag) =	ssettag $0x0;
	lr =	simm.s32 $0x1  }
0x2: {  	[smem:$0x3F8E] =	sst lr;
	_ =	strace $0xD0000000  }
0x3: {  	_ = 	snop  }
0x4: {  	_ = 	snop  }
0x5: {  	_ = 	snop  }
0x6: {  	_ = 	snop  }
0x7: {  	_ = 	snop  }
__scs_overlays_trampoline_lowered:
0x8: {  	[smem:$0x3F9D] =	sst s0  }
0x9: {  	[smem:$0x3F9E] =	sst s1  }
0xa: {  	[smem:$0x3F9F] =	sst s2  }
0xb: {  	[smem:$0x3FA0] =	sst s3  }
0xc: {  	[smem:$0x3FA1] =	sst s4  }
0xd: {  	[smem:$0x3FA2] =	sst s5  }
0xe: {  	[smem:$0x3FA3] =	sst s6  }
0xf: {  	[smem:$0x3FA4] =	sst s7  }
0x10: {  	[smem:$0x3FA5] =	sst s8  }
0x11: {  	[smem:$0x3FA6] =	sst s9;
	s0 =	simm.s32 @!p0 $0x0  }
0x12: {  	s1 =	sld [smem:$0x3F8C];
	s0 =	simm.s32 @p0 $0x1  }
0x13: {  	[smem:$0x3FA7] =	sst s0;
	s0 =	simm.s32 @!p1 $0x0  }
0x14: {  	s2 =	sld [smem:$0x3F8B];
	s0 =	simm.s32 @p1 $0x1  }
0x15: {  	[smem:$0x3FA8] =	sst s0;
	s0 =	simm.s32 @!p2 $0x0  }
0x16: {  	s3 =	sld [smem:$0x3FDB];
	s0 =	simm.s32 @p2 $0x1  }
0x17: {  	s4 =	simm.s32 $0x1BF5;
	[smem:$0x3FAA] =	sst s0  }
0x18: {  	s0 =	sld [smem:$0x3F8D];
	_ =	swait.ge [sflag:s4], $0x0  }
0x19: {  	s7 =	sld [smem:$0x3F8E]  }
0x1a: {  	s8 =	sadd.s32 $0xFFFFE003, lr  }
0x1b: {  	s9 =	sadd.s32 $0xFFFFFEF7, lr;
	s5 =	simm.s32 $0xFFFFFFFF;
	p2 =	slt.u32 s8, $0xFFFFF086  }
0x1c: {  	p1 =	slt.u32 s9, $0xF7A;
	s5 =	simm.s32 @!p2 $0x0  }
0x1d: {  	s5 =	simm.s32 @p1 $0x1;
	p0 =	seq.s32 s7, s2  }
0x1e: {  	s7 =	smul.u32 @!p0 $0xF7A, s2;
	p2 =	seq.s32 @!p0 s5, $0x0  }
0x1f: {  	s9 =	smul.u32 $0xF7A, s1;
	s8 =	simm.s32 @!p0 $0x1BF5;
	p2 =	por !p2, p0  }
0x20: {  	[sflag:s8] =	ssyncset.s32 @!p0 $0xFFFFF086;
	s6 =	sadd.s32 @!p0 s3, s7;
	s7 =	simm.s32 @!p0 $0x108  }
0x21: {  	s3 =	sadd.s32 s3, s9;
	s6 =	sadd.s32 @!p0 $0x88, s6;
	s7 =	simm.s32 @p2 $0x1082  }
0x22: {  	[simem:s7], [sflag:s8] =	dma.local @!p0 [hbm:s6], $0xF7A  }
0x23: {  	s9 =	sor.u32 $0xD0000000, s2;
	s6 =	simm.s32 $0x108;
	_ =	swait.ge @!p0 [sflag:s8], $0x0  }
0x24: {  	s3 =	sadd.s32 $0x88, s3;
	s6 =	simm.s32 @!p1 $0x1082;
	[sflag:s4] =	ssyncset.s32 $0xFFFFF086  }
0x25: {  	[simem:s6], [sflag:s4] =	dma.local [hbm:s3], $0xF7A  }
0x26: {  	[smem:$0x3F8E] =	sst s1;
	(tag) =	ssettag s2;
	_ =	strace s9  }
0x27: {  	s1 =	sld [smem:$0x3F9E]  }
0x28: {  	s2 =	sld [smem:$0x3F9F]  }
0x29: {  	s4 =	sld [smem:$0x3FA1]  }
0x2a: {  	p0 =	seq.s32 s5, $0x0;
	s5 =	sld [smem:$0x3FA2]  }
0x2b: {  	s6 =	sld [smem:$0x3FA3]  }
0x2c: {  	s7 =	sld [smem:$0x3FA4]  }
0x2d: {  	s3 =	simm.s32 $0x108;
	s8 =	sld [smem:$0x3FA5]  }
0x2e: {  	s3 =	simm.s32 @!p0 $0x1082;
	s9 =	sld [smem:$0x3FA6]  }
0x2f: {  	lr =	sadd.s32 s0, s3;
	s0 =	sld [smem:$0x3F9D]  }
0x30: {  	s3 =	sld [smem:$0x3FA0]  }
0x31: {  	[smem:$0x3FA9] =	sst s10  }
0x32: {  	s10 =	sld [smem:$0x3FA7];
	_ =	sdelay $0x3  }
0x33: {  	p0 =	seq.s32 s10, $0x1;
	s10 =	sld [smem:$0x3FA9];
	_ =	sdelay $0x3  }
0x34: {  	[smem:$0x3FA9] =	sst s10  }
0x35: {  	s10 =	sld [smem:$0x3FA8];
	_ =	sdelay $0x3  }
0x36: {  	p1 =	seq.s32 s10, $0x1;
	s10 =	sld [smem:$0x3FA9];
	_ =	sdelay $0x3  }
0x37: {  	[smem:$0x3FA9] =	sst s10  }
0x38: {  	s10 =	sld [smem:$0x3FAA]  }
0x39: {  	_ = 	snop;
	(pc) =	sbr.ind lr, $3  }
0x3a: {  	_ = 	snop  }
0x3b: {  	_ = 	snop  }
0x3c: {  	p2 =	seq.s32 s10, $0x1;
	s10 =	sld [smem:$0x3FA9]  }
0x3d: {  	_ =	shalt  }
0x3e: {  	_ =	shalt  }
0x3f: {  	_ =	shalt  }
0x40: {  	_ =	shalt  }
0x41: {  	_ =	shalt  }
0x42: {  	_ =	shalt  }
0x43: {  	_ =	shalt  }
0x44: {  	_ =	shalt  }
0x45: {  	_ =	shalt  }
0x46: {  	_ =	shalt  }
0x47: {  	_ =	shalt  }
0x48: {  	_ =	shalt  }
0x49: {  	_ =	shalt  }
0x4a: {  	_ =	shalt  }
0x4b: {  	_ =	shalt  }
0x4c: {  	_ =	shalt  }
0x4d: {  	_ =	shalt  }
0x4e: {  	_ =	shalt  }
0x4f: {  	_ =	shalt  }
0x50: {  	_ =	shalt  }
0x51: {  	_ =	shalt  }
0x52: {  	_ =	shalt  }
0x53: {  	_ =	shalt  }
0x54: {  	_ =	shalt  }
0x55: {  	_ =	shalt  }
0x56: {  	_ =	shalt  }
0x57: {  	_ =	shalt  }
0x58: {  	_ =	shalt  }
0x59: {  	_ =	shalt  }
0x5a: {  	_ =	shalt  }
0x5b: {  	_ =	shalt  }
0x5c: {  	_ =	shalt  }
0x5d: {  	_ =	shalt  }
0x5e: {  	_ =	shalt  }
0x5f: {  	_ =	shalt  }
0x60: {  	_ =	shalt  }
0x61: {  	_ =	shalt  }
0x62: {  	_ =	shalt  }
0x63: {  	_ =	shalt  }
0x64: {  	_ =	shalt  }
0x65: {  	_ =	shalt  }
0x66: {  	_ =	shalt  }
0x67: {  	_ =	shalt  }
0x68: {  	_ =	shalt  }
0x69: {  	_ =	shalt  }
0x6a: {  	_ =	shalt  }
0x6b: {  	_ =	shalt  }
0x6c: {  	_ =	shalt  }
0x6d: {  	_ =	shalt  }
0x6e: {  	_ =	shalt  }
0x6f: {  	_ =	shalt  }
0x70: {  	_ =	shalt  }
0x71: {  	_ =	shalt  }
0x72: {  	_ =	shalt  }
0x73: {  	_ =	shalt  }
0x74: {  	_ =	shalt  }
0x75: {  	_ =	shalt  }
0x76: {  	_ =	shalt  }
0x77: {  	_ =	shalt  }
0x78: {  	_ =	shalt  }
0x79: {  	_ =	shalt  }
0x7a: {  	_ =	shalt  }
0x7b: {  	_ =	shalt  }
0x7c: {  	_ =	shalt  }
0x7d: {  	_ =	shalt  }
0x7e: {  	_ =	shalt  }
0x7f: {  	_ =	shalt  }
0x80: {  	_ =	shalt  }
0x81: {  	_ =	shalt  }
0x82: {  	_ =	shalt  }
0x83: {  	_ =	shalt  }
0x84: {  	_ =	shalt  }
0x85: {  	_ =	shalt  }
0x86: {  	_ =	shalt  }
0x87: {  	_ =	shalt  }
.Lfunc_end0:
.L_simem_size_0:
called_computation_lowered:
.L_overlay_start_0:
0x88: {  	s2 =	sld [smem:$0x3FD9]  }
0x89: {  	s3 =	sld [smem:$0x3FFE];
	_ =	sdelay $0x1  }
0x8a: {  	s1 =	srdreg.scid  }
0x8b: {  	s0 =	sand.u32 $0x1, s1  }
0x8c: {  	s17 =	sshll.u32 s0, $0xA;
	s2 =	sadd.s32 s3, s2  }
0x8d: {  	s2 =	sadd.s32 s2, s17  }
0x8e: {  	[smem:$0x3FB5] =	sst s2  }
0x8f: {  	_ = 	snop  }
0x90: {  	s2 =	sld [smem:$0x3FD0];
	(tm) =	ssettm $0x1  }
0x91: {  	s18 =	sld [smem:$0x3FFB];
	_ =	sdelay $0x3  }
0x92: {  	_ =	strace s18  }
0x93: {  	s3 =	sld [smem:$0x3FFC];
	_ =	sdelay $0x3  }
0x94: {  	_ =	strace s3  }
0x95: {  	s3 =	sld [smem:$0x3FFD];
	_ =	sdelay $0x3  }
0x96: {  	_ =	strace s3  }
0x97: {  	_ =	strace $0x8FFFFFFF  }
0x98: {  	s19 =	sld [smem:$0x3FDB];
	_ =	sdelay $0x1  }
0x99: {  	s4 =	simm.s32 $_scs_section_size  }
0x9a: {  	s5 =	simm.s32 $_size__tile_overlayer_lowered;
	s6 =	simm.s32 $_tile_overlayer_lowered  }
0x9b: {  	s22 =	simm.s32 $0x1BFF;
	s21 =	sshll.u32 s6, $0x1;
	s3 =	sadd.s32 s4, s19  }
0x9c: {  	s7 =	simm.s32 $0x0;
	s20 =	sshll.u32 s5, $0x1;
	s5 =	sadd.s32 s21, s3  }
0x9d: {  	[timem:s7], [sflag:s22] =	dma.local [hbm:s5], s20  }
0x9e: {  	_ =	swait.ge [sflag:s22], s20  }
0x9f: {  	s4 =	ssub.s32 $0x0, s20;
	[sflag:s22] =	ssyncset.done $0x0  }
0xa0: {  	[sflag:s22] =	ssyncadd.s32 s4;
	_ =	sdelay $0x1  }
0xa1: {  	s23 =	simm.s32 $0x1B8B  }
0xa2: {  	_ =	swait.ge [sflag:s23], $0x1  }
0xa3: {  	[sflag:s23] =	ssyncset.done $0x0  }
0xa4: {  	s25 =	simm.s32 $0x1B8E;
	s24 =	sld [smem:$0x3FFE];
	[sflag:s23] =	ssyncadd.s32 $0xFFFFFFFF  }
0xa5: {  	s26 =	simm.s32 $execute0_lowered;
	[smem:$0x3FD2] =	sst s25  }
0xa6: {  	s5 =	sshll.u32 s26, $0x1;
	_ =	strace $0x80000046;
	[dreg:$0x1] =	wrdreg $0xFFFFFFFF  }
0xa7: {  	s28 =	simm.s32 $_size_execute0_lowered;
	s3 =	sadd.s32 s3, s5;
	[dreg:$0x0] =	wrdreg $0x0  }
0xa8: {  	s5 =	sshll.u32 s28, $0x1;
	[dreg:$0x2] =	wrdreg s3  }
0xa9: {  	[dreg:$0x3] =	wrdreg s5  }
0xaa: {  	[dreg:$0x4] =	wrdreg $0xC0  }
0xab: {  	_ =	task [dreg:s7], $0x5FFFF  }
0xac: {  	[dreg:$0x1] =	wrdreg $0xFFFFFFFF  }
0xad: {  	[dreg:$0x0] =	wrdreg $0x60  }
0xae: {  	[dreg:$0x2] =	wrdreg s24  }
0xaf: {  	[dreg:$0x3] =	wrdreg s2  }
0xb0: {  	[dreg:$0x4] =	wrdreg $0x9  }
0xb1: {  	_ =	task.clear_ibuf [dreg:s7], $0x5FFFF;
	_ =	strace $0x90000046  }
0xb2: {  	s29 =	simm.s32 $0x9;
	_ =	strace $0x80000048  }
0xb3: {  	_ =	swait.ge [sflag:s29], $0x1  }
0xb4: {  	[sflag:s29] =	ssyncadd.s32 $0xFFFFFFFF  }
0xb5: {  	_ =	strace $0x90000048  }
0xb6: {  	_ =	sfence  }
0xb7: {  	s30 =	sld [smem:$0x0];
	_ =	sdelay $0x2  }
0xb8: {  	s31 =	sshll.u32 s1, $0xD;
	s1 =	sshrl.u32 s1, $0x2  }
0xb9: {  	s3 =	sand.u32 $0x4000, s31;
	s1 =	sadd.s32 s1, s30  }
0xba: {  	s0 =	sor.u32 s3, s0;
	s1 =	sshll.u32 s1, $0x11  }
0xbb: {  	s0 =	sor.u32 s1, s0  }
0xbc: {  	s0 =	sadd.s32 $0x8F2B, s0  }
0xbd: {  	[sflag:s0] =	ssyncadd.remote.s32 $0x1  }
0xbe: {  	_ =	sfence.sel $0xFFFF  }
0xbf: {  	[dreg:$0x0] =	wrdreg $0xFFFFFFFF;
	(pc) =	sbr.abs _section_cstart, $3  }
0xc0: {  	[dreg:$0x1] =	wrdreg $0xFFFFFFFF  }
0xc1: {  	_ =	task.clear_ibuf [dreg:s7], $0x2FFFF;
	_ =	strace $0x9FFFFFFF  }
0xc2: {  	(tm) =	ssettm $0x7FFFFFFF  }
0xc3: {  	_ =	shalt  }
tec
execute0_lowered:
.L_overlay_start_1:
0x0: {  	(tag) =	ssettag $0x1  }
0x1: {  	s1 =	srdreg.scid;
	s0 =	stileid.u32  }
0x2: {  	s5 =	sand.u32 $0x1, s1;
	s31 =	sshll.u32 s0, $0x1  }
0x3: {  	s4 =	rddreg [dreg:$0x0];
	s6 =	sor.u32 s5, s31  }
0x4: {  	s2 =	rddreg [dreg:$0x1];
	s3 =	simm.s32 $0x0;
	s7 =	smul.u32 $0x500, s6  }
0x5: {  	s9 =	simm.s32 $0x0;
	[smem:$0x7FF] =	sst s3;
	s6 =	smul.u32 $0x4E2, s6  }
0x6: {  	s1 =	rddreg [dreg:$0x2];
	s5 =	ssub.s32 $0x2, s5;
	_ =	strace $0x80000047  }
0x7: {  	s8 =	sshrl.u32 s5, $0x1;
	s7 =	sadd.s32 s7, s4;
	s6 =	sadd.s32 s6, s4  }
0x8: {  	s8 =	ssub.s32 s5, s8;
	s4 =	sadd.s32 $0x3A00, s7;
	s5 =	sadd.s32 $0xDA00, s6  }
0x9: {  	v0 =	vimm.f32 $1.000000000e+00;
	s6 =	smax.u32 s8, $0x1;
	s7 =	simm.s32 $0x1;
	s8 =	simm.s32 $0x2780  }
.LBB2_1:
0xa: {  	[tilespmem:s3], [sflag:$0x1] =	stream.linear.gather [hbm4b:s2+s3], $0x2780, $0x38;
	[tilespmem:$0x4F80] =	vst v63  }
0xb: {  	_ =	swait.ge [sflag:s7], $0x2780  }
0xc: {  	[sflag:s7] =	ssyncset.done $0x0  }
0xd: {  	[sflag:s7] =	ssyncadd.s32 $0xFFFFD880  }
0xe: {  	[tilespmem:s8], [sflag:$0x1] =	stream.linear.gather [hbm4b:s4+s3], $0x2800, $0x38;
	[tilespmem:$0x4F80] =	vst v63  }
0xf: {  	_ =	swait.ge [sflag:s7], $0x2800  }
0x10: {  	[sflag:s7] =	ssyncset.done $0x0  }
0x11: {  	s10 =	simm.s32 $0xFFFFFFFC;
	s11 =	simm.s32 $0x27A0;
	[sflag:s7] =	ssyncadd.s32 $0xFFFFD800  }
.LBB2_2:
0x12: {  	v1 =	vld [tilespmem:s11+$0xFFFFFFE0];
	_ =	sdelay $0x4  }
0x13: {  	vm0 =	vgt.s32 v1, $0xFFFFFFFF;
	vm1 =	vgt.s32 v1, $0x0  }
0x14: {  	v1 =	vnsel vm1, $0x0, v1;
	_ =	sdelay $0x4  }
0x15: {  	[tilespmem:v1+s3+$0x0] =	vst.idx.add.f32.msk vm0, v0  }
0x16: {  	v1 =	vld [tilespmem:s11+$0xFFFFFFF0];
	_ =	sdelay $0x4  }
0x17: {  	vm10 =	vgt.s32 v1, $0xFFFFFFFF;
	vm11 =	vgt.s32 v1, $0x0  }
0x18: {  	v1 =	vnsel vm11, $0x0, v1;
	_ =	sdelay $0x4  }
0x19: {  	[tilespmem:v1+s3+$0x0] =	vst.idx.add.f32.msk vm10, v0  }
0x1a: {  	v1 =	vld [tilespmem:s11+$0x0];
	_ =	sdelay $0x4  }
0x1b: {  	vm12 =	vgt.s32 v1, $0xFFFFFFFF;
	vm13 =	vgt.s32 v1, $0x0  }
0x1c: {  	v1 =	vnsel vm13, $0x0, v1;
	_ =	sdelay $0x4  }
0x1d: {  	[tilespmem:v1+s3+$0x0] =	vst.idx.add.f32.msk vm12, v0  }
0x1e: {  	v1 =	vld [tilespmem:s11+$0x10];
	_ =	sdelay $0x4  }
0x1f: {  	s10 =	sadd.s32 $0x4, s10;
	vm14 =	vgt.s32 v1, $0xFFFFFFFF;
	vm15 =	vgt.s32 v1, $0x0  }
0x20: {  	p0 =	slt.u32 s10, $0x27C;
	v1 =	vnsel vm15, $0x0, v1  }
.Ltmp0:
0x21: {  	_ = 	snop;
	(pc) =	sbr.rel @p0 .LBB2_2-.Ltmp0, $2  }
0x22: {  	_ =	sdelay $0x2  }
0x23: {  	s11 =	sadd.s32 $0x40, s11;
	[tilespmem:v1+s3+$0x0] =	vst.idx.add.f32.msk vm14, v0  }
0x24: {  	s9 =	sadd.s32 $0x1, s9  }
0x25: {  	p0 =	sne.s32 s9, s6  }
.Ltmp1:
0x26: {  	_ = 	snop;
	(pc) =	sbr.rel @p0 .LBB2_1-.Ltmp1, $4  }
0x27: {  	[hbm4b:s5+s3] =	stream.linear.scatter [tilespmem:s3], [sflag:$0x1], $0x2710, $0x38;
	[tilespmem:$0x4F80] =	vst v63  }
0x28: {  	_ =	swait.ge [sflag:s7], $0x2710  }
0x29: {  	[sflag:s7] =	ssyncset.done $0x0  }
0x2a: {  	[sflag:s7] =	ssyncadd.s32 $0xFFFFD8F0  }
0x2b: {  	_ =	sfence.sel $0x180000  }
0x2c: {  	[bflag:$0x0] =	sbarrier.arrive $0xFFFF  }
0x2d: {  	p0 =	sne.s32 s0, $0x0;
	_ =	strace $0x90000047  }
0x2e: {  	s0 =	sadd.s32 @!p0 $0x100000, s1;
	[bflag:$0x2] =	sbarrier.arrive $0xFFFF  }
0x2f: {  	[sflag:s0] =	ssyncadd.tile.s32 @!p0 $0x1;
	_ =	shalt  }
.Lfunc_end2:
_tile_overlayer_lowered:
.L_overlay_start_2:
0x30: {  	(tag) =	ssettag $0x2  }
0x31: {  	s0 =	rddreg [dreg:$0x0];
	s2 =	stileid.u32  }
0x32: {  	s1 =	rddreg [dreg:$0x1];
	p0 =	sne.s32 s2, $0x0  }
0x33: {  	s3 =	rddreg [dreg:$0x2];
	[bflag:$0x3] =	sbarrier.arrive $0xFFFF;
	s2 =	simm.s32 @!p0 $0x1C01  }
0x34: {  	[timem:s3], [sflag:s2] =	dma.local @!p0 [hbm:s0], s1  }
0x35: {  	s0 =	simm.s32 @!p0 $0x1  }
0x36: {  	_ =	swait.ge @!p0 [sflag:s0], s1  }
0x37: {  	s1 =	ssub.s32 @!p0 $0x0, s1;
	[sflag:s0] =	ssyncset.done @!p0 $0x0  }
0x38: {  	[sflag:s0] =	ssyncadd.s32 @!p0 s1  }
0x39: {  	[bflag:$0x3] =	sbarrier.arrive $0xFFFF  }
0x3a: {  	_ =	shalt  }

// kernel: kernel.14.cloned.1.call-start
scs
__scs_entry_jumppad:
0x0: {  	(pc) =	sbr.rel $0x88, $3  }
0x1: {  	(tag) =	ssettag $0x0;
	lr =	simm.s32 $0x1  }
0x2: {  	[smem:$0x3F8E] =	sst lr;
	_ =	strace $0xD0000000  }
0x3: {  	_ = 	snop  }
0x4: {  	_ = 	snop  }
0x5: {  	_ = 	snop  }
0x6: {  	_ = 	snop  }
0x7: {  	_ = 	snop  }
__scs_overlays_trampoline_lowered:
0x8: {  	[smem:$0x3F9D] =	sst s0  }
0x9: {  	[smem:$0x3F9E] =	sst s1  }
0xa: {  	[smem:$0x3F9F] =	sst s2  }
0xb: {  	[smem:$0x3FA0] =	sst s3  }
0xc: {  	[smem:$0x3FA1] =	sst s4  }
0xd: {  	[smem:$0x3FA2] =	sst s5  }
0xe: {  	[smem:$0x3FA3] =	sst s6  }
0xf: {  	[smem:$0x3FA4] =	sst s7  }
0x10: {  	[smem:$0x3FA5] =	sst s8  }
0x11: {  	[smem:$0x3FA6] =	sst s9;
	s0 =	simm.s32 @!p0 $0x0  }
0x12: {  	s1 =	sld [smem:$0x3F8C];
	s0 =	simm.s32 @p0 $0x1  }
0x13: {  	[smem:$0x3FA7] =	sst s0;
	s0 =	simm.s32 @!p1 $0x0  }
0x14: {  	s2 =	sld [smem:$0x3F8B];
	s0 =	simm.s32 @p1 $0x1  }
0x15: {  	[smem:$0x3FA8] =	sst s0;
	s0 =	simm.s32 @!p2 $0x0  }
0x16: {  	s3 =	sld [smem:$0x3FDB];
	s0 =	simm.s32 @p2 $0x1  }
0x17: {  	s4 =	simm.s32 $0x1BF5;
	[smem:$0x3FAA] =	sst s0  }
0x18: {  	s0 =	sld [smem:$0x3F8D];
	_ =	swait.ge [sflag:s4], $0x0  }
0x19: {  	s7 =	sld [smem:$0x3F8E]  }
0x1a: {  	s8 =	sadd.s32 $0xFFFFE003, lr  }
0x1b: {  	s9 =	sadd.s32 $0xFFFFFEF7, lr;
	s5 =	simm.s32 $0xFFFFFFFF;
	p2 =	slt.u32 s8, $0xFFFFF086  }
0x1c: {  	p1 =	slt.u32 s9, $0xF7A;
	s5 =	simm.s32 @!p2 $0x0  }
0x1d: {  	s5 =	simm.s32 @p1 $0x1;
	p0 =	seq.s32 s7, s2  }
0x1e: {  	s7 =	smul.u32 @!p0 $0xF7A, s2;
	p2 =	seq.s32 @!p0 s5, $0x0  }
0x1f: {  	s9 =	smul.u32 $0xF7A, s1;
	s8 =	simm.s32 @!p0 $0x1BF5;
	p2 =	por !p2, p0  }
0x20: {  	[sflag:s8] =	ssyncset.s32 @!p0 $0xFFFFF086;
	s6 =	sadd.s32 @!p0 s3, s7;
	s7 =	simm.s32 @!p0 $0x108  }
0x21: {  	s3 =	sadd.s32 s3, s9;
	s6 =	sadd.s32 @!p0 $0x88, s6;
	s7 =	simm.s32 @p2 $0x1082  }
0x22: {  	[simem:s7], [sflag:s8] =	dma.local @!p0 [hbm:s6], $0xF7A  }
0x23: {  	s9 =	sor.u32 $0xD0000000, s2;
	s6 =	simm.s32 $0x108;
	_ =	swait.ge @!p0 [sflag:s8], $0x0  }
0x24: {  	s3 =	sadd.s32 $0x88, s3;
	s6 =	simm.s32 @!p1 $0x1082;
	[sflag:s4] =	ssyncset.s32 $0xFFFFF086  }
0x25: {  	[simem:s6], [sflag:s4] =	dma.local [hbm:s3], $0xF7A  }
0x26: {  	[smem:$0x3F8E] =	sst s1;
	(tag) =	ssettag s2;
	_ =	strace s9  }
0x27: {  	s1 =	sld [smem:$0x3F9E]  }
0x28: {  	s2 =	sld [smem:$0x3F9F]  }
0x29: {  	s4 =	sld [smem:$0x3FA1]  }
0x2a: {  	p0 =	seq.s32 s5, $0x0;
	s5 =	sld [smem:$0x3FA2]  }
0x2b: {  	s6 =	sld [smem:$0x3FA3]  }
0x2c: {  	s7 =	sld [smem:$0x3FA4]  }
0x2d: {  	s3 =	simm.s32 $0x108;
	s8 =	sld [smem:$0x3FA5]  }
0x2e: {  	s3 =	simm.s32 @!p0 $0x1082;
	s9 =	sld [smem:$0x3FA6]  }
0x2f: {  	lr =	sadd.s32 s0, s3;
	s0 =	sld [smem:$0x3F9D]  }
0x30: {  	s3 =	sld [smem:$0x3FA0]  }
0x31: {  	[smem:$0x3FA9] =	sst s10  }
0x32: {  	s10 =	sld [smem:$0x3FA7];
	_ =	sdelay $0x3  }
0x33: {  	p0 =	seq.s32 s10, $0x1;
	s10 =	sld [smem:$0x3FA9];
	_ =	sdelay $0x3  }
0x34: {  	[smem:$0x3FA9] =	sst s10  }
0x35: {  	s10 =	sld [smem:$0x3FA8];
	_ =	sdelay $0x3  }
0x36: {  	p1 =	seq.s32 s10, $0x1;
	s10 =	sld [smem:$0x3FA9];
	_ =	sdelay $0x3  }
0x37: {  	[smem:$0x3FA9] =	sst s10  }
0x38: {  	s10 =	sld [smem:$0x3FAA]  }
0x39: {  	_ = 	snop;
	(pc) =	sbr.ind lr, $3  }
0x3a: {  	_ = 	snop  }
0x3b: {  	_ = 	snop  }
0x3c: {  	p2 =	seq.s32 s10, $0x1;
	s10 =	sld [smem:$0x3FA9]  }
0x3d: {  	_ =	shalt  }
0x3e: {  	_ =	shalt  }
0x3f: {  	_ =	shalt  }
0x40: {  	_ =	shalt  }
0x41: {  	_ =	shalt  }
0x42: {  	_ =	shalt  }
0x43: {  	_ =	shalt  }
0x44: {  	_ =	shalt  }
0x45: {  	_ =	shalt  }
0x46: {  	_ =	shalt  }
0x47: {  	_ =	shalt  }
0x48: {  	_ =	shalt  }
0x49: {  	_ =	shalt  }
0x4a: {  	_ =	shalt  }
0x4b: {  	_ =	shalt  }
0x4c: {  	_ =	shalt  }
0x4d: {  	_ =	shalt  }
0x4e: {  	_ =	shalt  }
0x4f: {  	_ =	shalt  }
0x50: {  	_ =	shalt  }
0x51: {  	_ =	shalt  }
0x52: {  	_ =	shalt  }
0x53: {  	_ =	shalt  }
0x54: {  	_ =	shalt  }
0x55: {  	_ =	shalt  }
0x56: {  	_ =	shalt  }
0x57: {  	_ =	shalt  }
0x58: {  	_ =	shalt  }
0x59: {  	_ =	shalt  }
0x5a: {  	_ =	shalt  }
0x5b: {  	_ =	shalt  }
0x5c: {  	_ =	shalt  }
0x5d: {  	_ =	shalt  }
0x5e: {  	_ =	shalt  }
0x5f: {  	_ =	shalt  }
0x60: {  	_ =	shalt  }
0x61: {  	_ =	shalt  }
0x62: {  	_ =	shalt  }
0x63: {  	_ =	shalt  }
0x64: {  	_ =	shalt  }
0x65: {  	_ =	shalt  }
0x66: {  	_ =	shalt  }
0x67: {  	_ =	shalt  }
0x68: {  	_ =	shalt  }
0x69: {  	_ =	shalt  }
0x6a: {  	_ =	shalt  }
0x6b: {  	_ =	shalt  }
0x6c: {  	_ =	shalt  }
0x6d: {  	_ =	shalt  }
0x6e: {  	_ =	shalt  }
0x6f: {  	_ =	shalt  }
0x70: {  	_ =	shalt  }
0x71: {  	_ =	shalt  }
0x72: {  	_ =	shalt  }
0x73: {  	_ =	shalt  }
0x74: {  	_ =	shalt  }
0x75: {  	_ =	shalt  }
0x76: {  	_ =	shalt  }
0x77: {  	_ =	shalt  }
0x78: {  	_ =	shalt  }
0x79: {  	_ =	shalt  }
0x7a: {  	_ =	shalt  }
0x7b: {  	_ =	shalt  }
0x7c: {  	_ =	shalt  }
0x7d: {  	_ =	shalt  }
0x7e: {  	_ =	shalt  }
0x7f: {  	_ =	shalt  }
0x80: {  	_ =	shalt  }
0x81: {  	_ =	shalt  }
0x82: {  	_ =	shalt  }
0x83: {  	_ =	shalt  }
0x84: {  	_ =	shalt  }
0x85: {  	_ =	shalt  }
0x86: {  	_ =	shalt  }
0x87: {  	_ =	shalt  }
.Lfunc_end0:
.L_simem_size_0:
called_computation.1_lowered:
.L_overlay_start_0:
0x88: {  	s2 =	sld [smem:$0x3FD9]  }
0x89: {  	s3 =	sld [smem:$0x3FFE];
	_ =	sdelay $0x1  }
0x8a: {  	s1 =	srdreg.scid  }
0x8b: {  	s0 =	sand.u32 $0x1, s1  }
0x8c: {  	s17 =	sshll.u32 s0, $0xA;
	s2 =	sadd.s32 s3, s2  }
0x8d: {  	s2 =	sadd.s32 s2, s17  }
0x8e: {  	[smem:$0x3FB5] =	sst s2  }
0x8f: {  	_ = 	snop  }
0x90: {  	s2 =	sld [smem:$0x3FD0];
	(tm) =	ssettm $0x1  }
0x91: {  	s18 =	sld [smem:$0x3FFB];
	_ =	sdelay $0x3  }
0x92: {  	_ =	strace s18  }
0x93: {  	s3 =	sld [smem:$0x3FFC];
	_ =	sdelay $0x3  }
0x94: {  	_ =	strace s3  }
0x95: {  	s3 =	sld [smem:$0x3FFD];
	_ =	sdelay $0x3  }
0x96: {  	_ =	strace s3  }
0x97: {  	_ =	strace $0x8FFFFFFF  }
0x98: {  	s19 =	sld [smem:$0x3FDB];
	_ =	sdelay $0x1  }
0x99: {  	s4 =	simm.s32 $_scs_section_size  }
0x9a: {  	s5 =	simm.s32 $_size__tile_overlayer_lowered;
	s6 =	simm.s32 $_tile_overlayer_lowered  }
0x9b: {  	s22 =	simm.s32 $0x1BFF;
	s21 =	sshll.u32 s6, $0x1;
	s3 =	sadd.s32 s4, s19  }
0x9c: {  	s7 =	simm.s32 $0x0;
	s20 =	sshll.u32 s5, $0x1;
	s5 =	sadd.s32 s21, s3  }
0x9d: {  	[timem:s7], [sflag:s22] =	dma.local [hbm:s5], s20  }
0x9e: {  	_ =	swait.ge [sflag:s22], s20  }
0x9f: {  	s4 =	ssub.s32 $0x0, s20;
	[sflag:s22] =	ssyncset.done $0x0  }
0xa0: {  	[sflag:s22] =	ssyncadd.s32 s4;
	_ =	sdelay $0x1  }
0xa1: {  	s23 =	simm.s32 $0x1B8B  }
0xa2: {  	_ =	swait.ge [sflag:s23], $0x1  }
0xa3: {  	[sflag:s23] =	ssyncset.done $0x0  }
0xa4: {  	s25 =	simm.s32 $0x1B8E;
	s24 =	sld [smem:$0x3FFE];
	[sflag:s23] =	ssyncadd.s32 $0xFFFFFFFF  }
0xa5: {  	s26 =	simm.s32 $execute0_lowered;
	[smem:$0x3FD2] =	sst s25  }
0xa6: {  	s5 =	sshll.u32 s26, $0x1;
	_ =	strace $0x80000049;
	[dreg:$0x1] =	wrdreg $0xFFFFFFFF  }
0xa7: {  	s28 =	simm.s32 $_size_execute0_lowered;
	s3 =	sadd.s32 s3, s5;
	[dreg:$0x0] =	wrdreg $0x0  }
0xa8: {  	s5 =	sshll.u32 s28, $0x1;
	[dreg:$0x2] =	wrdreg s3  }
0xa9: {  	[dreg:$0x3] =	wrdreg s5  }
0xaa: {  	[dreg:$0x4] =	wrdreg $0xC0  }
0xab: {  	_ =	task [dreg:s7], $0x5FFFF  }
0xac: {  	[dreg:$0x1] =	wrdreg $0xFFFFFFFF  }
0xad: {  	[dreg:$0x0] =	wrdreg $0x60  }
0xae: {  	[dreg:$0x2] =	wrdreg s24  }
0xaf: {  	[dreg:$0x3] =	wrdreg s2  }
0xb0: {  	[dreg:$0x4] =	wrdreg $0x9  }
0xb1: {  	_ =	task.clear_ibuf [dreg:s7], $0x5FFFF;
	_ =	strace $0x90000049  }
0xb2: {  	s29 =	simm.s32 $0x9;
	_ =	strace $0x8000004B  }
0xb3: {  	_ =	swait.ge [sflag:s29], $0x1  }
0xb4: {  	[sflag:s29] =	ssyncadd.s32 $0xFFFFFFFF  }
0xb5: {  	_ =	strace $0x9000004B  }
0xb6: {  	_ =	sfence  }
0xb7: {  	s30 =	sld [smem:$0x0];
	_ =	sdelay $0x2  }
0xb8: {  	s31 =	sshll.u32 s1, $0xD;
	s1 =	sshrl.u32 s1, $0x2  }
0xb9: {  	s3 =	sand.u32 $0x4000, s31;
	s1 =	sadd.s32 s1, s30  }
0xba: {  	s0 =	sor.u32 s3, s0;
	s1 =	sshll.u32 s1, $0x11  }
0xbb: {  	s0 =	sor.u32 s1, s0  }
0xbc: {  	s0 =	sadd.s32 $0x8F2B, s0  }
0xbd: {  	[sflag:s0] =	ssyncadd.remote.s32 $0x1  }
0xbe: {  	_ =	sfence.sel $0xFFFF  }
0xbf: {  	[dreg:$0x0] =	wrdreg $0xFFFFFFFF;
	(pc) =	sbr.abs _section_cstart, $3  }
0xc0: {  	[dreg:$0x1] =	wrdreg $0xFFFFFFFF  }
0xc1: {  	_ =	task.clear_ibuf [dreg:s7], $0x2FFFF;
	_ =	strace $0x9FFFFFFF  }
0xc2: {  	(tm) =	ssettm $0x7FFFFFFF  }
0xc3: {  	_ =	shalt  }
tec
execute0_lowered:
.L_overlay_start_1:
0x0: {  	(tag) =	ssettag $0x1  }
0x1: {  	s1 =	srdreg.scid  }
0x2: {  	s0 =	stileid.u32;
	s6 =	rddreg [dreg:$0x0]  }
0x3: {  	s2 =	rddreg [dreg:$0x1];
	s3 =	simm.s32 $0x0;
	s16 =	simm.s32 $0x1  }
0x4: {  	s17 =	simm.s32 $0x9E00;
	s18 =	simm.s32 $0x2780;
	s19 =	simm.s32 $0xC580  }
0x5: {  	s20 =	simm.s32 $0x4F00;
	s21 =	simm.s32 $0xED00;
	s22 =	simm.s32 $0x7680  }
0x6: {  	s23 =	simm.s32 $0x11480;
	s24 =	simm.s32 $0x13C00;
	s25 =	simm.s32 $0x15C00  }
0x7: {  	s26 =	simm.s32 $0x0;
	s5 =	sand.u32 $0x1, s1;
	s1 =	rddreg [dreg:$0x2]  }
0x8: {  	s29 =	sshll.u32 s0, $0x1;
	[smem:$0x7FF] =	sst s3;
	s31 =	sshrl.u32 s0, $0x2  }
0x9: {  	s4 =	sor.u32 s5, s29;
	_ =	strace $0x8000004A;
	s30 =	ssub.s32 $0x2, s5  }
0xa: {  	s5 =	sadd.s32 $0x3A00, s6;
	s7 =	sand.u32 $0x7, s4;
	s8 =	smul.u32 $0x9C40, s4  }
0xb: {  	s4 =	sadd.s32 $0x17800, s6;
	s10 =	sshrl.u32 s30, $0x1;
	s7 =	smul.u32 $0x9C40, s7  }
0xc: {  	s15 =	ssub.s32 s30, s10;
	s10 =	smul.u32 $0x14000, s31;
	s8 =	sshrl.u32 s8, $0x3  }
0xd: {  	s15 =	smax.u32 s15, $0x1;
	s7 =	sshrl.u32 s7, $0x3;
	s14 =	sadd.s32 s8, s6  }
0xe: {  	s9 =	sadd.s32 s7, s6;
	s11 =	sadd.s32 $0x21800, s14;
	s12 =	sadd.s32 $0x21CE2, s14  }
0xf: {  	s13 =	sadd.s32 $0x221C4, s14;
	s14 =	sadd.s32 $0x226A6, s14;
	s6 =	sadd.s32 $0xDA00, s9  }
0x10: {  	s7 =	sadd.s32 $0xDEE2, s9;
	s8 =	sadd.s32 $0xE3C4, s9;
	s9 =	sadd.s32 $0xE8A6, s9  }
.LBB2_1:
0x11: {  	[tilespmem:s3], [sflag:$0x1] =	stream.linear.gather [hbm4b:s6+s3], $0x2710, $0x38;
	[tilespmem:$0x17C00] =	vst v63  }
0x12: {  	_ =	swait.ge [sflag:s16], $0x2710  }
0x13: {  	[sflag:s16] =	ssyncset.done $0x0  }
0x14: {  	[sflag:s16] =	ssyncadd.s32 $0xFFFFD8F0  }
0x15: {  	[tilespmem:s17], [sflag:$0x1] =	stream.linear.gather [hbm4b:s2+s3], $0x2780, $0x38;
	[tilespmem:$0x17C00] =	vst v63  }
0x16: {  	_ =	swait.ge [sflag:s16], $0x2780  }
0x17: {  	[sflag:s16] =	ssyncset.done $0x0  }
0x18: {  	[sflag:s16] =	ssyncadd.s32 $0xFFFFD880  }
0x19: {  	[tilespmem:s18], [sflag:$0x1] =	stream.linear.gather [hbm4b:s7+s3], $0x2710, $0x38;
	[tilespmem:$0x17C00] =	vst v63  }
0x1a: {  	_ =	swait.ge [sflag:s16], $0x2710  }
0x1b: {  	[sflag:s16] =	ssyncset.done $0x0  }
0x1c: {  	[sflag:s16] =	ssyncadd.s32 $0xFFFFD8F0  }
0x1d: {  	[tilespmem:s19], [sflag:$0x1] =	stream.linear.gather [hbm4b:s2+s3], $0x2780, $0x38;
	[tilespmem:$0x17C00] =	vst v63  }
0x1e: {  	_ =	swait.ge [sflag:s16], $0x2780  }
0x1f: {  	[sflag:s16] =	ssyncset.done $0x0  }
0x20: {  	[sflag:s16] =	ssyncadd.s32 $0xFFFFD880  }
0x21: {  	[tilespmem:s20], [sflag:$0x1] =	stream.linear.gather [hbm4b:s8+s3], $0x2710, $0x38;
	[tilespmem:$0x17C00] =	vst v63  }
0x22: {  	_ =	swait.ge [sflag:s16], $0x2710  }
0x23: {  	[sflag:s16] =	ssyncset.done $0x0  }
0x24: {  	[sflag:s16] =	ssyncadd.s32 $0xFFFFD8F0  }
0x25: {  	[tilespmem:s21], [sflag:$0x1] =	stream.linear.gather [hbm4b:s2+s3], $0x2780, $0x38;
	[tilespmem:$0x17C00] =	vst v63  }
0x26: {  	_ =	swait.ge [sflag:s16], $0x2780  }
0x27: {  	[sflag:s16] =	ssyncset.done $0x0  }
0x28: {  	[sflag:s16] =	ssyncadd.s32 $0xFFFFD880  }
0x29: {  	[tilespmem:s22], [sflag:$0x1] =	stream.linear.gather [hbm4b:s9+s3], $0x2710, $0x38;
	[tilespmem:$0x17C00] =	vst v63  }
0x2a: {  	_ =	swait.ge [sflag:s16], $0x2710  }
0x2b: {  	[sflag:s16] =	ssyncset.done $0x0  }
0x2c: {  	[sflag:s16] =	ssyncadd.s32 $0xFFFFD8F0  }
0x2d: {  	[tilespmem:s23], [sflag:$0x1] =	stream.linear.gather [hbm4b:s2+s3], $0x2780, $0x38;
	[tilespmem:$0x17C00] =	vst v63  }
0x2e: {  	_ =	swait.ge [sflag:s16], $0x2780  }
0x2f: {  	v1 =	vimm.f32 $0.0e+00;
	v0 =	vimm.s32 $0x0;
	[sflag:s16] =	ssyncset.done $0x0  }
0x30: {  	v2 =	vimm.f32 $0.0e+00;
	v3 =	vimm.f32 $0.0e+00;
	v4 =	vimm.f32 $0.0e+00;
	s28 =	simm.s32 $0x0;
	[sflag:s16] =	ssyncadd.s32 $0xFFFFD880  }
.LBB2_2:
0x31: {  	s29 =	sshll.u32 s28, $0xD  }
0x32: {  	s29 =	sadd.s32 s10, s29  }
0x33: {  	s29 =	sshrl.u32 s29, $0x3  }
0x34: {  	s30 =	sadd.s32 s4, s29  }
0x35: {  	[tilespmem:s24], [sflag:$0x1] =	stream.linear.gather [hbm4b:s30+s3], $0x2000, $0x38;
	[tilespmem:$0x17C00] =	vst v63  }
0x36: {  	_ =	swait.ge [sflag:s16], $0x2000  }
0x37: {  	[sflag:s16] =	ssyncset.done $0x0  }
0x38: {  	s29 =	sadd.s32 s5, s29;
	[sflag:s16] =	ssyncadd.s32 $0xFFFFE000  }
0x39: {  	[tilespmem:s25], [sflag:$0x1] =	stream.linear.gather [hbm4b:s29+s3], $0x2000, $0x38;
	[tilespmem:$0x17C00] =	vst v63  }
0x3a: {  	_ =	swait.ge [sflag:s16], $0x2000  }
0x3b: {  	s31 =	simm.s32 $0x15C40;
	[sflag:s16] =	ssyncset.done $0x0  }
0x3c: {  	s30 =	simm.s32 $0x13C40;
	s29 =	simm.s32 $0xFFFFFFF8;
	[sflag:s16] =	ssyncadd.s32 $0xFFFFE000  }
.LBB2_3:
0x3d: {  	_ =	sdelay $0x2  }
0x3e: {  	[tilespmem:v0+s17+$0x0] =	vst.idx.add.f32.msk $0xffff, v4  }
0x3f: {  	[tilespmem:v0+s19+$0x0] =	vst.idx.add.f32.msk $0xffff, v3  }
0x40: {  	[tilespmem:v0+s21+$0x0] =	vst.idx.add.f32.msk $0xffff, v2  }
0x41: {  	[tilespmem:v0+s23+$0x0] =	vst.idx.add.f32.msk $0xffff, v1  }
0x42: {  	v0 =	vld [tilespmem:s30+$0xFFFFFFC0];
	_ =	sdelay $0x4  }
0x43: {  	vm0 =	vgt.s32 v0, $0x0  }
0x44: {  	v1 =	vld [tilespmem:s31+$0xFFFFFFC0];
	v2 =	vnsel vm0, $0x0, v0;
	_ =	sdelay $0x4  }
0x45: {  	vm6 =	vgt.s32 v1, $0x0;
	v3 =	vld.idx.msk [tilespmem:v2+s3+$0x0], $0xffff  }
0x46: {  	v1 =	vnsel vm6, $0x0, v1;
	v4 =	vld.idx.msk [tilespmem:v2+s18+$0x0], $0xffff  }
0x47: {  	v5 =	vld.idx.msk [tilespmem:v2+s20+$0x0], $0xffff  }
0x48: {  	v2 =	vld.idx.msk [tilespmem:v2+s22+$0x0], $0xffff  }
0x49: {  	vm7 =	vgt.s32 v0, $0xFFFFFFFF  }
0x4a: {  	v0 =	vnsel vm7, $0x0, v3  }
0x4b: {  	v3 =	vnsel vm7, $0x0, v4;
	[tilespmem:v1+s17+$0x0] =	vst.idx.add.f32.msk $0xffff, v0  }
0x4c: {  	v0 =	vnsel vm7, $0x0, v5;
	[tilespmem:v1+s19+$0x0] =	vst.idx.add.f32.msk $0xffff, v3  }
0x4d: {  	v2 =	vnsel vm7, $0x0, v2;
	[tilespmem:v1+s21+$0x0] =	vst.idx.add.f32.msk $0xffff, v0  }
0x4e: {  	[tilespmem:v1+s23+$0x0] =	vst.idx.add.f32.msk $0xffff, v2  }
0x4f: {  	v0 =	vld [tilespmem:s30+$0xFFFFFFD0];
	_ =	sdelay $0x4  }
0x50: {  	vm8 =	vgt.s32 v0, $0x0  }
0x51: {  	v1 =	vld [tilespmem:s31+$0xFFFFFFD0];
	v2 =	vnsel vm8, $0x0, v0;
	_ =	sdelay $0x4  }
0x52: {  	vm9 =	vgt.s32 v1, $0x0;
	v3 =	vld.idx.msk [tilespmem:v2+s3+$0x0], $0xffff  }
0x53: {  	v1 =	vnsel vm9, $0x0, v1;
	v4 =	vld.idx.msk [tilespmem:v2+s18+$0x0], $0xffff  }
0x54: {  	v5 =	vld.idx.msk [tilespmem:v2+s20+$0x0], $0xffff  }
0x55: {  	v2 =	vld.idx.msk [tilespmem:v2+s22+$0x0], $0xffff  }
0x56: {  	vm10 =	vgt.s32 v0, $0xFFFFFFFF  }
0x57: {  	v0 =	vnsel vm10, $0x0, v3  }
0x58: {  	v3 =	vnsel vm10, $0x0, v4;
	[tilespmem:v1+s17+$0x0] =	vst.idx.add.f32.msk $0xffff, v0  }
0x59: {  	v0 =	vnsel vm10, $0x0, v5;
	[tilespmem:v1+s19+$0x0] =	vst.idx.add.f32.msk $0xffff, v3  }
0x5a: {  	v2 =	vnsel vm10, $0x0, v2;
	[tilespmem:v1+s21+$0x0] =	vst.idx.add.f32.msk $0xffff, v0  }
0x5b: {  	[tilespmem:v1+s23+$0x0] =	vst.idx.add.f32.msk $0xffff, v2  }
0x5c: {  	v0 =	vld [tilespmem:s30+$0xFFFFFFE0];
	_ =	sdelay $0x4  }
0x5d: {  	vm11 =	vgt.s32 v0, $0x0  }
0x5e: {  	v1 =	vld [tilespmem:s31+$0xFFFFFFE0];
	v2 =	vnsel vm11, $0x0, v0;
	_ =	sdelay $0x4  }
0x5f: {  	vm12 =	vgt.s32 v1, $0x0;
	v3 =	vld.idx.msk [tilespmem:v2+s3+$0x0], $0xffff  }
0x60: {  	v1 =	vnsel vm12, $0x0, v1;
	v4 =	vld.idx.msk [tilespmem:v2+s18+$0x0], $0xffff  }
0x61: {  	v5 =	vld.idx.msk [tilespmem:v2+s20+$0x0], $0xffff  }
0x62: {  	v2 =	vld.idx.msk [tilespmem:v2+s22+$0x0], $0xffff  }
0x63: {  	vm13 =	vgt.s32 v0, $0xFFFFFFFF  }
0x64: {  	v0 =	vnsel vm13, $0x0, v3  }
0x65: {  	v3 =	vnsel vm13, $0x0, v4;
	[tilespmem:v1+s17+$0x0] =	vst.idx.add.f32.msk $0xffff, v0  }
0x66: {  	v0 =	vnsel vm13, $0x0, v5;
	[tilespmem:v1+s19+$0x0] =	vst.idx.add.f32.msk $0xffff, v3  }
0x67: {  	v2 =	vnsel vm13, $0x0, v2;
	[tilespmem:v1+s21+$0x0] =	vst.idx.add.f32.msk $0xffff, v0  }
0x68: {  	[tilespmem:v1+s23+$0x0] =	vst.idx.add.f32.msk $0xffff, v2  }
0x69: {  	v0 =	vld [tilespmem:s30+$0xFFFFFFF0];
	_ =	sdelay $0x4  }
0x6a: {  	vm14 =	vgt.s32 v0, $0x0  }
0x6b: {  	v1 =	vld [tilespmem:s31+$0xFFFFFFF0];
	v2 =	vnsel vm14, $0x0, v0;
	_ =	sdelay $0x4  }
0x6c: {  	vm15 =	vgt.s32 v1, $0x0;
	v3 =	vld.idx.msk [tilespmem:v2+s3+$0x0], $0xffff  }
0x6d: {  	v1 =	vnsel vm15, $0x0, v1;
	v4 =	vld.idx.msk [tilespmem:v2+s18+$0x0], $0xffff  }
0x6e: {  	v5 =	vld.idx.msk [tilespmem:v2+s20+$0x0], $0xffff  }
0x6f: {  	v2 =	vld.idx.msk [tilespmem:v2+s22+$0x0], $0xffff  }
0x70: {  	vm4 =	vgt.s32 v0, $0xFFFFFFFF  }
0x71: {  	v0 =	vnsel vm4, $0x0, v3  }
0x72: {  	v3 =	vnsel vm4, $0x0, v4;
	[tilespmem:v1+s17+$0x0] =	vst.idx.add.f32.msk $0xffff, v0  }
0x73: {  	v0 =	vnsel vm4, $0x0, v5;
	[tilespmem:v1+s19+$0x0] =	vst.idx.add.f32.msk $0xffff, v3  }
0x74: {  	v2 =	vnsel vm4, $0x0, v2;
	[tilespmem:v1+s21+$0x0] =	vst.idx.add.f32.msk $0xffff, v0  }
0x75: {  	[tilespmem:v1+s23+$0x0] =	vst.idx.add.f32.msk $0xffff, v2  }
0x76: {  	v0 =	vld [tilespmem:s30+$0x0];
	_ =	sdelay $0x4  }
0x77: {  	vm5 =	vgt.s32 v0, $0x0  }
0x78: {  	v1 =	vld [tilespmem:s31+$0x0];
	v2 =	vnsel vm5, $0x0, v0;
	_ =	sdelay $0x4  }
0x79: {  	vm6 =	vgt.s32 v1, $0x0;
	v3 =	vld.idx.msk [tilespmem:v2+s3+$0x0], $0xffff  }
0x7a: {  	v1 =	vnsel vm6, $0x0, v1;
	v4 =	vld.idx.msk [tilespmem:v2+s18+$0x0], $0xffff  }
0x7b: {  	v5 =	vld.idx.msk [tilespmem:v2+s20+$0x0], $0xffff  }
0x7c: {  	v2 =	vld.idx.msk [tilespmem:v2+s22+$0x0], $0xffff  }
0x7d: {  	vm7 =	vgt.s32 v0, $0xFFFFFFFF  }
0x7e: {  	v0 =	vnsel vm7, $0x0, v3  }
0x7f: {  	v3 =	vnsel vm7, $0x0, v4;
	[tilespmem:v1+s17+$0x0] =	vst.idx.add.f32.msk $0xffff, v0  }
0x80: {  	v0 =	vnsel vm7, $0x0, v5;
	[tilespmem:v1+s19+$0x0] =	vst.idx.add.f32.msk $0xffff, v3  }
0x81: {  	v2 =	vnsel vm7, $0x0, v2;
	[tilespmem:v1+s21+$0x0] =	vst.idx.add.f32.msk $0xffff, v0  }
0x82: {  	[tilespmem:v1+s23+$0x0] =	vst.idx.add.f32.msk $0xffff, v2  }
0x83: {  	v0 =	vld [tilespmem:s30+$0x10];
	_ =	sdelay $0x4  }
0x84: {  	vm8 =	vgt.s32 v0, $0x0  }
0x85: {  	v1 =	vld [tilespmem:s31+$0x10];
	v2 =	vnsel vm8, $0x0, v0;
	_ =	sdelay $0x4  }
0x86: {  	vm9 =	vgt.s32 v1, $0x0;
	v3 =	vld.idx.msk [tilespmem:v2+s3+$0x0], $0xffff  }
0x87: {  	v1 =	vnsel vm9, $0x0, v1;
	v4 =	vld.idx.msk [tilespmem:v2+s18+$0x0], $0xffff  }
0x88: {  	v5 =	vld.idx.msk [tilespmem:v2+s20+$0x0], $0xffff  }
0x89: {  	v2 =	vld.idx.msk [tilespmem:v2+s22+$0x0], $0xffff  }
0x8a: {  	vm10 =	vgt.s32 v0, $0xFFFFFFFF  }
0x8b: {  	v0 =	vnsel vm10, $0x0, v3  }
0x8c: {  	v3 =	vnsel vm10, $0x0, v4;
	[tilespmem:v1+s17+$0x0] =	vst.idx.add.f32.msk $0xffff, v0  }
0x8d: {  	v0 =	vnsel vm10, $0x0, v5;
	[tilespmem:v1+s19+$0x0] =	vst.idx.add.f32.msk $0xffff, v3  }
0x8e: {  	v2 =	vnsel vm10, $0x0, v2;
	[tilespmem:v1+s21+$0x0] =	vst.idx.add.f32.msk $0xffff, v0  }
0x8f: {  	[tilespmem:v1+s23+$0x0] =	vst.idx.add.f32.msk $0xffff, v2  }
0x90: {  	v0 =	vld [tilespmem:s30+$0x20];
	_ =	sdelay $0x4  }
0x91: {  	vm11 =	vgt.s32 v0, $0x0  }
0x92: {  	v1 =	vld [tilespmem:s31+$0x20];
	v2 =	vnsel vm11, $0x0, v0;
	_ =	sdelay $0x4  }
0x93: {  	vm12 =	vgt.s32 v1, $0x0;
	v3 =	vld.idx.msk [tilespmem:v2+s3+$0x0], $0xffff  }
0x94: {  	v1 =	vnsel vm12, $0x0, v1;
	v4 =	vld.idx.msk [tilespmem:v2+s18+$0x0], $0xffff  }
0x95: {  	v5 =	vld.idx.msk [tilespmem:v2+s20+$0x0], $0xffff  }
0x96: {  	v2 =	vld.idx.msk [tilespmem:v2+s22+$0x0], $0xffff  }
0x97: {  	vm13 =	vgt.s32 v0, $0xFFFFFFFF  }
0x98: {  	v0 =	vnsel vm13, $0x0, v3  }
0x99: {  	v3 =	vnsel vm13, $0x0, v4;
	[tilespmem:v1+s17+$0x0] =	vst.idx.add.f32.msk $0xffff, v0  }
0x9a: {  	v0 =	vnsel vm13, $0x0, v5;
	[tilespmem:v1+s19+$0x0] =	vst.idx.add.f32.msk $0xffff, v3  }
0x9b: {  	v2 =	vnsel vm13, $0x0, v2;
	[tilespmem:v1+s21+$0x0] =	vst.idx.add.f32.msk $0xffff, v0  }
0x9c: {  	[tilespmem:v1+s23+$0x0] =	vst.idx.add.f32.msk $0xffff, v2  }
0x9d: {  	v0 =	vld [tilespmem:s30+$0x30];
	_ =	sdelay $0x4  }
0x9e: {  	vm14 =	vgt.s32 v0, $0x0  }
0x9f: {  	v1 =	vnsel vm14, $0x0, v0;
	_ =	sdelay $0x3  }
0xa0: {  	v2 =	vld [tilespmem:s31+$0x30]  }
0xa1: {  	v3 =	vld.idx.msk [tilespmem:v1+s3+$0x0], $0xffff  }
0xa2: {  	v5 =	vld.idx.msk [tilespmem:v1+s18+$0x0], $0xffff  }
0xa3: {  	s29 =	sadd.s32 $0x8, s29;
	v6 =	vld.idx.msk [tilespmem:v1+s20+$0x0], $0xffff  }
0xa4: {  	p0 =	slt.u32 s29, $0x1F8;
	v1 =	vld.idx.msk [tilespmem:v1+s22+$0x0], $0xffff  }
.Ltmp0:
0xa5: {  	_ = 	snop;
	(pc) =	sbr.rel @p0 .LBB2_3-.Ltmp0, $4  }
0xa6: {  	_ = 	snop  }
0xa7: {  	vm15 =	vgt.s32 v0, $0xFFFFFFFF;
	vm1 =	vgt.s32 v2, $0x0  }
0xa8: {  	v0 =	vnsel vm1, $0x0, v2;
	v4 =	vnsel vm15, $0x0, v3  }
0xa9: {  	s30 =	sadd.s32 $0x80, s30;
	s31 =	sadd.s32 $0x80, s31;
	v3 =	vnsel vm15, $0x0, v5;
	v2 =	vnsel vm15, $0x0, v6;
	v1 =	vnsel vm15, $0x0, v1  }
0xaa: {  	s28 =	sadd.s32 $0x1, s28  }
0xab: {  	p0 =	sne.s32 s28, $0xA  }
.Ltmp1:
0xac: {  	_ = 	snop;
	(pc) =	sbr.rel @p0 .LBB2_2-.Ltmp1, $1  }
0xad: {  	_ =	sdelay $0x3  }
0xae: {  	_ =	sdelay $0x3  }
0xaf: {  	[tilespmem:v0+s17+$0x0] =	vst.idx.add.f32.msk $0xffff, v4  }
0xb0: {  	[tilespmem:v0+s19+$0x0] =	vst.idx.add.f32.msk $0xffff, v3  }
0xb1: {  	[tilespmem:v0+s21+$0x0] =	vst.idx.add.f32.msk $0xffff, v2  }
0xb2: {  	[tilespmem:v0+s23+$0x0] =	vst.idx.add.f32.msk $0xffff, v1  }
0xb3: {  	[hbm4b:s11+s3] =	stream.linear.scatter [tilespmem:s17], [sflag:$0x1], $0x2710, $0x38;
	[tilespmem:$0x17C00] =	vst v63  }
0xb4: {  	_ =	swait.ge [sflag:s16], $0x2710  }
0xb5: {  	[sflag:s16] =	ssyncset.done $0x0  }
0xb6: {  	[sflag:s16] =	ssyncadd.s32 $0xFFFFD8F0  }
0xb7: {  	[hbm4b:s12+s3] =	stream.linear.scatter [tilespmem:s19], [sflag:$0x1], $0x2710, $0x38;
	[tilespmem:$0x17C00] =	vst v63  }
0xb8: {  	_ =	swait.ge [sflag:s16], $0x2710  }
0xb9: {  	[sflag:s16] =	ssyncset.done $0x0  }
0xba: {  	[sflag:s16] =	ssyncadd.s32 $0xFFFFD8F0  }
0xbb: {  	[hbm4b:s13+s3] =	stream.linear.scatter [tilespmem:s21], [sflag:$0x1], $0x2710, $0x38;
	[tilespmem:$0x17C00] =	vst v63  }
0xbc: {  	s26 =	sadd.s32 $0x1, s26;
	_ =	swait.ge [sflag:s16], $0x2710  }
0xbd: {  	p0 =	sne.s32 s26, s15;
	[sflag:s16] =	ssyncset.done $0x0  }
.Ltmp2:
0xbe: {  	[sflag:s16] =	ssyncadd.s32 $0xFFFFD8F0;
	(pc) =	sbr.rel @p0 .LBB2_1-.Ltmp2, $4  }
0xbf: {  	[hbm4b:s14+s3] =	stream.linear.scatter [tilespmem:s23], [sflag:$0x1], $0x2710, $0x38;
	[tilespmem:$0x17C00] =	vst v63  }
0xc0: {  	_ =	swait.ge [sflag:s16], $0x2710  }
0xc1: {  	[sflag:s16] =	ssyncset.done $0x0  }
0xc2: {  	[sflag:s16] =	ssyncadd.s32 $0xFFFFD8F0  }
0xc3: {  	_ =	sfence.sel $0x180000  }
0xc4: {  	[bflag:$0x0] =	sbarrier.arrive $0xFFFF  }
0xc5: {  	p0 =	sne.s32 s0, $0x0;
	_ =	strace $0x9000004A  }
0xc6: {  	s0 =	sadd.s32 @!p0 $0x100000, s1;
	[bflag:$0x2] =	sbarrier.arrive $0xFFFF  }
0xc7: {  	[sflag:s0] =	ssyncadd.tile.s32 @!p0 $0x1;
	_ =	shalt  }
.Lfunc_end2:
_tile_overlayer_lowered:
.L_overlay_start_2:
0xc8: {  	(tag) =	ssettag $0x2  }
0xc9: {  	s0 =	rddreg [dreg:$0x0];
	s2 =	stileid.u32  }
0xca: {  	s1 =	rddreg [dreg:$0x1];
	p0 =	sne.s32 s2, $0x0  }
0xcb: {  	s3 =	rddreg [dreg:$0x2];
	[bflag:$0x3] =	sbarrier.arrive $0xFFFF;
	s2 =	simm.s32 @!p0 $0x1C01  }
0xcc: {  	[timem:s3], [sflag:s2] =	dma.local @!p0 [hbm:s0], s1  }
0xcd: {  	s0 =	simm.s32 @!p0 $0x1  }
0xce: {  	_ =	swait.ge @!p0 [sflag:s0], s1  }
0xcf: {  	s1 =	ssub.s32 @!p0 $0x0, s1;
	[sflag:s0] =	ssyncset.done @!p0 $0x0  }
0xd0: {  	[sflag:s0] =	ssyncadd.s32 @!p0 s1  }
0xd1: {  	[bflag:$0x3] =	sbarrier.arrive $0xFFFF  }
0xd2: {  	_ =	shalt  }

// kernel: kernel.17.cloned.1.call-start
scs
__scs_entry_jumppad:
0x0: {  	(pc) =	sbr.rel $0x88, $3  }
0x1: {  	(tag) =	ssettag $0x0;
	lr =	simm.s32 $0x1  }
0x2: {  	[smem:$0x3F8E] =	sst lr;
	_ =	strace $0xD0000000  }
0x3: {  	_ = 	snop  }
0x4: {  	_ = 	snop  }
0x5: {  	_ = 	snop  }
0x6: {  	_ = 	snop  }
0x7: {  	_ = 	snop  }
__scs_overlays_trampoline_lowered:
0x8: {  	[smem:$0x3F9D] =	sst s0  }
0x9: {  	[smem:$0x3F9E] =	sst s1  }
0xa: {  	[smem:$0x3F9F] =	sst s2  }
0xb: {  	[smem:$0x3FA0] =	sst s3  }
0xc: {  	[smem:$0x3FA1] =	sst s4  }
0xd: {  	[smem:$0x3FA2] =	sst s5  }
0xe: {  	[smem:$0x3FA3] =	sst s6  }
0xf: {  	[smem:$0x3FA4] =	sst s7  }
0x10: {  	[smem:$0x3FA5] =	sst s8  }
0x11: {  	[smem:$0x3FA6] =	sst s9;
	s0 =	simm.s32 @!p0 $0x0  }
0x12: {  	s1 =	sld [smem:$0x3F8C];
	s0 =	simm.s32 @p0 $0x1  }
0x13: {  	[smem:$0x3FA7] =	sst s0;
	s0 =	simm.s32 @!p1 $0x0  }
0x14: {  	s2 =	sld [smem:$0x3F8B];
	s0 =	simm.s32 @p1 $0x1  }
0x15: {  	[smem:$0x3FA8] =	sst s0;
	s0 =	simm.s32 @!p2 $0x0  }
0x16: {  	s3 =	sld [smem:$0x3FDB];
	s0 =	simm.s32 @p2 $0x1  }
0x17: {  	s4 =	simm.s32 $0x1BF5;
	[smem:$0x3FAA] =	sst s0  }
0x18: {  	s0 =	sld [smem:$0x3F8D];
	_ =	swait.ge [sflag:s4], $0x0  }
0x19: {  	s7 =	sld [smem:$0x3F8E]  }
0x1a: {  	s8 =	sadd.s32 $0xFFFFE003, lr  }
0x1b: {  	s9 =	sadd.s32 $0xFFFFFEF7, lr;
	s5 =	simm.s32 $0xFFFFFFFF;
	p2 =	slt.u32 s8, $0xFFFFF086  }
0x1c: {  	p1 =	slt.u32 s9, $0xF7A;
	s5 =	simm.s32 @!p2 $0x0  }
0x1d: {  	s5 =	simm.s32 @p1 $0x1;
	p0 =	seq.s32 s7, s2  }
0x1e: {  	s7 =	smul.u32 @!p0 $0xF7A, s2;
	p2 =	seq.s32 @!p0 s5, $0x0  }
0x1f: {  	s9 =	smul.u32 $0xF7A, s1;
	s8 =	simm.s32 @!p0 $0x1BF5;
	p2 =	por !p2, p0  }
0x20: {  	[sflag:s8] =	ssyncset.s32 @!p0 $0xFFFFF086;
	s6 =	sadd.s32 @!p0 s3, s7;
	s7 =	simm.s32 @!p0 $0x108  }
0x21: {  	s3 =	sadd.s32 s3, s9;
	s6 =	sadd.s32 @!p0 $0x88, s6;
	s7 =	simm.s32 @p2 $0x1082  }
0x22: {  	[simem:s7], [sflag:s8] =	dma.local @!p0 [hbm:s6], $0xF7A  }
0x23: {  	s9 =	sor.u32 $0xD0000000, s2;
	s6 =	simm.s32 $0x108;
	_ =	swait.ge @!p0 [sflag:s8], $0x0  }
0x24: {  	s3 =	sadd.s32 $0x88, s3;
	s6 =	simm.s32 @!p1 $0x1082;
	[sflag:s4] =	ssyncset.s32 $0xFFFFF086  }
0x25: {  	[simem:s6], [sflag:s4] =	dma.local [hbm:s3], $0xF7A  }
0x26: {  	[smem:$0x3F8E] =	sst s1;
	(tag) =	ssettag s2;
	_ =	strace s9  }
0x27: {  	s1 =	sld [smem:$0x3F9E]  }
0x28: {  	s2 =	sld [smem:$0x3F9F]  }
0x29: {  	s4 =	sld [smem:$0x3FA1]  }
0x2a: {  	p0 =	seq.s32 s5, $0x0;
	s5 =	sld [smem:$0x3FA2]  }
0x2b: {  	s6 =	sld [smem:$0x3FA3]  }
0x2c: {  	s7 =	sld [smem:$0x3FA4]  }
0x2d: {  	s3 =	simm.s32 $0x108;
	s8 =	sld [smem:$0x3FA5]  }
0x2e: {  	s3 =	simm.s32 @!p0 $0x1082;
	s9 =	sld [smem:$0x3FA6]  }
0x2f: {  	lr =	sadd.s32 s0, s3;
	s0 =	sld [smem:$0x3F9D]  }
0x30: {  	s3 =	sld [smem:$0x3FA0]  }
0x31: {  	[smem:$0x3FA9] =	sst s10  }
0x32: {  	s10 =	sld [smem:$0x3FA7];
	_ =	sdelay $0x3  }
0x33: {  	p0 =	seq.s32 s10, $0x1;
	s10 =	sld [smem:$0x3FA9];
	_ =	sdelay $0x3  }
0x34: {  	[smem:$0x3FA9] =	sst s10  }
0x35: {  	s10 =	sld [smem:$0x3FA8];
	_ =	sdelay $0x3  }
0x36: {  	p1 =	seq.s32 s10, $0x1;
	s10 =	sld [smem:$0x3FA9];
	_ =	sdelay $0x3  }
0x37: {  	[smem:$0x3FA9] =	sst s10  }
0x38: {  	s10 =	sld [smem:$0x3FAA]  }
0x39: {  	_ = 	snop;
	(pc) =	sbr.ind lr, $3  }
0x3a: {  	_ = 	snop  }
0x3b: {  	_ = 	snop  }
0x3c: {  	p2 =	seq.s32 s10, $0x1;
	s10 =	sld [smem:$0x3FA9]  }
0x3d: {  	_ =	shalt  }
0x3e: {  	_ =	shalt  }
0x3f: {  	_ =	shalt  }
0x40: {  	_ =	shalt  }
0x41: {  	_ =	shalt  }
0x42: {  	_ =	shalt  }
0x43: {  	_ =	shalt  }
0x44: {  	_ =	shalt  }
0x45: {  	_ =	shalt  }
0x46: {  	_ =	shalt  }
0x47: {  	_ =	shalt  }
0x48: {  	_ =	shalt  }
0x49: {  	_ =	shalt  }
0x4a: {  	_ =	shalt  }
0x4b: {  	_ =	shalt  }
0x4c: {  	_ =	shalt  }
0x4d: {  	_ =	shalt  }
0x4e: {  	_ =	shalt  }
0x4f: {  	_ =	shalt  }
0x50: {  	_ =	shalt  }
0x51: {  	_ =	shalt  }
0x52: {  	_ =	shalt  }
0x53: {  	_ =	shalt  }
0x54: {  	_ =	shalt  }
0x55: {  	_ =	shalt  }
0x56: {  	_ =	shalt  }
0x57: {  	_ =	shalt  }
0x58: {  	_ =	shalt  }
0x59: {  	_ =	shalt  }
0x5a: {  	_ =	shalt  }
0x5b: {  	_ =	shalt  }
0x5c: {  	_ =	shalt  }
0x5d: {  	_ =	shalt  }
0x5e: {  	_ =	shalt  }
0x5f: {  	_ =	shalt  }
0x60: {  	_ =	shalt  }
0x61: {  	_ =	shalt  }
0x62: {  	_ =	shalt  }
0x63: {  	_ =	shalt  }
0x64: {  	_ =	shalt  }
0x65: {  	_ =	shalt  }
0x66: {  	_ =	shalt  }
0x67: {  	_ =	shalt  }
0x68: {  	_ =	shalt  }
0x69: {  	_ =	shalt  }
0x6a: {  	_ =	shalt  }
0x6b: {  	_ =	shalt  }
0x6c: {  	_ =	shalt  }
0x6d: {  	_ =	shalt  }
0x6e: {  	_ =	shalt  }
0x6f: {  	_ =	shalt  }
0x70: {  	_ =	shalt  }
0x71: {  	_ =	shalt  }
0x72: {  	_ =	shalt  }
0x73: {  	_ =	shalt  }
0x74: {  	_ =	shalt  }
0x75: {  	_ =	shalt  }
0x76: {  	_ =	shalt  }
0x77: {  	_ =	shalt  }
0x78: {  	_ =	shalt  }
0x79: {  	_ =	shalt  }
0x7a: {  	_ =	shalt  }
0x7b: {  	_ =	shalt  }
0x7c: {  	_ =	shalt  }
0x7d: {  	_ =	shalt  }
0x7e: {  	_ =	shalt  }
0x7f: {  	_ =	shalt  }
0x80: {  	_ =	shalt  }
0x81: {  	_ =	shalt  }
0x82: {  	_ =	shalt  }
0x83: {  	_ =	shalt  }
0x84: {  	_ =	shalt  }
0x85: {  	_ =	shalt  }
0x86: {  	_ =	shalt  }
0x87: {  	_ =	shalt  }
.Lfunc_end0:
.L_simem_size_0:
called_computation.2_lowered:
.L_overlay_start_0:
0x88: {  	s2 =	sld [smem:$0x3FD9]  }
0x89: {  	s3 =	sld [smem:$0x3FFE];
	_ =	sdelay $0x1  }
0x8a: {  	s1 =	srdreg.scid  }
0x8b: {  	s0 =	sand.u32 $0x1, s1  }
0x8c: {  	s17 =	sshll.u32 s0, $0xA;
	s2 =	sadd.s32 s3, s2  }
0x8d: {  	s2 =	sadd.s32 s2, s17  }
0x8e: {  	[smem:$0x3FB5] =	sst s2  }
0x8f: {  	_ = 	snop  }
0x90: {  	s2 =	sld [smem:$0x3FD0];
	(tm) =	ssettm $0x1  }
0x91: {  	s18 =	sld [smem:$0x3FFB];
	_ =	sdelay $0x3  }
0x92: {  	_ =	strace s18  }
0x93: {  	s3 =	sld [smem:$0x3FFC];
	_ =	sdelay $0x3  }
0x94: {  	_ =	strace s3  }
0x95: {  	s3 =	sld [smem:$0x3FFD];
	_ =	sdelay $0x3  }
0x96: {  	_ =	strace s3  }
0x97: {  	_ =	strace $0x8FFFFFFF  }
0x98: {  	s19 =	sld [smem:$0x3FDB];
	_ =	sdelay $0x1  }
0x99: {  	s4 =	simm.s32 $_scs_section_size  }
0x9a: {  	s5 =	simm.s32 $_size__tile_overlayer_lowered;
	s6 =	simm.s32 $_tile_overlayer_lowered  }
0x9b: {  	s22 =	simm.s32 $0x1BFF;
	s21 =	sshll.u32 s6, $0x1;
	s3 =	sadd.s32 s4, s19  }
0x9c: {  	s7 =	simm.s32 $0x0;
	s20 =	sshll.u32 s5, $0x1;
	s5 =	sadd.s32 s21, s3  }
0x9d: {  	[timem:s7], [sflag:s22] =	dma.local [hbm:s5], s20  }
0x9e: {  	_ =	swait.ge [sflag:s22], s20  }
0x9f: {  	s4 =	ssub.s32 $0x0, s20;
	[sflag:s22] =	ssyncset.done $0x0  }
0xa0: {  	[sflag:s22] =	ssyncadd.s32 s4;
	_ =	sdelay $0x1  }
0xa1: {  	s23 =	simm.s32 $0x1B8B  }
0xa2: {  	_ =	swait.ge [sflag:s23], $0x1  }
0xa3: {  	[sflag:s23] =	ssyncset.done $0x0  }
0xa4: {  	s25 =	simm.s32 $0x1B8E;
	s24 =	sld [smem:$0x3FFE];
	[sflag:s23] =	ssyncadd.s32 $0xFFFFFFFF  }
0xa5: {  	s26 =	simm.s32 $execute0_lowered;
	[smem:$0x3FD2] =	sst s25  }
0xa6: {  	s5 =	sshll.u32 s26, $0x1;
	_ =	strace $0x8000004C;
	[dreg:$0x1] =	wrdreg $0xFFFFFFFF  }
0xa7: {  	s28 =	simm.s32 $_size_execute0_lowered;
	s3 =	sadd.s32 s3, s5;
	[dreg:$0x0] =	wrdreg $0x0  }
0xa8: {  	s5 =	sshll.u32 s28, $0x1;
	[dreg:$0x2] =	wrdreg s3  }
0xa9: {  	[dreg:$0x3] =	wrdreg s5  }
0xaa: {  	[dreg:$0x4] =	wrdreg $0xC0  }
0xab: {  	_ =	task [dreg:s7], $0x5FFFF  }
0xac: {  	[dreg:$0x1] =	wrdreg $0xFFFFFFFF  }
0xad: {  	[dreg:$0x0] =	wrdreg $0x60  }
0xae: {  	[dreg:$0x2] =	wrdreg s24  }
0xaf: {  	[dreg:$0x3] =	wrdreg s2  }
0xb0: {  	[dreg:$0x4] =	wrdreg $0x9  }
0xb1: {  	_ =	task.clear_ibuf [dreg:s7], $0x5FFFF;
	_ =	strace $0x9000004C  }
0xb2: {  	s29 =	simm.s32 $0x9;
	_ =	strace $0x8000004E  }
0xb3: {  	_ =	swait.ge [sflag:s29], $0x1  }
0xb4: {  	[sflag:s29] =	ssyncadd.s32 $0xFFFFFFFF  }
0xb5: {  	_ =	strace $0x9000004E  }
0xb6: {  	_ =	sfence  }
0xb7: {  	s30 =	sld [smem:$0x0];
	_ =	sdelay $0x2  }
0xb8: {  	s31 =	sshll.u32 s1, $0xD;
	s1 =	sshrl.u32 s1, $0x2  }
0xb9: {  	s3 =	sand.u32 $0x4000, s31;
	s1 =	sadd.s32 s1, s30  }
0xba: {  	s0 =	sor.u32 s3, s0;
	s1 =	sshll.u32 s1, $0x11  }
0xbb: {  	s0 =	sor.u32 s1, s0  }
0xbc: {  	s0 =	sadd.s32 $0x8F2B, s0  }
0xbd: {  	[sflag:s0] =	ssyncadd.remote.s32 $0x1  }
0xbe: {  	_ =	sfence.sel $0xFFFF  }
0xbf: {  	[dreg:$0x0] =	wrdreg $0xFFFFFFFF;
	(pc) =	sbr.abs _section_cstart, $3  }
0xc0: {  	[dreg:$0x1] =	wrdreg $0xFFFFFFFF  }
0xc1: {  	_ =	task.clear_ibuf [dreg:s7], $0x2FFFF;
	_ =	strace $0x9FFFFFFF  }
0xc2: {  	(tm) =	ssettm $0x7FFFFFFF  }
0xc3: {  	_ =	shalt  }
tec
execute0_lowered:
.L_overlay_start_1:
0x0: {  	(tag) =	ssettag $0x1  }
0x1: {  	s1 =	srdreg.scid  }
0x2: {  	s0 =	stileid.u32;
	s6 =	rddreg [dreg:$0x0]  }
0x3: {  	s2 =	rddreg [dreg:$0x1];
	s3 =	simm.s32 $0x0;
	s16 =	simm.s32 $0x1  }
0x4: {  	s17 =	simm.s32 $0x9E00;
	s18 =	simm.s32 $0x2780;
	s19 =	simm.s32 $0xC580  }
0x5: {  	s20 =	simm.s32 $0x4F00;
	s21 =	simm.s32 $0xED00;
	s22 =	simm.s32 $0x7680  }
0x6: {  	s23 =	simm.s32 $0x11480;
	s24 =	simm.s32 $0x13C00;
	s25 =	simm.s32 $0x15C00  }
0x7: {  	s26 =	simm.s32 $0x0;
	s5 =	sand.u32 $0x1, s1;
	s1 =	rddreg [dreg:$0x2]  }
0x8: {  	s29 =	sshll.u32 s0, $0x1;
	[smem:$0x7FF] =	sst s3;
	s31 =	sshrl.u32 s0, $0x2  }
0x9: {  	s4 =	sor.u32 s5, s29;
	_ =	strace $0x8000004D;
	s30 =	ssub.s32 $0x2, s5  }
0xa: {  	s5 =	sadd.s32 $0x3A00, s6;
	s7 =	sand.u32 $0x7, s4;
	s8 =	smul.u32 $0x9C40, s4  }
0xb: {  	s4 =	sadd.s32 $0x17800, s6;
	s10 =	sshrl.u32 s30, $0x1;
	s7 =	smul.u32 $0x9C40, s7  }
0xc: {  	s15 =	ssub.s32 s30, s10;
	s10 =	smul.u32 $0x14000, s31;
	s8 =	sshrl.u32 s8, $0x3  }
0xd: {  	s15 =	smax.u32 s15, $0x1;
	s7 =	sshrl.u32 s7, $0x3;
	s14 =	sadd.s32 s8, s6  }
0xe: {  	s9 =	sadd.s32 s7, s6;
	s11 =	sadd.s32 $0x21800, s14;
	s12 =	sadd.s32 $0x21CE2, s14  }
0xf: {  	s13 =	sadd.s32 $0x221C4, s14;
	s14 =	sadd.s32 $0x226A6, s14;
	s6 =	sadd.s32 $0xDA00, s9  }
0x10: {  	s7 =	sadd.s32 $0xDEE2, s9;
	s8 =	sadd.s32 $0xE3C4, s9;
	s9 =	sadd.s32 $0xE8A6, s9  }
.LBB2_1:
0x11: {  	[tilespmem:s3], [sflag:$0x1] =	stream.linear.gather [hbm4b:s6+s3], $0x2710, $0x38;
	[tilespmem:$0x17C00] =	vst v63  }
0x12: {  	_ =	swait.ge [sflag:s16], $0x2710  }
0x13: {  	[sflag:s16] =	ssyncset.done $0x0  }
0x14: {  	[sflag:s16] =	ssyncadd.s32 $0xFFFFD8F0  }
0x15: {  	[tilespmem:s17], [sflag:$0x1] =	stream.linear.gather [hbm4b:s2+s3], $0x2780, $0x38;
	[tilespmem:$0x17C00] =	vst v63  }
0x16: {  	_ =	swait.ge [sflag:s16], $0x2780  }
0x17: {  	[sflag:s16] =	ssyncset.done $0x0  }
0x18: {  	[sflag:s16] =	ssyncadd.s32 $0xFFFFD880  }
0x19: {  	[tilespmem:s18], [sflag:$0x1] =	stream.linear.gather [hbm4b:s7+s3], $0x2710, $0x38;
	[tilespmem:$0x17C00] =	vst v63  }
0x1a: {  	_ =	swait.ge [sflag:s16], $0x2710  }
0x1b: {  	[sflag:s16] =	ssyncset.done $0x0  }
0x1c: {  	[sflag:s16] =	ssyncadd.s32 $0xFFFFD8F0  }
0x1d: {  	[tilespmem:s19], [sflag:$0x1] =	stream.linear.gather [hbm4b:s2+s3], $0x2780, $0x38;
	[tilespmem:$0x17C00] =	vst v63  }
0x1e: {  	_ =	swait.ge [sflag:s16], $0x2780  }
0x1f: {  	[sflag:s16] =	ssyncset.done $0x0  }
0x20: {  	[sflag:s16] =	ssyncadd.s32 $0xFFFFD880  }
0x21: {  	[tilespmem:s20], [sflag:$0x1] =	stream.linear.gather [hbm4b:s8+s3], $0x2710, $0x38;
	[tilespmem:$0x17C00] =	vst v63  }
0x22: {  	_ =	swait.ge [sflag:s16], $0x2710  }
0x23: {  	[sflag:s16] =	ssyncset.done $0x0  }
0x24: {  	[sflag:s16] =	ssyncadd.s32 $0xFFFFD8F0  }
0x25: {  	[tilespmem:s21], [sflag:$0x1] =	stream.linear.gather [hbm4b:s2+s3], $0x2780, $0x38;
	[tilespmem:$0x17C00] =	vst v63  }
0x26: {  	_ =	swait.ge [sflag:s16], $0x2780  }
0x27: {  	[sflag:s16] =	ssyncset.done $0x0  }
0x28: {  	[sflag:s16] =	ssyncadd.s32 $0xFFFFD880  }
0x29: {  	[tilespmem:s22], [sflag:$0x1] =	stream.linear.gather [hbm4b:s9+s3], $0x2710, $0x38;
	[tilespmem:$0x17C00] =	vst v63  }
0x2a: {  	_ =	swait.ge [sflag:s16], $0x2710  }
0x2b: {  	[sflag:s16] =	ssyncset.done $0x0  }
0x2c: {  	[sflag:s16] =	ssyncadd.s32 $0xFFFFD8F0  }
0x2d: {  	[tilespmem:s23], [sflag:$0x1] =	stream.linear.gather [hbm4b:s2+s3], $0x2780, $0x38;
	[tilespmem:$0x17C00] =	vst v63  }
0x2e: {  	_ =	swait.ge [sflag:s16], $0x2780  }
0x2f: {  	v1 =	vimm.f32 $0.0e+00;
	v0 =	vimm.s32 $0x0;
	[sflag:s16] =	ssyncset.done $0x0  }
0x30: {  	v2 =	vimm.f32 $0.0e+00;
	v3 =	vimm.f32 $0.0e+00;
	v4 =	vimm.f32 $0.0e+00;
	s28 =	simm.s32 $0x0;
	[sflag:s16] =	ssyncadd.s32 $0xFFFFD880  }
.LBB2_2:
0x31: {  	s29 =	sshll.u32 s28, $0xD  }
0x32: {  	s29 =	sadd.s32 s10, s29  }
0x33: {  	s29 =	sshrl.u32 s29, $0x3  }
0x34: {  	s30 =	sadd.s32 s4, s29  }
0x35: {  	[tilespmem:s24], [sflag:$0x1] =	stream.linear.gather [hbm4b:s30+s3], $0x2000, $0x38;
	[tilespmem:$0x17C00] =	vst v63  }
0x36: {  	_ =	swait.ge [sflag:s16], $0x2000  }
0x37: {  	[sflag:s16] =	ssyncset.done $0x0  }
0x38: {  	s29 =	sadd.s32 s5, s29;
	[sflag:s16] =	ssyncadd.s32 $0xFFFFE000  }
0x39: {  	[tilespmem:s25], [sflag:$0x1] =	stream.linear.gather [hbm4b:s29+s3], $0x2000, $0x38;
	[tilespmem:$0x17C00] =	vst v63  }
0x3a: {  	_ =	swait.ge [sflag:s16], $0x2000  }
0x3b: {  	s31 =	simm.s32 $0x15C40;
	[sflag:s16] =	ssyncset.done $0x0  }
0x3c: {  	s30 =	simm.s32 $0x13C40;
	s29 =	simm.s32 $0xFFFFFFF8;
	[sflag:s16] =	ssyncadd.s32 $0xFFFFE000  }
.LBB2_3:
0x3d: {  	_ =	sdelay $0x2  }
0x3e: {  	[tilespmem:v0+s17+$0x0] =	vst.idx.add.f32.msk $0xffff, v4  }
0x3f: {  	[tilespmem:v0+s19+$0x0] =	vst.idx.add.f32.msk $0xffff, v3  }
0x40: {  	[tilespmem:v0+s21+$0x0] =	vst.idx.add.f32.msk $0xffff, v2  }
0x41: {  	[tilespmem:v0+s23+$0x0] =	vst.idx.add.f32.msk $0xffff, v1  }
0x42: {  	v0 =	vld [tilespmem:s30+$0xFFFFFFC0];
	_ =	sdelay $0x4  }
0x43: {  	vm0 =	vgt.s32 v0, $0x0  }
0x44: {  	v1 =	vld [tilespmem:s31+$0xFFFFFFC0];
	v2 =	vnsel vm0, $0x0, v0;
	_ =	sdelay $0x4  }
0x45: {  	vm6 =	vgt.s32 v1, $0x0;
	v3 =	vld.idx.msk [tilespmem:v2+s3+$0x0], $0xffff  }
0x46: {  	v1 =	vnsel vm6, $0x0, v1;
	v4 =	vld.idx.msk [tilespmem:v2+s18+$0x0], $0xffff  }
0x47: {  	v5 =	vld.idx.msk [tilespmem:v2+s20+$0x0], $0xffff  }
0x48: {  	v2 =	vld.idx.msk [tilespmem:v2+s22+$0x0], $0xffff  }
0x49: {  	vm7 =	vgt.s32 v0, $0xFFFFFFFF  }
0x4a: {  	v0 =	vnsel vm7, $0x0, v3  }
0x4b: {  	v3 =	vnsel vm7, $0x0, v4;
	[tilespmem:v1+s17+$0x0] =	vst.idx.add.f32.msk $0xffff, v0  }
0x4c: {  	v0 =	vnsel vm7, $0x0, v5;
	[tilespmem:v1+s19+$0x0] =	vst.idx.add.f32.msk $0xffff, v3  }
0x4d: {  	v2 =	vnsel vm7, $0x0, v2;
	[tilespmem:v1+s21+$0x0] =	vst.idx.add.f32.msk $0xffff, v0  }
0x4e: {  	[tilespmem:v1+s23+$0x0] =	vst.idx.add.f32.msk $0xffff, v2  }
0x4f: {  	v0 =	vld [tilespmem:s30+$0xFFFFFFD0];
	_ =	sdelay $0x4  }
0x50: {  	vm8 =	vgt.s32 v0, $0x0  }
0x51: {  	v1 =	vld [tilespmem:s31+$0xFFFFFFD0];
	v2 =	vnsel vm8, $0x0, v0;
	_ =	sdelay $0x4  }
0x52: {  	vm9 =	vgt.s32 v1, $0x0;
	v3 =	vld.idx.msk [tilespmem:v2+s3+$0x0], $0xffff  }
0x53: {  	v1 =	vnsel vm9, $0x0, v1;
	v4 =	vld.idx.msk [tilespmem:v2+s18+$0x0], $0xffff  }
0x54: {  	v5 =	vld.idx.msk [tilespmem:v2+s20+$0x0], $0xffff  }
0x55: {  	v2 =	vld.idx.msk [tilespmem:v2+s22+$0x0], $0xffff  }
0x56: {  	vm10 =	vgt.s32 v0, $0xFFFFFFFF  }
0x57: {  	v0 =	vnsel vm10, $0x0, v3  }
0x58: {  	v3 =	vnsel vm10, $0x0, v4;
	[tilespmem:v1+s17+$0x0] =	vst.idx.add.f32.msk $0xffff, v0  }
0x59: {  	v0 =	vnsel vm10, $0x0, v5;
	[tilespmem:v1+s19+$0x0] =	vst.idx.add.f32.msk $0xffff, v3  }
0x5a: {  	v2 =	vnsel vm10, $0x0, v2;
	[tilespmem:v1+s21+$0x0] =	vst.idx.add.f32.msk $0xffff, v0  }
0x5b: {  	[tilespmem:v1+s23+$0x0] =	vst.idx.add.f32.msk $0xffff, v2  }
0x5c: {  	v0 =	vld [tilespmem:s30+$0xFFFFFFE0];
	_ =	sdelay $0x4  }
0x5d: {  	vm11 =	vgt.s32 v0, $0x0  }
0x5e: {  	v1 =	vld [tilespmem:s31+$0xFFFFFFE0];
	v2 =	vnsel vm11, $0x0, v0;
	_ =	sdelay $0x4  }
0x5f: {  	vm12 =	vgt.s32 v1, $0x0;
	v3 =	vld.idx.msk [tilespmem:v2+s3+$0x0], $0xffff  }
0x60: {  	v1 =	vnsel vm12, $0x0, v1;
	v4 =	vld.idx.msk [tilespmem:v2+s18+$0x0], $0xffff  }
0x61: {  	v5 =	vld.idx.msk [tilespmem:v2+s20+$0x0], $0xffff  }
0x62: {  	v2 =	vld.idx.msk [tilespmem:v2+s22+$0x0], $0xffff  }
0x63: {  	vm13 =	vgt.s32 v0, $0xFFFFFFFF  }
0x64: {  	v0 =	vnsel vm13, $0x0, v3  }
0x65: {  	v3 =	vnsel vm13, $0x0, v4;
	[tilespmem:v1+s17+$0x0] =	vst.idx.add.f32.msk $0xffff, v0  }
0x66: {  	v0 =	vnsel vm13, $0x0, v5;
	[tilespmem:v1+s19+$0x0] =	vst.idx.add.f32.msk $0xffff, v3  }
0x67: {  	v2 =	vnsel vm13, $0x0, v2;
	[tilespmem:v1+s21+$0x0] =	vst.idx.add.f32.msk $0xffff, v0  }
0x68: {  	[tilespmem:v1+s23+$0x0] =	vst.idx.add.f32.msk $0xffff, v2  }
0x69: {  	v0 =	vld [tilespmem:s30+$0xFFFFFFF0];
	_ =	sdelay $0x4  }
0x6a: {  	vm14 =	vgt.s32 v0, $0x0  }
0x6b: {  	v1 =	vld [tilespmem:s31+$0xFFFFFFF0];
	v2 =	vnsel vm14, $0x0, v0;
	_ =	sdelay $0x4  }
0x6c: {  	vm15 =	vgt.s32 v1, $0x0;
	v3 =	vld.idx.msk [tilespmem:v2+s3+$0x0], $0xffff  }
0x6d: {  	v1 =	vnsel vm15, $0x0, v1;
	v4 =	vld.idx.msk [tilespmem:v2+s18+$0x0], $0xffff  }
0x6e: {  	v5 =	vld.idx.msk [tilespmem:v2+s20+$0x0], $0xffff  }
0x6f: {  	v2 =	vld.idx.msk [tilespmem:v2+s22+$0x0], $0xffff  }
0x70: {  	vm4 =	vgt.s32 v0, $0xFFFFFFFF  }
0x71: {  	v0 =	vnsel vm4, $0x0, v3  }
0x72: {  	v3 =	vnsel vm4, $0x0, v4;
	[tilespmem:v1+s17+$0x0] =	vst.idx.add.f32.msk $0xffff, v0  }
0x73: {  	v0 =	vnsel vm4, $0x0, v5;
	[tilespmem:v1+s19+$0x0] =	vst.idx.add.f32.msk $0xffff, v3  }
0x74: {  	v2 =	vnsel vm4, $0x0, v2;
	[tilespmem:v1+s21+$0x0] =	vst.idx.add.f32.msk $0xffff, v0  }
0x75: {  	[tilespmem:v1+s23+$0x0] =	vst.idx.add.f32.msk $0xffff, v2  }
0x76: {  	v0 =	vld [tilespmem:s30+$0x0];
	_ =	sdelay $0x4  }
0x77: {  	vm5 =	vgt.s32 v0, $0x0  }
0x78: {  	v1 =	vld [tilespmem:s31+$0x0];
	v2 =	vnsel vm5, $0x0, v0;
	_ =	sdelay $0x4  }
0x79: {  	vm6 =	vgt.s32 v1, $0x0;
	v3 =	vld.idx.msk [tilespmem:v2+s3+$0x0], $0xffff  }
0x7a: {  	v1 =	vnsel vm6, $0x0, v1;
	v4 =	vld.idx.msk [tilespmem:v2+s18+$0x0], $0xffff  }
0x7b: {  	v5 =	vld.idx.msk [tilespmem:v2+s20+$0x0], $0xffff  }
0x7c: {  	v2 =	vld.idx.msk [tilespmem:v2+s22+$0x0], $0xffff  }
0x7d: {  	vm7 =	vgt.s32 v0, $0xFFFFFFFF  }
0x7e: {  	v0 =	vnsel vm7, $0x0, v3  }
0x7f: {  	v3 =	vnsel vm7, $0x0, v4;
	[tilespmem:v1+s17+$0x0] =	vst.idx.add.f32.msk $0xffff, v0  }
0x80: {  	v0 =	vnsel vm7, $0x0, v5;
	[tilespmem:v1+s19+$0x0] =	vst.idx.add.f32.msk $0xffff, v3  }
0x81: {  	v2 =	vnsel vm7, $0x0, v2;
	[tilespmem:v1+s21+$0x0] =	vst.idx.add.f32.msk $0xffff, v0  }
0x82: {  	[tilespmem:v1+s23+$0x0] =	vst.idx.add.f32.msk $0xffff, v2  }
0x83: {  	v0 =	vld [tilespmem:s30+$0x10];
	_ =	sdelay $0x4  }
0x84: {  	vm8 =	vgt.s32 v0, $0x0  }
0x85: {  	v1 =	vld [tilespmem:s31+$0x10];
	v2 =	vnsel vm8, $0x0, v0;
	_ =	sdelay $0x4  }
0x86: {  	vm9 =	vgt.s32 v1, $0x0;
	v3 =	vld.idx.msk [tilespmem:v2+s3+$0x0], $0xffff  }
0x87: {  	v1 =	vnsel vm9, $0x0, v1;
	v4 =	vld.idx.msk [tilespmem:v2+s18+$0x0], $0xffff  }
0x88: {  	v5 =	vld.idx.msk [tilespmem:v2+s20+$0x0], $0xffff  }
0x89: {  	v2 =	vld.idx.msk [tilespmem:v2+s22+$0x0], $0xffff  }
0x8a: {  	vm10 =	vgt.s32 v0, $0xFFFFFFFF  }
0x8b: {  	v0 =	vnsel vm10, $0x0, v3  }
0x8c: {  	v3 =	vnsel vm10, $0x0, v4;
	[tilespmem:v1+s17+$0x0] =	vst.idx.add.f32.msk $0xffff, v0  }
0x8d: {  	v0 =	vnsel vm10, $0x0, v5;
	[tilespmem:v1+s19+$0x0] =	vst.idx.add.f32.msk $0xffff, v3  }
0x8e: {  	v2 =	vnsel vm10, $0x0, v2;
	[tilespmem:v1+s21+$0x0] =	vst.idx.add.f32.msk $0xffff, v0  }
0x8f: {  	[tilespmem:v1+s23+$0x0] =	vst.idx.add.f32.msk $0xffff, v2  }
0x90: {  	v0 =	vld [tilespmem:s30+$0x20];
	_ =	sdelay $0x4  }
0x91: {  	vm11 =	vgt.s32 v0, $0x0  }
0x92: {  	v1 =	vld [tilespmem:s31+$0x20];
	v2 =	vnsel vm11, $0x0, v0;
	_ =	sdelay $0x4  }
0x93: {  	vm12 =	vgt.s32 v1, $0x0;
	v3 =	vld.idx.msk [tilespmem:v2+s3+$0x0], $0xffff  }
0x94: {  	v1 =	vnsel vm12, $0x0, v1;
	v4 =	vld.idx.msk [tilespmem:v2+s18+$0x0], $0xffff  }
0x95: {  	v5 =	vld.idx.msk [tilespmem:v2+s20+$0x0], $0xffff  }
0x96: {  	v2 =	vld.idx.msk [tilespmem:v2+s22+$0x0], $0xffff  }
0x97: {  	vm13 =	vgt.s32 v0, $0xFFFFFFFF  }
0x98: {  	v0 =	vnsel vm13, $0x0, v3  }
0x99: {  	v3 =	vnsel vm13, $0x0, v4;
	[tilespmem:v1+s17+$0x0] =	vst.idx.add.f32.msk $0xffff, v0  }
0x9a: {  	v0 =	vnsel vm13, $0x0, v5;
	[tilespmem:v1+s19+$0x0] =	vst.idx.add.f32.msk $0xffff, v3  }
0x9b: {  	v2 =	vnsel vm13, $0x0, v2;
	[tilespmem:v1+s21+$0x0] =	vst.idx.add.f32.msk $0xffff, v0  }
0x9c: {  	[tilespmem:v1+s23+$0x0] =	vst.idx.add.f32.msk $0xffff, v2  }
0x9d: {  	v0 =	vld [tilespmem:s30+$0x30];
	_ =	sdelay $0x4  }
0x9e: {  	vm14 =	vgt.s32 v0, $0x0  }
0x9f: {  	v1 =	vnsel vm14, $0x0, v0;
	_ =	sdelay $0x3  }
0xa0: {  	v2 =	vld [tilespmem:s31+$0x30]  }
0xa1: {  	v3 =	vld.idx.msk [tilespmem:v1+s3+$0x0], $0xffff  }
0xa2: {  	v5 =	vld.idx.msk [tilespmem:v1+s18+$0x0], $0xffff  }
0xa3: {  	s29 =	sadd.s32 $0x8, s29;
	v6 =	vld.idx.msk [tilespmem:v1+s20+$0x0], $0xffff  }
0xa4: {  	p0 =	slt.u32 s29, $0x1F8;
	v1 =	vld.idx.msk [tilespmem:v1+s22+$0x0], $0xffff  }
.Ltmp0:
0xa5: {  	_ = 	snop;
	(pc) =	sbr.rel @p0 .LBB2_3-.Ltmp0, $4  }
0xa6: {  	_ = 	snop  }
0xa7: {  	vm15 =	vgt.s32 v0, $0xFFFFFFFF;
	vm1 =	vgt.s32 v2, $0x0  }
0xa8: {  	v0 =	vnsel vm1, $0x0, v2;
	v4 =	vnsel vm15, $0x0, v3  }
0xa9: {  	s30 =	sadd.s32 $0x80, s30;
	s31 =	sadd.s32 $0x80, s31;
	v3 =	vnsel vm15, $0x0, v5;
	v2 =	vnsel vm15, $0x0, v6;
	v1 =	vnsel vm15, $0x0, v1  }
0xaa: {  	s28 =	sadd.s32 $0x1, s28  }
0xab: {  	p0 =	sne.s32 s28, $0xA  }
.Ltmp1:
0xac: {  	_ = 	snop;
	(pc) =	sbr.rel @p0 .LBB2_2-.Ltmp1, $1  }
0xad: {  	_ =	sdelay $0x3  }
0xae: {  	_ =	sdelay $0x3  }
0xaf: {  	[tilespmem:v0+s17+$0x0] =	vst.idx.add.f32.msk $0xffff, v4  }
0xb0: {  	[tilespmem:v0+s19+$0x0] =	vst.idx.add.f32.msk $0xffff, v3  }
0xb1: {  	[tilespmem:v0+s21+$0x0] =	vst.idx.add.f32.msk $0xffff, v2  }
0xb2: {  	[tilespmem:v0+s23+$0x0] =	vst.idx.add.f32.msk $0xffff, v1  }
0xb3: {  	[hbm4b:s11+s3] =	stream.linear.scatter [tilespmem:s17], [sflag:$0x1], $0x2710, $0x38;
	[tilespmem:$0x17C00] =	vst v63  }
0xb4: {  	_ =	swait.ge [sflag:s16], $0x2710  }
0xb5: {  	[sflag:s16] =	ssyncset.done $0x0  }
0xb6: {  	[sflag:s16] =	ssyncadd.s32 $0xFFFFD8F0  }
0xb7: {  	[hbm4b:s12+s3] =	stream.linear.scatter [tilespmem:s19], [sflag:$0x1], $0x2710, $0x38;
	[tilespmem:$0x17C00] =	vst v63  }
0xb8: {  	_ =	swait.ge [sflag:s16], $0x2710  }
0xb9: {  	[sflag:s16] =	ssyncset.done $0x0  }
0xba: {  	[sflag:s16] =	ssyncadd.s32 $0xFFFFD8F0  }
0xbb: {  	[hbm4b:s13+s3] =	stream.linear.scatter [tilespmem:s21], [sflag:$0x1], $0x2710, $0x38;
	[tilespmem:$0x17C00] =	vst v63  }
0xbc: {  	s26 =	sadd.s32 $0x1, s26;
	_ =	swait.ge [sflag:s16], $0x2710  }
0xbd: {  	p0 =	sne.s32 s26, s15;
	[sflag:s16] =	ssyncset.done $0x0  }
.Ltmp2:
0xbe: {  	[sflag:s16] =	ssyncadd.s32 $0xFFFFD8F0;
	(pc) =	sbr.rel @p0 .LBB2_1-.Ltmp2, $4  }
0xbf: {  	[hbm4b:s14+s3] =	stream.linear.scatter [tilespmem:s23], [sflag:$0x1], $0x2710, $0x38;
	[tilespmem:$0x17C00] =	vst v63  }
0xc0: {  	_ =	swait.ge [sflag:s16], $0x2710  }
0xc1: {  	[sflag:s16] =	ssyncset.done $0x0  }
0xc2: {  	[sflag:s16] =	ssyncadd.s32 $0xFFFFD8F0  }
0xc3: {  	_ =	sfence.sel $0x180000  }
0xc4: {  	[bflag:$0x0] =	sbarrier.arrive $0xFFFF  }
0xc5: {  	p0 =	sne.s32 s0, $0x0;
	_ =	strace $0x9000004D  }
0xc6: {  	s0 =	sadd.s32 @!p0 $0x100000, s1;
	[bflag:$0x2] =	sbarrier.arrive $0xFFFF  }
0xc7: {  	[sflag:s0] =	ssyncadd.tile.s32 @!p0 $0x1;
	_ =	shalt  }
.Lfunc_end2:
_tile_overlayer_lowered:
.L_overlay_start_2:
0xc8: {  	(tag) =	ssettag $0x2  }
0xc9: {  	s0 =	rddreg [dreg:$0x0];
	s2 =	stileid.u32  }
0xca: {  	s1 =	rddreg [dreg:$0x1];
	p0 =	sne.s32 s2, $0x0  }
0xcb: {  	s3 =	rddreg [dreg:$0x2];
	[bflag:$0x3] =	sbarrier.arrive $0xFFFF;
	s2 =	simm.s32 @!p0 $0x1C01  }
0xcc: {  	[timem:s3], [sflag:s2] =	dma.local @!p0 [hbm:s0], s1  }
0xcd: {  	s0 =	simm.s32 @!p0 $0x1  }
0xce: {  	_ =	swait.ge @!p0 [sflag:s0], s1  }
0xcf: {  	s1 =	ssub.s32 @!p0 $0x0, s1;
	[sflag:s0] =	ssyncset.done @!p0 $0x0  }
0xd0: {  	[sflag:s0] =	ssyncadd.s32 @!p0 s1  }
0xd1: {  	[bflag:$0x3] =	sbarrier.arrive $0xFFFF  }
0xd2: {  	_ =	shalt  }

// kernel: kernel.20.cloned.1.call-start
scs
__scs_entry_jumppad:
0x0: {  	(pc) =	sbr.rel $0x88, $3  }
0x1: {  	(tag) =	ssettag $0x0;
	lr =	simm.s32 $0x1  }
0x2: {  	[smem:$0x3F8E] =	sst lr;
	_ =	strace $0xD0000000  }
0x3: {  	_ = 	snop  }
0x4: {  	_ = 	snop  }
0x5: {  	_ = 	snop  }
0x6: {  	_ = 	snop  }
0x7: {  	_ = 	snop  }
__scs_overlays_trampoline_lowered:
0x8: {  	[smem:$0x3F9D] =	sst s0  }
0x9: {  	[smem:$0x3F9E] =	sst s1  }
0xa: {  	[smem:$0x3F9F] =	sst s2  }
0xb: {  	[smem:$0x3FA0] =	sst s3  }
0xc: {  	[smem:$0x3FA1] =	sst s4  }
0xd: {  	[smem:$0x3FA2] =	sst s5  }
0xe: {  	[smem:$0x3FA3] =	sst s6  }
0xf: {  	[smem:$0x3FA4] =	sst s7  }
0x10: {  	[smem:$0x3FA5] =	sst s8  }
0x11: {  	[smem:$0x3FA6] =	sst s9;
	s0 =	simm.s32 @!p0 $0x0  }
0x12: {  	s1 =	sld [smem:$0x3F8C];
	s0 =	simm.s32 @p0 $0x1  }
0x13: {  	[smem:$0x3FA7] =	sst s0;
	s0 =	simm.s32 @!p1 $0x0  }
0x14: {  	s2 =	sld [smem:$0x3F8B];
	s0 =	simm.s32 @p1 $0x1  }
0x15: {  	[smem:$0x3FA8] =	sst s0;
	s0 =	simm.s32 @!p2 $0x0  }
0x16: {  	s3 =	sld [smem:$0x3FDB];
	s0 =	simm.s32 @p2 $0x1  }
0x17: {  	s4 =	simm.s32 $0x1BF5;
	[smem:$0x3FAA] =	sst s0  }
0x18: {  	s0 =	sld [smem:$0x3F8D];
	_ =	swait.ge [sflag:s4], $0x0  }
0x19: {  	s7 =	sld [smem:$0x3F8E]  }
0x1a: {  	s8 =	sadd.s32 $0xFFFFE003, lr  }
0x1b: {  	s9 =	sadd.s32 $0xFFFFFEF7, lr;
	s5 =	simm.s32 $0xFFFFFFFF;
	p2 =	slt.u32 s8, $0xFFFFF086  }
0x1c: {  	p1 =	slt.u32 s9, $0xF7A;
	s5 =	simm.s32 @!p2 $0x0  }
0x1d: {  	s5 =	simm.s32 @p1 $0x1;
	p0 =	seq.s32 s7, s2  }
0x1e: {  	s7 =	smul.u32 @!p0 $0xF7A, s2;
	p2 =	seq.s32 @!p0 s5, $0x0  }
0x1f: {  	s9 =	smul.u32 $0xF7A, s1;
	s8 =	simm.s32 @!p0 $0x1BF5;
	p2 =	por !p2, p0  }
0x20: {  	[sflag:s8] =	ssyncset.s32 @!p0 $0xFFFFF086;
	s6 =	sadd.s32 @!p0 s3, s7;
	s7 =	simm.s32 @!p0 $0x108  }
0x21: {  	s3 =	sadd.s32 s3, s9;
	s6 =	sadd.s32 @!p0 $0x88, s6;
	s7 =	simm.s32 @p2 $0x1082  }
0x22: {  	[simem:s7], [sflag:s8] =	dma.local @!p0 [hbm:s6], $0xF7A  }
0x23: {  	s9 =	sor.u32 $0xD0000000, s2;
	s6 =	simm.s32 $0x108;
	_ =	swait.ge @!p0 [sflag:s8], $0x0  }
0x24: {  	s3 =	sadd.s32 $0x88, s3;
	s6 =	simm.s32 @!p1 $0x1082;
	[sflag:s4] =	ssyncset.s32 $0xFFFFF086  }
0x25: {  	[simem:s6], [sflag:s4] =	dma.local [hbm:s3], $0xF7A  }
0x26: {  	[smem:$0x3F8E] =	sst s1;
	(tag) =	ssettag s2;
	_ =	strace s9  }
0x27: {  	s1 =	sld [smem:$0x3F9E]  }
0x28: {  	s2 =	sld [smem:$0x3F9F]  }
0x29: {  	s4 =	sld [smem:$0x3FA1]  }
0x2a: {  	p0 =	seq.s32 s5, $0x0;
	s5 =	sld [smem:$0x3FA2]  }
0x2b: {  	s6 =	sld [smem:$0x3FA3]  }
0x2c: {  	s7 =	sld [smem:$0x3FA4]  }
0x2d: {  	s3 =	simm.s32 $0x108;
	s8 =	sld [smem:$0x3FA5]  }
0x2e: {  	s3 =	simm.s32 @!p0 $0x1082;
	s9 =	sld [smem:$0x3FA6]  }
0x2f: {  	lr =	sadd.s32 s0, s3;
	s0 =	sld [smem:$0x3F9D]  }
0x30: {  	s3 =	sld [smem:$0x3FA0]  }
0x31: {  	[smem:$0x3FA9] =	sst s10  }
0x32: {  	s10 =	sld [smem:$0x3FA7];
	_ =	sdelay $0x3  }
0x33: {  	p0 =	seq.s32 s10, $0x1;
	s10 =	sld [smem:$0x3FA9];
	_ =	sdelay $0x3  }
0x34: {  	[smem:$0x3FA9] =	sst s10  }
0x35: {  	s10 =	sld [smem:$0x3FA8];
	_ =	sdelay $0x3  }
0x36: {  	p1 =	seq.s32 s10, $0x1;
	s10 =	sld [smem:$0x3FA9];
	_ =	sdelay $0x3  }
0x37: {  	[smem:$0x3FA9] =	sst s10  }
0x38: {  	s10 =	sld [smem:$0x3FAA]  }
0x39: {  	_ = 	snop;
	(pc) =	sbr.ind lr, $3  }
0x3a: {  	_ = 	snop  }
0x3b: {  	_ = 	snop  }
0x3c: {  	p2 =	seq.s32 s10, $0x1;
	s10 =	sld [smem:$0x3FA9]  }
0x3d: {  	_ =	shalt  }
0x3e: {  	_ =	shalt  }
0x3f: {  	_ =	shalt  }
0x40: {  	_ =	shalt  }
0x41: {  	_ =	shalt  }
0x42: {  	_ =	shalt  }
0x43: {  	_ =	shalt  }
0x44: {  	_ =	shalt  }
0x45: {  	_ =	shalt  }
0x46: {  	_ =	shalt  }
0x47: {  	_ =	shalt  }
0x48: {  	_ =	shalt  }
0x49: {  	_ =	shalt  }
0x4a: {  	_ =	shalt  }
0x4b: {  	_ =	shalt  }
0x4c: {  	_ =	shalt  }
0x4d: {  	_ =	shalt  }
0x4e: {  	_ =	shalt  }
0x4f: {  	_ =	shalt  }
0x50: {  	_ =	shalt  }
0x51: {  	_ =	shalt  }
0x52: {  	_ =	shalt  }
0x53: {  	_ =	shalt  }
0x54: {  	_ =	shalt  }
0x55: {  	_ =	shalt  }
0x56: {  	_ =	shalt  }
0x57: {  	_ =	shalt  }
0x58: {  	_ =	shalt  }
0x59: {  	_ =	shalt  }
0x5a: {  	_ =	shalt  }
0x5b: {  	_ =	shalt  }
0x5c: {  	_ =	shalt  }
0x5d: {  	_ =	shalt  }
0x5e: {  	_ =	shalt  }
0x5f: {  	_ =	shalt  }
0x60: {  	_ =	shalt  }
0x61: {  	_ =	shalt  }
0x62: {  	_ =	shalt  }
0x63: {  	_ =	shalt  }
0x64: {  	_ =	shalt  }
0x65: {  	_ =	shalt  }
0x66: {  	_ =	shalt  }
0x67: {  	_ =	shalt  }
0x68: {  	_ =	shalt  }
0x69: {  	_ =	shalt  }
0x6a: {  	_ =	shalt  }
0x6b: {  	_ =	shalt  }
0x6c: {  	_ =	shalt  }
0x6d: {  	_ =	shalt  }
0x6e: {  	_ =	shalt  }
0x6f: {  	_ =	shalt  }
0x70: {  	_ =	shalt  }
0x71: {  	_ =	shalt  }
0x72: {  	_ =	shalt  }
0x73: {  	_ =	shalt  }
0x74: {  	_ =	shalt  }
0x75: {  	_ =	shalt  }
0x76: {  	_ =	shalt  }
0x77: {  	_ =	shalt  }
0x78: {  	_ =	shalt  }
0x79: {  	_ =	shalt  }
0x7a: {  	_ =	shalt  }
0x7b: {  	_ =	shalt  }
0x7c: {  	_ =	shalt  }
0x7d: {  	_ =	shalt  }
0x7e: {  	_ =	shalt  }
0x7f: {  	_ =	shalt  }
0x80: {  	_ =	shalt  }
0x81: {  	_ =	shalt  }
0x82: {  	_ =	shalt  }
0x83: {  	_ =	shalt  }
0x84: {  	_ =	shalt  }
0x85: {  	_ =	shalt  }
0x86: {  	_ =	shalt  }
0x87: {  	_ =	shalt  }
.Lfunc_end0:
.L_simem_size_0:
called_computation.3_lowered:
.L_overlay_start_0:
0x88: {  	s2 =	sld [smem:$0x3FD9]  }
0x89: {  	s3 =	sld [smem:$0x3FFE];
	_ =	sdelay $0x1  }
0x8a: {  	s1 =	srdreg.scid  }
0x8b: {  	s0 =	sand.u32 $0x1, s1  }
0x8c: {  	s17 =	sshll.u32 s0, $0xA;
	s2 =	sadd.s32 s3, s2  }
0x8d: {  	s2 =	sadd.s32 s2, s17  }
0x8e: {  	[smem:$0x3FB5] =	sst s2  }
0x8f: {  	_ = 	snop  }
0x90: {  	s2 =	sld [smem:$0x3FD0];
	(tm) =	ssettm $0x1  }
0x91: {  	s18 =	sld [smem:$0x3FFB];
	_ =	sdelay $0x3  }
0x92: {  	_ =	strace s18  }
0x93: {  	s3 =	sld [smem:$0x3FFC];
	_ =	sdelay $0x3  }
0x94: {  	_ =	strace s3  }
0x95: {  	s3 =	sld [smem:$0x3FFD];
	_ =	sdelay $0x3  }
0x96: {  	_ =	strace s3  }
0x97: {  	_ =	strace $0x8FFFFFFF  }
0x98: {  	s19 =	sld [smem:$0x3FDB];
	_ =	sdelay $0x1  }
0x99: {  	s4 =	simm.s32 $_scs_section_size  }
0x9a: {  	s5 =	simm.s32 $_size__tile_overlayer_lowered;
	s6 =	simm.s32 $_tile_overlayer_lowered  }
0x9b: {  	s22 =	simm.s32 $0x1BFF;
	s21 =	sshll.u32 s6, $0x1;
	s3 =	sadd.s32 s4, s19  }
0x9c: {  	s7 =	simm.s32 $0x0;
	s20 =	sshll.u32 s5, $0x1;
	s5 =	sadd.s32 s21, s3  }
0x9d: {  	[timem:s7], [sflag:s22] =	dma.local [hbm:s5], s20  }
0x9e: {  	_ =	swait.ge [sflag:s22], s20  }
0x9f: {  	s4 =	ssub.s32 $0x0, s20;
	[sflag:s22] =	ssyncset.done $0x0  }
0xa0: {  	[sflag:s22] =	ssyncadd.s32 s4;
	_ =	sdelay $0x1  }
0xa1: {  	s23 =	simm.s32 $0x1B8B  }
0xa2: {  	_ =	swait.ge [sflag:s23], $0x1  }
0xa3: {  	[sflag:s23] =	ssyncset.done $0x0  }
0xa4: {  	s25 =	simm.s32 $0x1B8E;
	s24 =	sld [smem:$0x3FFE];
	[sflag:s23] =	ssyncadd.s32 $0xFFFFFFFF  }
0xa5: {  	s26 =	simm.s32 $execute0_lowered;
	[smem:$0x3FD2] =	sst s25  }
0xa6: {  	s5 =	sshll.u32 s26, $0x1;
	_ =	strace $0x8000004F;
	[dreg:$0x1] =	wrdreg $0xFFFFFFFF  }
0xa7: {  	s28 =	simm.s32 $_size_execute0_lowered;
	s3 =	sadd.s32 s3, s5;
	[dreg:$0x0] =	wrdreg $0x0  }
0xa8: {  	s5 =	sshll.u32 s28, $0x1;
	[dreg:$0x2] =	wrdreg s3  }
0xa9: {  	[dreg:$0x3] =	wrdreg s5  }
0xaa: {  	[dreg:$0x4] =	wrdreg $0xC0  }
0xab: {  	_ =	task [dreg:s7], $0x5FFFF  }
0xac: {  	[dreg:$0x1] =	wrdreg $0xFFFFFFFF  }
0xad: {  	[dreg:$0x0] =	wrdreg $0x60  }
0xae: {  	[dreg:$0x2] =	wrdreg s24  }
0xaf: {  	[dreg:$0x3] =	wrdreg s2  }
0xb0: {  	[dreg:$0x4] =	wrdreg $0x9  }
0xb1: {  	_ =	task.clear_ibuf [dreg:s7], $0x5FFFF;
	_ =	strace $0x9000004F  }
0xb2: {  	s29 =	simm.s32 $0x9;
	_ =	strace $0x80000051  }
0xb3: {  	_ =	swait.ge [sflag:s29], $0x1  }
0xb4: {  	[sflag:s29] =	ssyncadd.s32 $0xFFFFFFFF  }
0xb5: {  	_ =	strace $0x90000051  }
0xb6: {  	_ =	sfence  }
0xb7: {  	s30 =	sld [smem:$0x0];
	_ =	sdelay $0x2  }
0xb8: {  	s31 =	sshll.u32 s1, $0xD;
	s1 =	sshrl.u32 s1, $0x2  }
0xb9: {  	s3 =	sand.u32 $0x4000, s31;
	s1 =	sadd.s32 s1, s30  }
0xba: {  	s0 =	sor.u32 s3, s0;
	s1 =	sshll.u32 s1, $0x11  }
0xbb: {  	s0 =	sor.u32 s1, s0  }
0xbc: {  	s0 =	sadd.s32 $0x8F2B, s0  }
0xbd: {  	[sflag:s0] =	ssyncadd.remote.s32 $0x1  }
0xbe: {  	_ =	sfence.sel $0xFFFF  }
0xbf: {  	[dreg:$0x0] =	wrdreg $0xFFFFFFFF;
	(pc) =	sbr.abs _section_cstart, $3  }
0xc0: {  	[dreg:$0x1] =	wrdreg $0xFFFFFFFF  }
0xc1: {  	_ =	task.clear_ibuf [dreg:s7], $0x2FFFF;
	_ =	strace $0x9FFFFFFF  }
0xc2: {  	(tm) =	ssettm $0x7FFFFFFF  }
0xc3: {  	_ =	shalt  }
tec
execute0_lowered:
.L_overlay_start_1:
0x0: {  	(tag) =	ssettag $0x1  }
0x1: {  	s1 =	srdreg.scid  }
0x2: {  	s0 =	stileid.u32;
	s6 =	rddreg [dreg:$0x0]  }
0x3: {  	s2 =	rddreg [dreg:$0x1];
	s3 =	simm.s32 $0x0;
	s16 =	simm.s32 $0x1  }
0x4: {  	s17 =	simm.s32 $0x9E00;
	s18 =	simm.s32 $0x2780;
	s19 =	simm.s32 $0xC580  }
0x5: {  	s20 =	simm.s32 $0x4F00;
	s21 =	simm.s32 $0xED00;
	s22 =	simm.s32 $0x7680  }
0x6: {  	s23 =	simm.s32 $0x11480;
	s24 =	simm.s32 $0x13C00;
	s25 =	simm.s32 $0x15C00  }
0x7: {  	s26 =	simm.s32 $0x0;
	s5 =	sand.u32 $0x1, s1;
	s1 =	rddreg [dreg:$0x2]  }
0x8: {  	s29 =	sshll.u32 s0, $0x1;
	[smem:$0x7FF] =	sst s3;
	s31 =	sshrl.u32 s0, $0x2  }
0x9: {  	s4 =	sor.u32 s5, s29;
	_ =	strace $0x80000050;
	s30 =	ssub.s32 $0x2, s5  }
0xa: {  	s5 =	sadd.s32 $0x3A00, s6;
	s7 =	sand.u32 $0x7, s4;
	s8 =	smul.u32 $0x9C40, s4  }
0xb: {  	s4 =	sadd.s32 $0x17800, s6;
	s10 =	sshrl.u32 s30, $0x1;
	s7 =	smul.u32 $0x9C40, s7  }
0xc: {  	s15 =	ssub.s32 s30, s10;
	s10 =	smul.u32 $0x14000, s31;
	s8 =	sshrl.u32 s8, $0x3  }
0xd: {  	s15 =	smax.u32 s15, $0x1;
	s7 =	sshrl.u32 s7, $0x3;
	s14 =	sadd.s32 s8, s6  }
0xe: {  	s9 =	sadd.s32 s7, s6;
	s11 =	sadd.s32 $0x21800, s14;
	s12 =	sadd.s32 $0x21CE2, s14  }
0xf: {  	s13 =	sadd.s32 $0x221C4, s14;
	s14 =	sadd.s32 $0x226A6, s14;
	s6 =	sadd.s32 $0xDA00, s9  }
0x10: {  	s7 =	sadd.s32 $0xDEE2, s9;
	s8 =	sadd.s32 $0xE3C4, s9;
	s9 =	sadd.s32 $0xE8A6, s9  }
.LBB2_1:
0x11: {  	[tilespmem:s3], [sflag:$0x1] =	stream.linear.gather [hbm4b:s6+s3], $0x2710, $0x38;
	[tilespmem:$0x17C00] =	vst v63  }
0x12: {  	_ =	swait.ge [sflag:s16], $0x2710  }
0x13: {  	[sflag:s16] =	ssyncset.done $0x0  }
0x14: {  	[sflag:s16] =	ssyncadd.s32 $0xFFFFD8F0  }
0x15: {  	[tilespmem:s17], [sflag:$0x1] =	stream.linear.gather [hbm4b:s2+s3], $0x2780, $0x38;
	[tilespmem:$0x17C00] =	vst v63  }
0x16: {  	_ =	swait.ge [sflag:s16], $0x2780  }
0x17: {  	[sflag:s16] =	ssyncset.done $0x0  }
0x18: {  	[sflag:s16] =	ssyncadd.s32 $0xFFFFD880  }
0x19: {  	[tilespmem:s18], [sflag:$0x1] =	stream.linear.gather [hbm4b:s7+s3], $0x2710, $0x38;
	[tilespmem:$0x17C00] =	vst v63  }
0x1a: {  	_ =	swait.ge [sflag:s16], $0x2710  }
0x1b: {  	[sflag:s16] =	ssyncset.done $0x0  }
0x1c: {  	[sflag:s16] =	ssyncadd.s32 $0xFFFFD8F0  }
0x1d: {  	[tilespmem:s19], [sflag:$0x1] =	stream.linear.gather [hbm4b:s2+s3], $0x2780, $0x38;
	[tilespmem:$0x17C00] =	vst v63  }
0x1e: {  	_ =	swait.ge [sflag:s16], $0x2780  }
0x1f: {  	[sflag:s16] =	ssyncset.done $0x0  }
0x20: {  	[sflag:s16] =	ssyncadd.s32 $0xFFFFD880  }
0x21: {  	[tilespmem:s20], [sflag:$0x1] =	stream.linear.gather [hbm4b:s8+s3], $0x2710, $0x38;
	[tilespmem:$0x17C00] =	vst v63  }
0x22: {  	_ =	swait.ge [sflag:s16], $0x2710  }
0x23: {  	[sflag:s16] =	ssyncset.done $0x0  }
0x24: {  	[sflag:s16] =	ssyncadd.s32 $0xFFFFD8F0  }
0x25: {  	[tilespmem:s21], [sflag:$0x1] =	stream.linear.gather [hbm4b:s2+s3], $0x2780, $0x38;
	[tilespmem:$0x17C00] =	vst v63  }
0x26: {  	_ =	swait.ge [sflag:s16], $0x2780  }
0x27: {  	[sflag:s16] =	ssyncset.done $0x0  }
0x28: {  	[sflag:s16] =	ssyncadd.s32 $0xFFFFD880  }
0x29: {  	[tilespmem:s22], [sflag:$0x1] =	stream.linear.gather [hbm4b:s9+s3], $0x2710, $0x38;
	[tilespmem:$0x17C00] =	vst v63  }
0x2a: {  	_ =	swait.ge [sflag:s16], $0x2710  }
0x2b: {  	[sflag:s16] =	ssyncset.done $0x0  }
0x2c: {  	[sflag:s16] =	ssyncadd.s32 $0xFFFFD8F0  }
0x2d: {  	[tilespmem:s23], [sflag:$0x1] =	stream.linear.gather [hbm4b:s2+s3], $0x2780, $0x38;
	[tilespmem:$0x17C00] =	vst v63  }
0x2e: {  	_ =	swait.ge [sflag:s16], $0x2780  }
0x2f: {  	v1 =	vimm.f32 $0.0e+00;
	v0 =	vimm.s32 $0x0;
	[sflag:s16] =	ssyncset.done $0x0  }
0x30: {  	v2 =	vimm.f32 $0.0e+00;
	v3 =	vimm.f32 $0.0e+00;
	v4 =	vimm.f32 $0.0e+00;
	s28 =	simm.s32 $0x0;
	[sflag:s16] =	ssyncadd.s32 $0xFFFFD880  }
.LBB2_2:
0x31: {  	s29 =	sshll.u32 s28, $0xD  }
0x32: {  	s29 =	sadd.s32 s10, s29  }
0x33: {  	s29 =	sshrl.u32 s29, $0x3  }
0x34: {  	s30 =	sadd.s32 s4, s29  }
0x35: {  	[tilespmem:s24], [sflag:$0x1] =	stream.linear.gather [hbm4b:s30+s3], $0x2000, $0x38;
	[tilespmem:$0x17C00] =	vst v63  }
0x36: {  	_ =	swait.ge [sflag:s16], $0x2000  }
0x37: {  	[sflag:s16] =	ssyncset.done $0x0  }
0x38: {  	s29 =	sadd.s32 s5, s29;
	[sflag:s16] =	ssyncadd.s32 $0xFFFFE000  }
0x39: {  	[tilespmem:s25], [sflag:$0x1] =	stream.linear.gather [hbm4b:s29+s3], $0x2000, $0x38;
	[tilespmem:$0x17C00] =	vst v63  }
0x3a: {  	_ =	swait.ge [sflag:s16], $0x2000  }
0x3b: {  	s31 =	simm.s32 $0x15C40;
	[sflag:s16] =	ssyncset.done $0x0  }
0x3c: {  	s30 =	simm.s32 $0x13C40;
	s29 =	simm.s32 $0xFFFFFFF8;
	[sflag:s16] =	ssyncadd.s32 $0xFFFFE000  }
.LBB2_3:
0x3d: {  	_ =	sdelay $0x2  }
0x3e: {  	[tilespmem:v0+s17+$0x0] =	vst.idx.add.f32.msk $0xffff, v4  }
0x3f: {  	[tilespmem:v0+s19+$0x0] =	vst.idx.add.f32.msk $0xffff, v3  }
0x40: {  	[tilespmem:v0+s21+$0x0] =	vst.idx.add.f32.msk $0xffff, v2  }
0x41: {  	[tilespmem:v0+s23+$0x0] =	vst.idx.add.f32.msk $0xffff, v1  }
0x42: {  	v0 =	vld [tilespmem:s30+$0xFFFFFFC0];
	_ =	sdelay $0x4  }
0x43: {  	vm0 =	vgt.s32 v0, $0x0  }
0x44: {  	v1 =	vld [tilespmem:s31+$0xFFFFFFC0];
	v2 =	vnsel vm0, $0x0, v0;
	_ =	sdelay $0x4  }
0x45: {  	vm6 =	vgt.s32 v1, $0x0;
	v3 =	vld.idx.msk [tilespmem:v2+s3+$0x0], $0xffff  }
0x46: {  	v1 =	vnsel vm6, $0x0, v1;
	v4 =	vld.idx.msk [tilespmem:v2+s18+$0x0], $0xffff  }
0x47: {  	v5 =	vld.idx.msk [tilespmem:v2+s20+$0x0], $0xffff  }
0x48: {  	v2 =	vld.idx.msk [tilespmem:v2+s22+$0x0], $0xffff  }
0x49: {  	vm7 =	vgt.s32 v0, $0xFFFFFFFF  }
0x4a: {  	v0 =	vnsel vm7, $0x0, v3  }
0x4b: {  	v3 =	vnsel vm7, $0x0, v4;
	[tilespmem:v1+s17+$0x0] =	vst.idx.add.f32.msk $0xffff, v0  }
0x4c: {  	v0 =	vnsel vm7, $0x0, v5;
	[tilespmem:v1+s19+$0x0] =	vst.idx.add.f32.msk $0xffff, v3  }
0x4d: {  	v2 =	vnsel vm7, $0x0, v2;
	[tilespmem:v1+s21+$0x0] =	vst.idx.add.f32.msk $0xffff, v0  }
0x4e: {  	[tilespmem:v1+s23+$0x0] =	vst.idx.add.f32.msk $0xffff, v2  }
0x4f: {  	v0 =	vld [tilespmem:s30+$0xFFFFFFD0];
	_ =	sdelay $0x4  }
0x50: {  	vm8 =	vgt.s32 v0, $0x0  }
0x51: {  	v1 =	vld [tilespmem:s31+$0xFFFFFFD0];
	v2 =	vnsel vm8, $0x0, v0;
	_ =	sdelay $0x4  }
0x52: {  	vm9 =	vgt.s32 v1, $0x0;
	v3 =	vld.idx.msk [tilespmem:v2+s3+$0x0], $0xffff  }
0x53: {  	v1 =	vnsel vm9, $0x0, v1;
	v4 =	vld.idx.msk [tilespmem:v2+s18+$0x0], $0xffff  }
0x54: {  	v5 =	vld.idx.msk [tilespmem:v2+s20+$0x0], $0xffff  }
0x55: {  	v2 =	vld.idx.msk [tilespmem:v2+s22+$0x0], $0xffff  }
0x56: {  	vm10 =	vgt.s32 v0, $0xFFFFFFFF  }
0x57: {  	v0 =	vnsel vm10, $0x0, v3  }
0x58: {  	v3 =	vnsel vm10, $0x0, v4;
	[tilespmem:v1+s17+$0x0] =	vst.idx.add.f32.msk $0xffff, v0  }
0x59: {  	v0 =	vnsel vm10, $0x0, v5;
	[tilespmem:v1+s19+$0x0] =	vst.idx.add.f32.msk $0xffff, v3  }
0x5a: {  	v2 =	vnsel vm10, $0x0, v2;
	[tilespmem:v1+s21+$0x0] =	vst.idx.add.f32.msk $0xffff, v0  }
0x5b: {  	[tilespmem:v1+s23+$0x0] =	vst.idx.add.f32.msk $0xffff, v2  }
0x5c: {  	v0 =	vld [tilespmem:s30+$0xFFFFFFE0];
	_ =	sdelay $0x4  }
0x5d: {  	vm11 =	vgt.s32 v0, $0x0  }
0x5e: {  	v1 =	vld [tilespmem:s31+$0xFFFFFFE0];
	v2 =	vnsel vm11, $0x0, v0;
	_ =	sdelay $0x4  }
0x5f: {  	vm12 =	vgt.s32 v1, $0x0;
	v3 =	vld.idx.msk [tilespmem:v2+s3+$0x0], $0xffff  }
0x60: {  	v1 =	vnsel vm12, $0x0, v1;
	v4 =	vld.idx.msk [tilespmem:v2+s18+$0x0], $0xffff  }
0x61: {  	v5 =	vld.idx.msk [tilespmem:v2+s20+$0x0], $0xffff  }
0x62: {  	v2 =	vld.idx.msk [tilespmem:v2+s22+$0x0], $0xffff  }
0x63: {  	vm13 =	vgt.s32 v0, $0xFFFFFFFF  }
0x64: {  	v0 =	vnsel vm13, $0x0, v3  }
0x65: {  	v3 =	vnsel vm13, $0x0, v4;
	[tilespmem:v1+s17+$0x0] =	vst.idx.add.f32.msk $0xffff, v0  }
0x66: {  	v0 =	vnsel vm13, $0x0, v5;
	[tilespmem:v1+s19+$0x0] =	vst.idx.add.f32.msk $0xffff, v3  }
0x67: {  	v2 =	vnsel vm13, $0x0, v2;
	[tilespmem:v1+s21+$0x0] =	vst.idx.add.f32.msk $0xffff, v0  }
0x68: {  	[tilespmem:v1+s23+$0x0] =	vst.idx.add.f32.msk $0xffff, v2  }
0x69: {  	v0 =	vld [tilespmem:s30+$0xFFFFFFF0];
	_ =	sdelay $0x4  }
0x6a: {  	vm14 =	vgt.s32 v0, $0x0  }
0x6b: {  	v1 =	vld [tilespmem:s31+$0xFFFFFFF0];
	v2 =	vnsel vm14, $0x0, v0;
	_ =	sdelay $0x4  }
0x6c: {  	vm15 =	vgt.s32 v1, $0x0;
	v3 =	vld.idx.msk [tilespmem:v2+s3+$0x0], $0xffff  }
0x6d: {  	v1 =	vnsel vm15, $0x0, v1;
	v4 =	vld.idx.msk [tilespmem:v2+s18+$0x0], $0xffff  }
0x6e: {  	v5 =	vld.idx.msk [tilespmem:v2+s20+$0x0], $0xffff  }
0x6f: {  	v2 =	vld.idx.msk [tilespmem:v2+s22+$0x0], $0xffff  }
0x70: {  	vm4 =	vgt.s32 v0, $0xFFFFFFFF  }
0x71: {  	v0 =	vnsel vm4, $0x0, v3  }
0x72: {  	v3 =	vnsel vm4, $0x0, v4;
	[tilespmem:v1+s17+$0x0] =	vst.idx.add.f32.msk $0xffff, v0  }
0x73: {  	v0 =	vnsel vm4, $0x0, v5;
	[tilespmem:v1+s19+$0x0] =	vst.idx.add.f32.msk $0xffff, v3  }
0x74: {  	v2 =	vnsel vm4, $0x0, v2;
	[tilespmem:v1+s21+$0x0] =	vst.idx.add.f32.msk $0xffff, v0  }
0x75: {  	[tilespmem:v1+s23+$0x0] =	vst.idx.add.f32.msk $0xffff, v2  }
0x76: {  	v0 =	vld [tilespmem:s30+$0x0];
	_ =	sdelay $0x4  }
0x77: {  	vm5 =	vgt.s32 v0, $0x0  }
0x78: {  	v1 =	vld [tilespmem:s31+$0x0];
	v2 =	vnsel vm5, $0x0, v0;
	_ =	sdelay $0x4  }
0x79: {  	vm6 =	vgt.s32 v1, $0x0;
	v3 =	vld.idx.msk [tilespmem:v2+s3+$0x0], $0xffff  }
0x7a: {  	v1 =	vnsel vm6, $0x0, v1;
	v4 =	vld.idx.msk [tilespmem:v2+s18+$0x0], $0xffff  }
0x7b: {  	v5 =	vld.idx.msk [tilespmem:v2+s20+$0x0], $0xffff  }
0x7c: {  	v2 =	vld.idx.msk [tilespmem:v2+s22+$0x0], $0xffff  }
0x7d: {  	vm7 =	vgt.s32 v0, $0xFFFFFFFF  }
0x7e: {  	v0 =	vnsel vm7, $0x0, v3  }
0x7f: {  	v3 =	vnsel vm7, $0x0, v4;
	[tilespmem:v1+s17+$0x0] =	vst.idx.add.f32.msk $0xffff, v0  }
0x80: {  	v0 =	vnsel vm7, $0x0, v5;
	[tilespmem:v1+s19+$0x0] =	vst.idx.add.f32.msk $0xffff, v3  }
0x81: {  	v2 =	vnsel vm7, $0x0, v2;
	[tilespmem:v1+s21+$0x0] =	vst.idx.add.f32.msk $0xffff, v0  }
0x82: {  	[tilespmem:v1+s23+$0x0] =	vst.idx.add.f32.msk $0xffff, v2  }
0x83: {  	v0 =	vld [tilespmem:s30+$0x10];
	_ =	sdelay $0x4  }
0x84: {  	vm8 =	vgt.s32 v0, $0x0  }
0x85: {  	v1 =	vld [tilespmem:s31+$0x10];
	v2 =	vnsel vm8, $0x0, v0;
	_ =	sdelay $0x4  }
0x86: {  	vm9 =	vgt.s32 v1, $0x0;
	v3 =	vld.idx.msk [tilespmem:v2+s3+$0x0], $0xffff  }
0x87: {  	v1 =	vnsel vm9, $0x0, v1;
	v4 =	vld.idx.msk [tilespmem:v2+s18+$0x0], $0xffff  }
0x88: {  	v5 =	vld.idx.msk [tilespmem:v2+s20+$0x0], $0xffff  }
0x89: {  	v2 =	vld.idx.msk [tilespmem:v2+s22+$0x0], $0xffff  }
0x8a: {  	vm10 =	vgt.s32 v0, $0xFFFFFFFF  }
0x8b: {  	v0 =	vnsel vm10, $0x0, v3  }
0x8c: {  	v3 =	vnsel vm10, $0x0, v4;
	[tilespmem:v1+s17+$0x0] =	vst.idx.add.f32.msk $0xffff, v0  }
0x8d: {  	v0 =	vnsel vm10, $0x0, v5;
	[tilespmem:v1+s19+$0x0] =	vst.idx.add.f32.msk $0xffff, v3  }
0x8e: {  	v2 =	vnsel vm10, $0x0, v2;
	[tilespmem:v1+s21+$0x0] =	vst.idx.add.f32.msk $0xffff, v0  }
0x8f: {  	[tilespmem:v1+s23+$0x0] =	vst.idx.add.f32.msk $0xffff, v2  }
0x90: {  	v0 =	vld [tilespmem:s30+$0x20];
	_ =	sdelay $0x4  }
0x91: {  	vm11 =	vgt.s32 v0, $0x0  }
0x92: {  	v1 =	vld [tilespmem:s31+$0x20];
	v2 =	vnsel vm11, $0x0, v0;
	_ =	sdelay $0x4  }
0x93: {  	vm12 =	vgt.s32 v1, $0x0;
	v3 =	vld.idx.msk [tilespmem:v2+s3+$0x0], $0xffff  }
0x94: {  	v1 =	vnsel vm12, $0x0, v1;
	v4 =	vld.idx.msk [tilespmem:v2+s18+$0x0], $0xffff  }
0x95: {  	v5 =	vld.idx.msk [tilespmem:v2+s20+$0x0], $0xffff  }
0x96: {  	v2 =	vld.idx.msk [tilespmem:v2+s22+$0x0], $0xffff  }
0x97: {  	vm13 =	vgt.s32 v0, $0xFFFFFFFF  }
0x98: {  	v0 =	vnsel vm13, $0x0, v3  }
0x99: {  	v3 =	vnsel vm13, $0x0, v4;
	[tilespmem:v1+s17+$0x0] =	vst.idx.add.f32.msk $0xffff, v0  }
0x9a: {  	v0 =	vnsel vm13, $0x0, v5;
	[tilespmem:v1+s19+$0x0] =	vst.idx.add.f32.msk $0xffff, v3  }
0x9b: {  	v2 =	vnsel vm13, $0x0, v2;
	[tilespmem:v1+s21+$0x0] =	vst.idx.add.f32.msk $0xffff, v0  }
0x9c: {  	[tilespmem:v1+s23+$0x0] =	vst.idx.add.f32.msk $0xffff, v2  }
0x9d: {  	v0 =	vld [tilespmem:s30+$0x30];
	_ =	sdelay $0x4  }
0x9e: {  	vm14 =	vgt.s32 v0, $0x0  }
0x9f: {  	v1 =	vnsel vm14, $0x0, v0;
	_ =	sdelay $0x3  }
0xa0: {  	v2 =	vld [tilespmem:s31+$0x30]  }
0xa1: {  	v3 =	vld.idx.msk [tilespmem:v1+s3+$0x0], $0xffff  }
0xa2: {  	v5 =	vld.idx.msk [tilespmem:v1+s18+$0x0], $0xffff  }
0xa3: {  	s29 =	sadd.s32 $0x8, s29;
	v6 =	vld.idx.msk [tilespmem:v1+s20+$0x0], $0xffff  }
0xa4: {  	p0 =	slt.u32 s29, $0x1F8;
	v1 =	vld.idx.msk [tilespmem:v1+s22+$0x0], $0xffff  }
.Ltmp0:
0xa5: {  	_ = 	snop;
	(pc) =	sbr.rel @p0 .LBB2_3-.Ltmp0, $4  }
0xa6: {  	_ = 	snop  }
0xa7: {  	vm15 =	vgt.s32 v0, $0xFFFFFFFF;
	vm1 =	vgt.s32 v2, $0x0  }
0xa8: {  	v0 =	vnsel vm1, $0x0, v2;
	v4 =	vnsel vm15, $0x0, v3  }
0xa9: {  	s30 =	sadd.s32 $0x80, s30;
	s31 =	sadd.s32 $0x80, s31;
	v3 =	vnsel vm15, $0x0, v5;
	v2 =	vnsel vm15, $0x0, v6;
	v1 =	vnsel vm15, $0x0, v1  }
0xaa: {  	s28 =	sadd.s32 $0x1, s28  }
0xab: {  	p0 =	sne.s32 s28, $0xA  }
.Ltmp1:
0xac: {  	_ = 	snop;
	(pc) =	sbr.rel @p0 .LBB2_2-.Ltmp1, $1  }
0xad: {  	_ =	sdelay $0x3  }
0xae: {  	_ =	sdelay $0x3  }
0xaf: {  	[tilespmem:v0+s17+$0x0] =	vst.idx.add.f32.msk $0xffff, v4  }
0xb0: {  	[tilespmem:v0+s19+$0x0] =	vst.idx.add.f32.msk $0xffff, v3  }
0xb1: {  	[tilespmem:v0+s21+$0x0] =	vst.idx.add.f32.msk $0xffff, v2  }
0xb2: {  	[tilespmem:v0+s23+$0x0] =	vst.idx.add.f32.msk $0xffff, v1  }
0xb3: {  	[hbm4b:s11+s3] =	stream.linear.scatter [tilespmem:s17], [sflag:$0x1], $0x2710, $0x38;
	[tilespmem:$0x17C00] =	vst v63  }
0xb4: {  	_ =	swait.ge [sflag:s16], $0x2710  }
0xb5: {  	[sflag:s16] =	ssyncset.done $0x0  }
0xb6: {  	[sflag:s16] =	ssyncadd.s32 $0xFFFFD8F0  }
0xb7: {  	[hbm4b:s12+s3] =	stream.linear.scatter [tilespmem:s19], [sflag:$0x1], $0x2710, $0x38;
	[tilespmem:$0x17C00] =	vst v63  }
0xb8: {  	_ =	swait.ge [sflag:s16], $0x2710  }
0xb9: {  	[sflag:s16] =	ssyncset.done $0x0  }
0xba: {  	[sflag:s16] =	ssyncadd.s32 $0xFFFFD8F0  }
0xbb: {  	[hbm4b:s13+s3] =	stream.linear.scatter [tilespmem:s21], [sflag:$0x1], $0x2710, $0x38;
	[tilespmem:$0x17C00] =	vst v63  }
0xbc: {  	s26 =	sadd.s32 $0x1, s26;
	_ =	swait.ge [sflag:s16], $0x2710  }
0xbd: {  	p0 =	sne.s32 s26, s15;
	[sflag:s16] =	ssyncset.done $0x0  }
.Ltmp2:
0xbe: {  	[sflag:s16] =	ssyncadd.s32 $0xFFFFD8F0;
	(pc) =	sbr.rel @p0 .LBB2_1-.Ltmp2, $4  }
0xbf: {  	[hbm4b:s14+s3] =	stream.linear.scatter [tilespmem:s23], [sflag:$0x1], $0x2710, $0x38;
	[tilespmem:$0x17C00] =	vst v63  }
0xc0: {  	_ =	swait.ge [sflag:s16], $0x2710  }
0xc1: {  	[sflag:s16] =	ssyncset.done $0x0  }
0xc2: {  	[sflag:s16] =	ssyncadd.s32 $0xFFFFD8F0  }
0xc3: {  	_ =	sfence.sel $0x180000  }
0xc4: {  	[bflag:$0x0] =	sbarrier.arrive $0xFFFF  }
0xc5: {  	p0 =	sne.s32 s0, $0x0;
	_ =	strace $0x90000050  }
0xc6: {  	s0 =	sadd.s32 @!p0 $0x100000, s1;
	[bflag:$0x2] =	sbarrier.arrive $0xFFFF  }
0xc7: {  	[sflag:s0] =	ssyncadd.tile.s32 @!p0 $0x1;
	_ =	shalt  }
.Lfunc_end2:
_tile_overlayer_lowered:
.L_overlay_start_2:
0xc8: {  	(tag) =	ssettag $0x2  }
0xc9: {  	s0 =	rddreg [dreg:$0x0];
	s2 =	stileid.u32  }
0xca: {  	s1 =	rddreg [dreg:$0x1];
	p0 =	sne.s32 s2, $0x0  }
0xcb: {  	s3 =	rddreg [dreg:$0x2];
	[bflag:$0x3] =	sbarrier.arrive $0xFFFF;
	s2 =	simm.s32 @!p0 $0x1C01  }
0xcc: {  	[timem:s3], [sflag:s2] =	dma.local @!p0 [hbm:s0], s1  }
0xcd: {  	s0 =	simm.s32 @!p0 $0x1  }
0xce: {  	_ =	swait.ge @!p0 [sflag:s0], s1  }
0xcf: {  	s1 =	ssub.s32 @!p0 $0x0, s1;
	[sflag:s0] =	ssyncset.done @!p0 $0x0  }
0xd0: {  	[sflag:s0] =	ssyncadd.s32 @!p0 s1  }
0xd1: {  	[bflag:$0x3] =	sbarrier.arrive $0xFFFF  }
0xd2: {  	_ =	shalt  }

</sc_bundles>
